<compile_context>
chip_gen: v7x
topology: tpu7x:2x2x1
jax: 0.10.2.dev20260603
libtpu: 0.0.44.dev20260713+nightly
codegen_flags: <defaults>
</compile_context>

<pallas_src>
import functools

import numpy as np

import jax
import jax.numpy as jnp
from jax import lax
from jax.experimental import pallas as pl
from jax.experimental.pallas import tpu as pltpu
from jax.experimental.pallas import tpu_sc as plsc

N = 10000
E = 320000
NC = 2
NS = 16
NW = NC * NS
CHUNK = 80
CH = E // NW // CHUNK
NP = 10240
RPS = NP // NS
NBUF = 5
BLK = 2000

_Z16 = np.zeros((NP, 16), np.float32)
_Z32 = np.zeros((NP, 32), np.float32)
_Z64 = np.zeros((NP, 64), np.float32)


def _vmesh():
    return plsc.VectorSubcoreMesh(core_axis_name="c", subcore_axis_name="s")


_SC_PARAMS = pltpu.CompilerParams(use_tc_tiling_on_sc=False)



def _deg_pass(edges4):
    @functools.partial(
        pl.kernel,
        out_type=jax.ShapeDtypeStruct((NC, NP, 16), jnp.float32),
        mesh=_vmesh(),
        scratch_types=[
            pltpu.VMEM((CH, CHUNK), jnp.int32),
            pltpu.VMEM((CHUNK, 16), jnp.float32),
            pltpu.VMEM_SHARED((NP, 16), jnp.float32),
            pltpu.SemaphoreType.DMA((NBUF,)),
        ],
        compiler_params=_SC_PARAMS,
    )
    def k(zeros_hbm, er_hbm, out_hbm, dstv, ones_v, acc_sp, ssem):
        c = lax.axis_index("c")
        s = lax.axis_index("s")
        w = c * NS + s
        row = jnp.where(lax.iota(jnp.int32, 16) == 0, 1.0, 0.0).astype(jnp.float32)

        @pl.loop(0, CHUNK)
        def _(i):
            ones_v[i] = row

        pltpu.sync_copy(zeros_hbm.at[pl.ds(s * RPS, RPS)],
                        acc_sp.at[pl.ds(s * RPS, RPS)])
        pltpu.sync_copy(er_hbm.at[1].at[w], dstv)
        plsc.subcore_barrier()

        @pl.loop(0, CH, step=NBUF)
        def _(j):
            descs = [pltpu.async_copy(ones_v, acc_sp.at[dstv.at[j + b]],
                                      ssem.at[b], add=True)
                     for b in range(NBUF)]
            for d in descs:
                d.wait()

        plsc.subcore_barrier()
        pltpu.sync_copy(acc_sp.at[pl.ds(s * RPS, RPS)],
                        out_hbm.at[c].at[pl.ds(s * RPS, RPS)])

    return k(_Z16, edges4)



def _segsum_pass(table, edges4, D):
    @functools.partial(
        pl.kernel,
        out_type=jax.ShapeDtypeStruct((NC, NP, D), jnp.float32),
        mesh=_vmesh(),
        scratch_types=[
            pltpu.VMEM((CH, CHUNK), jnp.int32),
            pltpu.VMEM((CH, CHUNK), jnp.int32),
            pltpu.VMEM((NBUF, CHUNK, D), jnp.float32),
            pltpu.VMEM_SHARED((NP, D), jnp.float32),
            pltpu.SemaphoreType.DMA((NBUF,)),
            pltpu.SemaphoreType.DMA((NBUF,)),
        ],
        compiler_params=_SC_PARAMS,
    )
    def k(table_hbm, er_hbm, zeros_hbm, out_hbm,
          srcv, dstv, rows, acc_sp, gsem, ssem):
        c = lax.axis_index("c")
        s = lax.axis_index("s")
        w = c * NS + s
        pltpu.sync_copy(zeros_hbm.at[pl.ds(s * RPS, RPS)],
                        acc_sp.at[pl.ds(s * RPS, RPS)])
        pltpu.sync_copy(er_hbm.at[0].at[w], srcv)
        pltpu.sync_copy(er_hbm.at[1].at[w], dstv)
        plsc.subcore_barrier()

        for b in range(NBUF):
            pltpu.async_copy(table_hbm.at[srcv.at[b]], rows.at[b], gsem.at[b])

        @pl.loop(0, CH, step=NBUF)
        def _(j):
            descs = []
            for b in range(NBUF):
                pltpu.make_async_copy(table_hbm.at[srcv.at[j + b]],
                                      rows.at[b], gsem.at[b]).wait()
                descs.append(pltpu.async_copy(
                    rows.at[b], acc_sp.at[dstv.at[j + b]], ssem.at[b],
                    add=True))
            for b in range(NBUF):
                descs[b].wait()

                @pl.when(j + NBUF + b < CH)
                def _():
                    pltpu.async_copy(table_hbm.at[srcv.at[j + NBUF + b]],
                                     rows.at[b], gsem.at[b])

        plsc.subcore_barrier()
        pltpu.sync_copy(acc_sp.at[pl.ds(s * RPS, RPS)],
                        out_hbm.at[c].at[pl.ds(s * RPS, RPS)])

    return k(table, edges4, _Z64 if D == 64 else _Z32)



def _tc_layer1(x, W1, deg_parts):
    def body(x_ref, w_ref, deg_ref, dinv_ref, ys_ref):
        d = deg_ref[0, :, 0] + deg_ref[1, :, 0] + 1.0
        dinv = lax.rsqrt(jnp.maximum(d, 1.0))
        dinv_ref[...] = dinv[:, None]
        y = jnp.dot(x_ref[...], w_ref[...], preferred_element_type=jnp.float32)
        ys_ref[...] = y * dinv[:, None]

    return pl.pallas_call(
        body,
        grid=(N // BLK,),
        in_specs=[pl.BlockSpec((BLK, 128), lambda i: (i, 0)),
                  pl.BlockSpec((128, 64), lambda i: (0, 0)),
                  pl.BlockSpec((NC, BLK, 16), lambda i: (0, i, 0))],
        out_specs=[pl.BlockSpec((BLK, 1), lambda i: (i, 0)),
                   pl.BlockSpec((BLK, 64), lambda i: (i, 0))],
        out_shape=[jax.ShapeDtypeStruct((N, 1), jnp.float32),
                   jax.ShapeDtypeStruct((N, 64), jnp.float32)],
    )(x, W1, deg_parts)


def _tc_layer2(acc1, y1s, dinv, b1, W2):
    def body(acc_ref, ys_ref, dinv_ref, b_ref, w_ref, o_ref):
        t = acc_ref[0] + acc_ref[1] + ys_ref[...]
        h1 = jnp.maximum(t * dinv_ref[...] + b_ref[...], 0.0)
        y2 = jnp.dot(h1, w_ref[...], preferred_element_type=jnp.float32)
        o_ref[...] = y2 * dinv_ref[...]

    return pl.pallas_call(
        body,
        grid=(N // BLK,),
        in_specs=[pl.BlockSpec((NC, BLK, 64), lambda i: (0, i, 0)),
                  pl.BlockSpec((BLK, 64), lambda i: (i, 0)),
                  pl.BlockSpec((BLK, 1), lambda i: (i, 0)),
                  pl.BlockSpec((1, 64), lambda i: (0, 0)),
                  pl.BlockSpec((64, 32), lambda i: (0, 0))],
        out_specs=pl.BlockSpec((BLK, 32), lambda i: (i, 0)),
        out_shape=jax.ShapeDtypeStruct((N, 32), jnp.float32),
    )(acc1, y1s, dinv, b1, W2)


def _tc_finalize(acc2, y2s, dinv, b2, wa_row, ba):
    def body(acc_ref, ys_ref, dinv_ref, b_ref, wa_ref, ba_ref, o_ref):
        t = acc_ref[0] + acc_ref[1] + ys_ref[...]
        h2 = jnp.maximum(t * dinv_ref[...] + b_ref[...], 0.0)
        logit = jnp.sum(h2 * wa_ref[...], axis=1, keepdims=True) + ba_ref[...]
        o_ref[...] = h2 * jax.nn.sigmoid(logit)

    return pl.pallas_call(
        body,
        grid=(N // BLK,),
        in_specs=[pl.BlockSpec((NC, BLK, 32), lambda i: (0, i, 0)),
                  pl.BlockSpec((BLK, 32), lambda i: (i, 0)),
                  pl.BlockSpec((BLK, 1), lambda i: (i, 0)),
                  pl.BlockSpec((1, 32), lambda i: (0, 0)),
                  pl.BlockSpec((1, 32), lambda i: (0, 0)),
                  pl.BlockSpec((1, 1), lambda i: (0, 0))],
        out_specs=pl.BlockSpec((BLK, 32), lambda i: (i, 0)),
        out_shape=jax.ShapeDtypeStruct((N, 32), jnp.float32),
    )(acc2, y2s, dinv, b2, wa_row, ba)


def kernel(x, edge_index, W1, b1, W2, b2, Wa, ba):
    edges4 = edge_index.reshape(2, NW, CH, CHUNK)

    deg_parts = _deg_pass(edges4)
    dinv, y1s = _tc_layer1(x, W1, deg_parts)
    acc1 = _segsum_pass(y1s, edges4, 64)
    y2s = _tc_layer2(acc1, y1s, dinv, b1.reshape(1, 64), W2)
    acc2 = _segsum_pass(y2s, edges4, 32)
    return _tc_finalize(acc2, y2s, dinv, b2.reshape(1, 32),
                        Wa.reshape(1, 32), ba.reshape(1, 1))

# --- scband reference (transcript-rebuilt; emitter-appended) ---
"""Pipeline reference for scband-data-aware-fgcn-3281355014629 (READ-ONLY COPY).

The authoritative reference and input builder live on the scoring server;
editing this copy changes nothing except your own understanding.
"""

import jax, jax.numpy as jnp
import numpy as np

N_NODES = 10000
N_EDGES = 320000
IN_DIM = 128
HID_DIM = 64
OUT_DIM = 32

def setup_inputs(seed: int = 0) -> dict:
    key = jax.random.key(seed)
    ks = jax.random.split(key, 8)
    x = jax.random.normal(ks[0], (N_NODES, IN_DIM), dtype=jnp.float32)
    edge_index = jax.random.randint(ks[1], (2, N_EDGES), 0, N_NODES, dtype=jnp.int64 if jax.config.jax_enable_x64 else jnp.int32).astype(jnp.int32)
    # learned params (Glorot-ish init)
    W1 = jax.random.normal(ks[2], (IN_DIM, HID_DIM), dtype=jnp.float32) * (1.0 / np.sqrt(IN_DIM))
    b1 = jnp.zeros((HID_DIM,), dtype=jnp.float32)
    W2 = jax.random.normal(ks[3], (HID_DIM, OUT_DIM), dtype=jnp.float32) * (1.0 / np.sqrt(HID_DIM))
    b2 = jnp.zeros((OUT_DIM,), dtype=jnp.float32)
    Wa = jax.random.normal(ks[4], (OUT_DIM, 1), dtype=jnp.float32) * (1.0 / np.sqrt(OUT_DIM))
    ba = jnp.zeros((1,), dtype=jnp.float32)
    return {"x": x, "edge_index": edge_index, "W1": W1, "b1": b1, "W2": W2, "b2": b2, "Wa": Wa, "ba": ba}

def _gcn_conv(x, src, dst, W, b, n_nodes):
    # PyG GCNConv: linear transform, add self-loops, symmetric deg normalization, scatter-add, bias
    x = x @ W
    deg = jnp.zeros((n_nodes,), dtype=x.dtype).at[dst].add(1.0)
    dinv = jax.lax.rsqrt(jnp.maximum(deg, 1.0))
    norm = dinv[src] * dinv[dst]
    msg = x[src] * norm[:, None]
    out = jax.ops.segment_sum(msg, dst, num_segments=n_nodes)
    return out + b

def reference(x, edge_index, W1, b1, W2, b2, Wa, ba):
    n_nodes = x.shape[0]
    loop = jnp.arange(n_nodes, dtype=edge_index.dtype)
    src = jnp.concatenate([edge_index[0], loop])
    dst = jnp.concatenate([edge_index[1], loop])
    h = jax.nn.relu(_gcn_conv(x, src, dst, W1, b1, n_nodes))
    h = jax.nn.relu(_gcn_conv(h, src, dst, W2, b2, n_nodes))
    attn = jax.nn.sigmoid(h @ Wa + ba)
    return h * attn

if __name__ == "__main__":
    import jax
    _d = setup_inputs()
    print(jax.jit(kernel)(*tuple(_d.values())))

</pallas_src>

<mosaic_0001>
#map = affine_map<(d0, d1) -> (0, 0)>
#map1 = affine_map<(d0, d1) -> (0, 0, 0, 0)>
#map2 = affine_map<(d0, d1) -> (0, 0, 0)>
module attributes {stable_mosaic.version = 14 : i64} {
  func.func @k(%arg0: i32, %arg1: i32, %arg2: memref<10240x16xf32, #tpu.memory_space<hbm>>, %arg3: memref<2x32x125x80xi32, #tpu.memory_space<hbm>>, %arg4: memref<2x10240x16xf32, #tpu.memory_space<hbm>>, %arg5: memref<125x80xi32, #tpu.memory_space<vmem>>, %arg6: memref<80x16xf32, #tpu.memory_space<vmem>>, %arg7: memref<10240x16xf32, #tpu.memory_space<vmem_shared>>, %arg8: memref<5x!tpu.dma_semaphore, #tpu.memory_space<semaphore_mem>>) attributes {dimension_semantics = [#tpu.dimension_semantics<core_parallel>, #tpu.dimension_semantics<subcore_parallel>], iteration_bounds = array<i64: 2, 16>, scalar_prefetch = 0 : i64, scratch_operands = 4 : i64, tpu.core_type = #tpu.core_type<sc_vector_subcore>, window_params = [{transform_indices = #map}, {transform_indices = #map1}, {transform_indices = #map2}]} {
    %mul3A = arith.constant 16 : i32
    %mul3A_0 = arith.muli %arg0, %mul3A : i32
    %add3A = arith.addi %mul3A_0, %arg1 : i32
    %iota3A = tpu.iota {dimensions = array<i32: 0>} : vector<16xi32>
    %eq3A = arith.constant 0 : i32
    %eq3A_1 = vector.broadcast %eq3A : i32 to vector<16xi32>
    %eq3A_2 = arith.cmpi eq, %iota3A, %eq3A_1 : vector<16xi32>
    %jit3A = arith.constant 1.000000e+00 : f32
    %jit3A_3 = arith.constant 0.000000e+00 : f32
    %broadcast_in_dim3A = vector.broadcast %jit3A : f32 to vector<16xf32>
    %broadcast_in_dim3A_4 = vector.broadcast %jit3A_3 : f32 to vector<16xf32>
    %select_n3A = arith.select %eq3A_2, %broadcast_in_dim3A, %broadcast_in_dim3A_4 : vector<16xi1>, vector<16xf32>
    %scan3A = arith.constant 0 : i32
    %scan3A_5 = arith.constant 80 : i32
    %scan3A_6 = arith.addi %scan3A, %scan3A_5 : i32
    %scan3A_7 = arith.constant 1 : i32
    scf.for %scan3A_23 = %scan3A to %scan3A_6 step %scan3A_7  : i32 {
      %mul3A_24 = arith.constant 1 : i32
      %mul3A_25 = arith.muli %scan3A_23, %mul3A_24 : i32
      %add3A_26 = arith.constant 0 : i32
      %add3A_27 = arith.addi %add3A_26, %mul3A_25 : i32
      %swap3A = arith.index_cast %add3A_27 : i32 to index
      %swap3A_28 = arith.constant 0 : index
      %swap3A_29 = tpu.vector_load %arg6[%swap3A, %swap3A_28] {strides = array<i32>} : memref<80x16xf32, #tpu.memory_space<vmem>>, vector<1x16xf32>,
      %swap3A_30 = vector.shape_cast %swap3A_29 : vector<1x16xf32> to vector<16xf32>
      %swap3A_31 = vector.shape_cast %select_n3A : vector<16xf32> to vector<1x16xf32>
      tpu.vector_store %arg6[%swap3A, %swap3A_28], %swap3A_31 {strides = array<i32>} : memref<80x16xf32, #tpu.memory_space<vmem>>, vector<1x16xf32>,
    }
    %scan3A_8 = arith.constant 80 : i32
    %mul3A_9 = arith.constant 640 : i32
    %mul3A_10 = arith.muli %arg1, %mul3A_9 : i32
    %mul3A_11 = arith.constant 640 : i32
    %mul3A_12 = arith.muli %arg1, %mul3A_11 : i32
    "tpu.region"() ({
      %run_scoped3A_23 = tpu.sem_alloc : memref<!tpu.dma_semaphore, #tpu.memory_space<semaphore_mem>>
      %dma_start3A = arith.constant 0 : i32
      %dma_start3A_24 = tpu.memref_slice %arg7[%mul3A_12, %dma_start3A] : memref<10240x16xf32, #tpu.memory_space<vmem_shared>> -> memref<640x16xf32, #tpu.memory_space<vmem_shared>>
      %dma_start3A_25 = arith.constant 0 : i32
      %dma_start3A_26 = tpu.memref_slice %arg2[%mul3A_10, %dma_start3A_25] : memref<10240x16xf32, #tpu.memory_space<hbm>> -> memref<640x16xf32, #tpu.memory_space<hbm>>
      tpu.enqueue_dma source(%dma_start3A_26 : memref<640x16xf32, #tpu.memory_space<hbm>>) target(%dma_start3A_24 : memref<640x16xf32, #tpu.memory_space<vmem_shared>>) target_semaphore(%run_scoped3A_23 : memref<!tpu.dma_semaphore, #tpu.memory_space<semaphore_mem>>)
      %dma_wait3A = arith.constant 0 : i32
      %dma_wait3A_27 = tpu.memref_slice %arg7[%mul3A_12, %dma_wait3A] : memref<10240x16xf32, #tpu.memory_space<vmem_shared>> -> memref<640x16xf32, #tpu.memory_space<vmem_shared>>
      %dma_wait3A_28 = arith.constant 0 : i32
      %dma_wait3A_29 = tpu.memref_slice %arg2[%mul3A_10, %dma_wait3A_28] : memref<10240x16xf32, #tpu.memory_space<hbm>> -> memref<640x16xf32, #tpu.memory_space<hbm>>
      tpu.wait_dma2 semaphore(%run_scoped3A_23 : memref<!tpu.dma_semaphore, #tpu.memory_space<semaphore_mem>>) src(%dma_wait3A_29 : memref<640x16xf32, #tpu.memory_space<hbm>>) dst(%dma_wait3A_27 : memref<640x16xf32, #tpu.memory_space<vmem_shared>>)
      tpu.yield
    }) : () -> ()
    %run_scoped3A = arith.constant 1 : i32
    "tpu.region"() ({
      %run_scoped3A_23 = tpu.sem_alloc : memref<!tpu.dma_semaphore, #tpu.memory_space<semaphore_mem>>
      %dma_start3A = arith.constant 0 : i32
      %dma_start3A_24 = arith.constant 0 : i32
      %dma_start3A_25 = arith.constant 0 : i32
      %dma_start3A_26 = tpu.memref_slice %arg3[%run_scoped3A, %dma_start3A, %dma_start3A_24, %dma_start3A_25] : memref<2x32x125x80xi32, #tpu.memory_space<hbm>> -> memref<1x32x125x80xi32, #tpu.memory_space<hbm>>
      %dma_start3A_27 = tpu.memref_squeeze %dma_start3A_26 : memref<1x32x125x80xi32, #tpu.memory_space<hbm>> -> memref<32x125x80xi32, #tpu.memory_space<hbm>>
      %dma_start3A_28 = arith.constant 0 : i32
      %dma_start3A_29 = arith.constant 0 : i32
      %dma_start3A_30 = tpu.memref_slice %dma_start3A_27[%add3A, %dma_start3A_28, %dma_start3A_29] : memref<32x125x80xi32, #tpu.memory_space<hbm>> -> memref<1x125x80xi32, #tpu.memory_space<hbm>>
      %dma_start3A_31 = tpu.memref_squeeze %dma_start3A_30 : memref<1x125x80xi32, #tpu.memory_space<hbm>> -> memref<125x80xi32, #tpu.memory_space<hbm>>
      %dma_start3A_32 = arith.constant 0 : i32
      %dma_start3A_33 = arith.constant 0 : i32
      %dma_start3A_34 = arith.constant 0 : i32
      %dma_start3A_35 = tpu.memref_slice %arg3[%run_scoped3A, %dma_start3A_32, %dma_start3A_33, %dma_start3A_34] : memref<2x32x125x80xi32, #tpu.memory_space<hbm>> -> memref<1x32x125x80xi32, #tpu.memory_space<hbm>>
      %dma_start3A_36 = tpu.memref_squeeze %dma_start3A_35 : memref<1x32x125x80xi32, #tpu.memory_space<hbm>> -> memref<32x125x80xi32, #tpu.memory_space<hbm>>
      %dma_start3A_37 = arith.constant 0 : i32
      %dma_start3A_38 = arith.constant 0 : i32
      %dma_start3A_39 = tpu.memref_slice %dma_start3A_36[%add3A, %dma_start3A_37, %dma_start3A_38] : memref<32x125x80xi32, #tpu.memory_space<hbm>> -> memref<1x125x80xi32, #tpu.memory_space<hbm>>
      %dma_start3A_40 = tpu.memref_squeeze %dma_start3A_39 : memref<1x125x80xi32, #tpu.memory_space<hbm>> -> memref<125x80xi32, #tpu.memory_space<hbm>>
      tpu.enqueue_dma source(%dma_start3A_40 : memref<125x80xi32, #tpu.memory_space<hbm>>) target(%arg5 : memref<125x80xi32, #tpu.memory_space<vmem>>) target_semaphore(%run_scoped3A_23 : memref<!tpu.dma_semaphore, #tpu.memory_space<semaphore_mem>>)
      %dma_wait3A = arith.constant 0 : i32
      %dma_wait3A_41 = arith.constant 0 : i32
      %dma_wait3A_42 = arith.constant 0 : i32
      %dma_wait3A_43 = tpu.memref_slice %arg3[%run_scoped3A, %dma_wait3A, %dma_wait3A_41, %dma_wait3A_42] : memref<2x32x125x80xi32, #tpu.memory_space<hbm>> -> memref<1x32x125x80xi32, #tpu.memory_space<hbm>>
      %dma_wait3A_44 = tpu.memref_squeeze %dma_wait3A_43 : memref<1x32x125x80xi32, #tpu.memory_space<hbm>> -> memref<32x125x80xi32, #tpu.memory_space<hbm>>
      %dma_wait3A_45 = arith.constant 0 : i32
      %dma_wait3A_46 = arith.constant 0 : i32
      %dma_wait3A_47 = tpu.memref_slice %dma_wait3A_44[%add3A, %dma_wait3A_45, %dma_wait3A_46] : memref<32x125x80xi32, #tpu.memory_space<hbm>> -> memref<1x125x80xi32, #tpu.memory_space<hbm>>
      %dma_wait3A_48 = tpu.memref_squeeze %dma_wait3A_47 : memref<1x125x80xi32, #tpu.memory_space<hbm>> -> memref<125x80xi32, #tpu.memory_space<hbm>>
      %dma_wait3A_49 = arith.constant 0 : i32
      %dma_wait3A_50 = arith.constant 0 : i32
      %dma_wait3A_51 = arith.constant 0 : i32
      %dma_wait3A_52 = tpu.memref_slice %arg3[%run_scoped3A, %dma_wait3A_49, %dma_wait3A_50, %dma_wait3A_51] : memref<2x32x125x80xi32, #tpu.memory_space<hbm>> -> memref<1x32x125x80xi32, #tpu.memory_space<hbm>>
      %dma_wait3A_53 = tpu.memref_squeeze %dma_wait3A_52 : memref<1x32x125x80xi32, #tpu.memory_space<hbm>> -> memref<32x125x80xi32, #tpu.memory_space<hbm>>
      %dma_wait3A_54 = arith.constant 0 : i32
      %dma_wait3A_55 = arith.constant 0 : i32
      %dma_wait3A_56 = tpu.memref_slice %dma_wait3A_53[%add3A, %dma_wait3A_54, %dma_wait3A_55] : memref<32x125x80xi32, #tpu.memory_space<hbm>> -> memref<1x125x80xi32, #tpu.memory_space<hbm>>
      %dma_wait3A_57 = tpu.memref_squeeze %dma_wait3A_56 : memref<1x125x80xi32, #tpu.memory_space<hbm>> -> memref<125x80xi32, #tpu.memory_space<hbm>>
      tpu.wait_dma2 semaphore(%run_scoped3A_23 : memref<!tpu.dma_semaphore, #tpu.memory_space<semaphore_mem>>) src(%dma_wait3A_57 : memref<125x80xi32, #tpu.memory_space<hbm>>) dst(%arg5 : memref<125x80xi32, #tpu.memory_space<vmem>>)
      tpu.yield
    }) : () -> ()
    %barrier3A = arith.constant 0 : index
    tpu.barrier barrier_id(%barrier3A)
    %scan3A_13 = arith.constant 0 : i32
    %scan3A_14 = arith.constant 25 : i32
    %scan3A_15 = arith.addi %scan3A_13, %scan3A_14 : i32
    %scan3A_16 = arith.constant 1 : i32
    scf.for %scan3A_23 = %scan3A_13 to %scan3A_15 step %scan3A_16  : i32 {
      %mul3A_24 = arith.constant 5 : i32
      %mul3A_25 = arith.muli %scan3A_23, %mul3A_24 : i32
      %add3A_26 = arith.constant 0 : i32
      %add3A_27 = arith.addi %add3A_26, %mul3A_25 : i32
      %add3A_28 = arith.constant 0 : i32
      %add3A_29 = arith.addi %add3A_27, %add3A_28 : i32
      %dma_start3A = arith.constant 0 : i32
      %dma_start3A_30 = arith.constant 0 : i32
      %dma_start3A_31 = tpu.memref_slice %arg5[%add3A_29, %dma_start3A_30] : memref<125x80xi32, #tpu.memory_space<vmem>> -> memref<1x80xi32, #tpu.memory_space<vmem>>
      %dma_start3A_32 = tpu.memref_squeeze %dma_start3A_31 : memref<1x80xi32, #tpu.memory_space<vmem>> -> memref<80xi32, #tpu.memory_space<vmem>>
      %dma_start3A_33 = arith.constant 0 : i32
      %dma_start3A_34 = arith.constant 0 : i32
      %dma_start3A_35 = tpu.memref_slice %arg7[%dma_start3A_33, %dma_start3A_34] : memref<10240x16xf32, #tpu.memory_space<vmem_shared>> -> memref<10240x16xf32, #tpu.memory_space<vmem_shared>>
      %dma_start3A_36 = tpu.memref_slice %arg8[%dma_start3A] : memref<5x!tpu.dma_semaphore, #tpu.memory_space<semaphore_mem>> -> memref<1x!tpu.dma_semaphore, #tpu.memory_space<semaphore_mem>>
      %dma_start3A_37 = tpu.memref_squeeze %dma_start3A_36 : memref<1x!tpu.dma_semaphore, #tpu.memory_space<semaphore_mem>> -> memref<!tpu.dma_semaphore, #tpu.memory_space<semaphore_mem>>
      tpu.enqueue_indirect_dma source(%arg6 : memref<80x16xf32, #tpu.memory_space<vmem>>) target(%dma_start3A_35 : memref<10240x16xf32, #tpu.memory_space<vmem_shared>>) offsets(%dma_start3A_32 : memref<80xi32, #tpu.memory_space<vmem>>) semaphore(%dma_start3A_37 : memref<!tpu.dma_semaphore, #tpu.memory_space<semaphore_mem>>) {add = true}
      %add3A_38 = arith.constant 1 : i32
      %add3A_39 = arith.addi %add3A_27, %add3A_38 : i32
      %dma_start3A_40 = arith.constant 1 : i32
      %dma_start3A_41 = arith.constant 0 : i32
      %dma_start3A_42 = tpu.memref_slice %arg5[%add3A_39, %dma_start3A_41] : memref<125x80xi32, #tpu.memory_space<vmem>> -> memref<1x80xi32, #tpu.memory_space<vmem>>
      %dma_start3A_43 = tpu.memref_squeeze %dma_start3A_42 : memref<1x80xi32, #tpu.memory_space<vmem>> -> memref<80xi32, #tpu.memory_space<vmem>>
      %dma_start3A_44 = arith.constant 0 : i32
      %dma_start3A_45 = arith.constant 0 : i32
      %dma_start3A_46 = tpu.memref_slice %arg7[%dma_start3A_44, %dma_start3A_45] : memref<10240x16xf32, #tpu.memory_space<vmem_shared>> -> memref<10240x16xf32, #tpu.memory_space<vmem_shared>>
      %dma_start3A_47 = tpu.memref_slice %arg8[%dma_start3A_40] : memref<5x!tpu.dma_semaphore, #tpu.memory_space<semaphore_mem>> -> memref<1x!tpu.dma_semaphore, #tpu.memory_space<semaphore_mem>>
      %dma_start3A_48 = tpu.memref_squeeze %dma_start3A_47 : memref<1x!tpu.dma_semaphore, #tpu.memory_space<semaphore_mem>> -> memref<!tpu.dma_semaphore, #tpu.memory_space<semaphore_mem>>
      tpu.enqueue_indirect_dma source(%arg6 : memref<80x16xf32, #tpu.memory_space<vmem>>) target(%dma_start3A_46 : memref<10240x16xf32, #tpu.memory_space<vmem_shared>>) offsets(%dma_start3A_43 : memref<80xi32, #tpu.memory_space<vmem>>) semaphore(%dma_start3A_48 : memref<!tpu.dma_semaphore, #tpu.memory_space<semaphore_mem>>) {add = true}
      %add3A_49 = arith.constant 2 : i32
      %add3A_50 = arith.addi %add3A_27, %add3A_49 : i32
      %dma_start3A_51 = arith.constant 2 : i32
      %dma_start3A_52 = arith.constant 0 : i32
      %dma_start3A_53 = tpu.memref_slice %arg5[%add3A_50, %dma_start3A_52] : memref<125x80xi32, #tpu.memory_space<vmem>> -> memref<1x80xi32, #tpu.memory_space<vmem>>
      %dma_start3A_54 = tpu.memref_squeeze %dma_start3A_53 : memref<1x80xi32, #tpu.memory_space<vmem>> -> memref<80xi32, #tpu.memory_space<vmem>>
      %dma_start3A_55 = arith.constant 0 : i32
      %dma_start3A_56 = arith.constant 0 : i32
      %dma_start3A_57 = tpu.memref_slice %arg7[%dma_start3A_55, %dma_start3A_56] : memref<10240x16xf32, #tpu.memory_space<vmem_shared>> -> memref<10240x16xf32, #tpu.memory_space<vmem_shared>>
      %dma_start3A_58 = tpu.memref_slice %arg8[%dma_start3A_51] : memref<5x!tpu.dma_semaphore, #tpu.memory_space<semaphore_mem>> -> memref<1x!tpu.dma_semaphore, #tpu.memory_space<semaphore_mem>>
      %dma_start3A_59 = tpu.memref_squeeze %dma_start3A_58 : memref<1x!tpu.dma_semaphore, #tpu.memory_space<semaphore_mem>> -> memref<!tpu.dma_semaphore, #tpu.memory_space<semaphore_mem>>
      tpu.enqueue_indirect_dma source(%arg6 : memref<80x16xf32, #tpu.memory_space<vmem>>) target(%dma_start3A_57 : memref<10240x16xf32, #tpu.memory_space<vmem_shared>>) offsets(%dma_start3A_54 : memref<80xi32, #tpu.memory_space<vmem>>) semaphore(%dma_start3A_59 : memref<!tpu.dma_semaphore, #tpu.memory_space<semaphore_mem>>) {add = true}
      %add3A_60 = arith.constant 3 : i32
      %add3A_61 = arith.addi %add3A_27, %add3A_60 : i32
      %dma_start3A_62 = arith.constant 3 : i32
      %dma_start3A_63 = arith.constant 0 : i32
      %dma_start3A_64 = tpu.memref_slice %arg5[%add3A_61, %dma_start3A_63] : memref<125x80xi32, #tpu.memory_space<vmem>> -> memref<1x80xi32, #tpu.memory_space<vmem>>
      %dma_start3A_65 = tpu.memref_squeeze %dma_start3A_64 : memref<1x80xi32, #tpu.memory_space<vmem>> -> memref<80xi32, #tpu.memory_space<vmem>>
      %dma_start3A_66 = arith.constant 0 : i32
      %dma_start3A_67 = arith.constant 0 : i32
      %dma_start3A_68 = tpu.memref_slice %arg7[%dma_start3A_66, %dma_start3A_67] : memref<10240x16xf32, #tpu.memory_space<vmem_shared>> -> memref<10240x16xf32, #tpu.memory_space<vmem_shared>>
      %dma_start3A_69 = tpu.memref_slice %arg8[%dma_start3A_62] : memref<5x!tpu.dma_semaphore, #tpu.memory_space<semaphore_mem>> -> memref<1x!tpu.dma_semaphore, #tpu.memory_space<semaphore_mem>>
      %dma_start3A_70 = tpu.memref_squeeze %dma_start3A_69 : memref<1x!tpu.dma_semaphore, #tpu.memory_space<semaphore_mem>> -> memref<!tpu.dma_semaphore, #tpu.memory_space<semaphore_mem>>
      tpu.enqueue_indirect_dma source(%arg6 : memref<80x16xf32, #tpu.memory_space<vmem>>) target(%dma_start3A_68 : memref<10240x16xf32, #tpu.memory_space<vmem_shared>>) offsets(%dma_start3A_65 : memref<80xi32, #tpu.memory_space<vmem>>) semaphore(%dma_start3A_70 : memref<!tpu.dma_semaphore, #tpu.memory_space<semaphore_mem>>) {add = true}
      %add3A_71 = arith.constant 4 : i32
      %add3A_72 = arith.addi %add3A_27, %add3A_71 : i32
      %dma_start3A_73 = arith.constant 4 : i32
      %dma_start3A_74 = arith.constant 0 : i32
      %dma_start3A_75 = tpu.memref_slice %arg5[%add3A_72, %dma_start3A_74] : memref<125x80xi32, #tpu.memory_space<vmem>> -> memref<1x80xi32, #tpu.memory_space<vmem>>
      %dma_start3A_76 = tpu.memref_squeeze %dma_start3A_75 : memref<1x80xi32, #tpu.memory_space<vmem>> -> memref<80xi32, #tpu.memory_space<vmem>>
      %dma_start3A_77 = arith.constant 0 : i32
      %dma_start3A_78 = arith.constant 0 : i32
      %dma_start3A_79 = tpu.memref_slice %arg7[%dma_start3A_77, %dma_start3A_78] : memref<10240x16xf32, #tpu.memory_space<vmem_shared>> -> memref<10240x16xf32, #tpu.memory_space<vmem_shared>>
      %dma_start3A_80 = tpu.memref_slice %arg8[%dma_start3A_73] : memref<5x!tpu.dma_semaphore, #tpu.memory_space<semaphore_mem>> -> memref<1x!tpu.dma_semaphore, #tpu.memory_space<semaphore_mem>>
      %dma_start3A_81 = tpu.memref_squeeze %dma_start3A_80 : memref<1x!tpu.dma_semaphore, #tpu.memory_space<semaphore_mem>> -> memref<!tpu.dma_semaphore, #tpu.memory_space<semaphore_mem>>
      tpu.enqueue_indirect_dma source(%arg6 : memref<80x16xf32, #tpu.memory_space<vmem>>) target(%dma_start3A_79 : memref<10240x16xf32, #tpu.memory_space<vmem_shared>>) offsets(%dma_start3A_76 : memref<80xi32, #tpu.memory_space<vmem>>) semaphore(%dma_start3A_81 : memref<!tpu.dma_semaphore, #tpu.memory_space<semaphore_mem>>) {add = true}
      %dma_wait3A = arith.constant 0 : i32
      %dma_wait3A_82 = arith.constant 0 : i32
      %dma_wait3A_83 = tpu.memref_slice %arg5[%add3A_29, %dma_wait3A_82] : memref<125x80xi32, #tpu.memory_space<vmem>> -> memref<1x80xi32, #tpu.memory_space<vmem>>
      %dma_wait3A_84 = tpu.memref_squeeze %dma_wait3A_83 : memref<1x80xi32, #tpu.memory_space<vmem>> -> memref<80xi32, #tpu.memory_space<vmem>>
      %dma_wait3A_85 = arith.constant 0 : i32
      %dma_wait3A_86 = arith.constant 0 : i32
      %dma_wait3A_87 = tpu.memref_slice %arg7[%dma_wait3A_85, %dma_wait3A_86] : memref<10240x16xf32, #tpu.memory_space<vmem_shared>> -> memref<10240x16xf32, #tpu.memory_space<vmem_shared>>
      %dma_wait3A_88 = tpu.memref_slice %arg8[%dma_wait3A] : memref<5x!tpu.dma_semaphore, #tpu.memory_space<semaphore_mem>> -> memref<1x!tpu.dma_semaphore, #tpu.memory_space<semaphore_mem>>
      %dma_wait3A_89 = tpu.memref_squeeze %dma_wait3A_88 : memref<1x!tpu.dma_semaphore, #tpu.memory_space<semaphore_mem>> -> memref<!tpu.dma_semaphore, #tpu.memory_space<semaphore_mem>>
      tpu.wait_indirect_dma semaphore(%dma_wait3A_89 : memref<!tpu.dma_semaphore, #tpu.memory_space<semaphore_mem>>) src(%arg6 : memref<80x16xf32, #tpu.memory_space<vmem>>) dst(%dma_wait3A_87 : memref<10240x16xf32, #tpu.memory_space<vmem_shared>>)
      %dma_wait3A_90 = arith.constant 1 : i32
      %dma_wait3A_91 = arith.constant 0 : i32
      %dma_wait3A_92 = tpu.memref_slice %arg5[%add3A_39, %dma_wait3A_91] : memref<125x80xi32, #tpu.memory_space<vmem>> -> memref<1x80xi32, #tpu.memory_space<vmem>>
      %dma_wait3A_93 = tpu.memref_squeeze %dma_wait3A_92 : memref<1x80xi32, #tpu.memory_space<vmem>> -> memref<80xi32, #tpu.memory_space<vmem>>
      %dma_wait3A_94 = arith.constant 0 : i32
      %dma_wait3A_95 = arith.constant 0 : i32
      %dma_wait3A_96 = tpu.memref_slice %arg7[%dma_wait3A_94, %dma_wait3A_95] : memref<10240x16xf32, #tpu.memory_space<vmem_shared>> -> memref<10240x16xf32, #tpu.memory_space<vmem_shared>>
      %dma_wait3A_97 = tpu.memref_slice %arg8[%dma_wait3A_90] : memref<5x!tpu.dma_semaphore, #tpu.memory_space<semaphore_mem>> -> memref<1x!tpu.dma_semaphore, #tpu.memory_space<semaphore_mem>>
      %dma_wait3A_98 = tpu.memref_squeeze %dma_wait3A_97 : memref<1x!tpu.dma_semaphore, #tpu.memory_space<semaphore_mem>> -> memref<!tpu.dma_semaphore, #tpu.memory_space<semaphore_mem>>
      tpu.wait_indirect_dma semaphore(%dma_wait3A_98 : memref<!tpu.dma_semaphore, #tpu.memory_space<semaphore_mem>>) src(%arg6 : memref<80x16xf32, #tpu.memory_space<vmem>>) dst(%dma_wait3A_96 : memref<10240x16xf32, #tpu.memory_space<vmem_shared>>)
      %dma_wait3A_99 = arith.constant 2 : i32
      %dma_wait3A_100 = arith.constant 0 : i32
      %dma_wait3A_101 = tpu.memref_slice %arg5[%add3A_50, %dma_wait3A_100] : memref<125x80xi32, #tpu.memory_space<vmem>> -> memref<1x80xi32, #tpu.memory_space<vmem>>
      %dma_wait3A_102 = tpu.memref_squeeze %dma_wait3A_101 : memref<1x80xi32, #tpu.memory_space<vmem>> -> memref<80xi32, #tpu.memory_space<vmem>>
      %dma_wait3A_103 = arith.constant 0 : i32
      %dma_wait3A_104 = arith.constant 0 : i32
      %dma_wait3A_105 = tpu.memref_slice %arg7[%dma_wait3A_103, %dma_wait3A_104] : memref<10240x16xf32, #tpu.memory_space<vmem_shared>> -> memref<10240x16xf32, #tpu.memory_space<vmem_shared>>
      %dma_wait3A_106 = tpu.memref_slice %arg8[%dma_wait3A_99] : memref<5x!tpu.dma_semaphore, #tpu.memory_space<semaphore_mem>> -> memref<1x!tpu.dma_semaphore, #tpu.memory_space<semaphore_mem>>
      %dma_wait3A_107 = tpu.memref_squeeze %dma_wait3A_106 : memref<1x!tpu.dma_semaphore, #tpu.memory_space<semaphore_mem>> -> memref<!tpu.dma_semaphore, #tpu.memory_space<semaphore_mem>>
      tpu.wait_indirect_dma semaphore(%dma_wait3A_107 : memref<!tpu.dma_semaphore, #tpu.memory_space<semaphore_mem>>) src(%arg6 : memref<80x16xf32, #tpu.memory_space<vmem>>) dst(%dma_wait3A_105 : memref<10240x16xf32, #tpu.memory_space<vmem_shared>>)
      %dma_wait3A_108 = arith.constant 3 : i32
      %dma_wait3A_109 = arith.constant 0 : i32
      %dma_wait3A_110 = tpu.memref_slice %arg5[%add3A_61, %dma_wait3A_109] : memref<125x80xi32, #tpu.memory_space<vmem>> -> memref<1x80xi32, #tpu.memory_space<vmem>>
      %dma_wait3A_111 = tpu.memref_squeeze %dma_wait3A_110 : memref<1x80xi32, #tpu.memory_space<vmem>> -> memref<80xi32, #tpu.memory_space<vmem>>
      %dma_wait3A_112 = arith.constant 0 : i32
      %dma_wait3A_113 = arith.constant 0 : i32
      %dma_wait3A_114 = tpu.memref_slice %arg7[%dma_wait3A_112, %dma_wait3A_113] : memref<10240x16xf32, #tpu.memory_space<vmem_shared>> -> memref<10240x16xf32, #tpu.memory_space<vmem_shared>>
      %dma_wait3A_115 = tpu.memref_slice %arg8[%dma_wait3A_108] : memref<5x!tpu.dma_semaphore, #tpu.memory_space<semaphore_mem>> -> memref<1x!tpu.dma_semaphore, #tpu.memory_space<semaphore_mem>>
      %dma_wait3A_116 = tpu.memref_squeeze %dma_wait3A_115 : memref<1x!tpu.dma_semaphore, #tpu.memory_space<semaphore_mem>> -> memref<!tpu.dma_semaphore, #tpu.memory_space<semaphore_mem>>
      tpu.wait_indirect_dma semaphore(%dma_wait3A_116 : memref<!tpu.dma_semaphore, #tpu.memory_space<semaphore_mem>>) src(%arg6 : memref<80x16xf32, #tpu.memory_space<vmem>>) dst(%dma_wait3A_114 : memref<10240x16xf32, #tpu.memory_space<vmem_shared>>)
      %dma_wait3A_117 = arith.constant 4 : i32
      %dma_wait3A_118 = arith.constant 0 : i32
      %dma_wait3A_119 = tpu.memref_slice %arg5[%add3A_72, %dma_wait3A_118] : memref<125x80xi32, #tpu.memory_space<vmem>> -> memref<1x80xi32, #tpu.memory_space<vmem>>
      %dma_wait3A_120 = tpu.memref_squeeze %dma_wait3A_119 : memref<1x80xi32, #tpu.memory_space<vmem>> -> memref<80xi32, #tpu.memory_space<vmem>>
      %dma_wait3A_121 = arith.constant 0 : i32
      %dma_wait3A_122 = arith.constant 0 : i32
      %dma_wait3A_123 = tpu.memref_slice %arg7[%dma_wait3A_121, %dma_wait3A_122] : memref<10240x16xf32, #tpu.memory_space<vmem_shared>> -> memref<10240x16xf32, #tpu.memory_space<vmem_shared>>
      %dma_wait3A_124 = tpu.memref_slice %arg8[%dma_wait3A_117] : memref<5x!tpu.dma_semaphore, #tpu.memory_space<semaphore_mem>> -> memref<1x!tpu.dma_semaphore, #tpu.memory_space<semaphore_mem>>
      %dma_wait3A_125 = tpu.memref_squeeze %dma_wait3A_124 : memref<1x!tpu.dma_semaphore, #tpu.memory_space<semaphore_mem>> -> memref<!tpu.dma_semaphore, #tpu.memory_space<semaphore_mem>>
      tpu.wait_indirect_dma semaphore(%dma_wait3A_125 : memref<!tpu.dma_semaphore, #tpu.memory_space<semaphore_mem>>) src(%arg6 : memref<80x16xf32, #tpu.memory_space<vmem>>) dst(%dma_wait3A_123 : memref<10240x16xf32, #tpu.memory_space<vmem_shared>>)
    }
    %scan3A_17 = arith.constant 25 : i32
    %barrier3A_18 = arith.constant 0 : index
    tpu.barrier barrier_id(%barrier3A_18)
    %mul3A_19 = arith.constant 640 : i32
    %mul3A_20 = arith.muli %arg1, %mul3A_19 : i32
    %mul3A_21 = arith.constant 640 : i32
    %mul3A_22 = arith.muli %arg1, %mul3A_21 : i32
    "tpu.region"() ({
      %run_scoped3A_23 = tpu.sem_alloc : memref<!tpu.dma_semaphore, #tpu.memory_space<semaphore_mem>>
      %dma_start3A = arith.constant 0 : i32
      %dma_start3A_24 = arith.constant 0 : i32
      %dma_start3A_25 = tpu.memref_slice %arg4[%arg0, %dma_start3A, %dma_start3A_24] : memref<2x10240x16xf32, #tpu.memory_space<hbm>> -> memref<1x10240x16xf32, #tpu.memory_space<hbm>>
      %dma_start3A_26 = tpu.memref_squeeze %dma_start3A_25 : memref<1x10240x16xf32, #tpu.memory_space<hbm>> -> memref<10240x16xf32, #tpu.memory_space<hbm>>
      %dma_start3A_27 = arith.constant 0 : i32
      %dma_start3A_28 = tpu.memref_slice %dma_start3A_26[%mul3A_22, %dma_start3A_27] : memref<10240x16xf32, #tpu.memory_space<hbm>> -> memref<640x16xf32, #tpu.memory_space<hbm>>
      %dma_start3A_29 = arith.constant 0 : i32
      %dma_start3A_30 = tpu.memref_slice %arg7[%mul3A_20, %dma_start3A_29] : memref<10240x16xf32, #tpu.memory_space<vmem_shared>> -> memref<640x16xf32, #tpu.memory_space<vmem_shared>>
      tpu.enqueue_dma source(%dma_start3A_30 : memref<640x16xf32, #tpu.memory_space<vmem_shared>>) target(%dma_start3A_28 : memref<640x16xf32, #tpu.memory_space<hbm>>) target_semaphore(%run_scoped3A_23 : memref<!tpu.dma_semaphore, #tpu.memory_space<semaphore_mem>>)
      %dma_wait3A = arith.constant 0 : i32
      %dma_wait3A_31 = arith.constant 0 : i32
      %dma_wait3A_32 = tpu.memref_slice %arg4[%arg0, %dma_wait3A, %dma_wait3A_31] : memref<2x10240x16xf32, #tpu.memory_space<hbm>> -> memref<1x10240x16xf32, #tpu.memory_space<hbm>>
      %dma_wait3A_33 = tpu.memref_squeeze %dma_wait3A_32 : memref<1x10240x16xf32, #tpu.memory_space<hbm>> -> memref<10240x16xf32, #tpu.memory_space<hbm>>
      %dma_wait3A_34 = arith.constant 0 : i32
      %dma_wait3A_35 = tpu.memref_slice %dma_wait3A_33[%mul3A_22, %dma_wait3A_34] : memref<10240x16xf32, #tpu.memory_space<hbm>> -> memref<640x16xf32, #tpu.memory_space<hbm>>
      %dma_wait3A_36 = arith.constant 0 : i32
      %dma_wait3A_37 = tpu.memref_slice %arg7[%mul3A_20, %dma_wait3A_36] : memref<10240x16xf32, #tpu.memory_space<vmem_shared>> -> memref<640x16xf32, #tpu.memory_space<vmem_shared>>
      tpu.wait_dma2 semaphore(%run_scoped3A_23 : memref<!tpu.dma_semaphore, #tpu.memory_space<semaphore_mem>>) src(%dma_wait3A_37 : memref<640x16xf32, #tpu.memory_space<vmem_shared>>) dst(%dma_wait3A_35 : memref<640x16xf32, #tpu.memory_space<hbm>>)
      tpu.yield
    }) : () -> ()
    return
  }
}

#map = affine_map<(d0, d1) -> (0, 0)>
#map1 = affine_map<(d0, d1) -> (0, 0, 0, 0)>
#map2 = affine_map<(d0, d1) -> (0, 0, 0)>
module attributes {stable_mosaic.version = 14 : i64} {
  func.func @k(%arg0: i32, %arg1: i32, %arg2: memref<10000x64xf32, #tpu.memory_space<hbm>>, %arg3: memref<2x32x125x80xi32, #tpu.memory_space<hbm>>, %arg4: memref<10240x64xf32, #tpu.memory_space<hbm>>, %arg5: memref<2x10240x64xf32, #tpu.memory_space<hbm>>, %arg6: memref<125x80xi32, #tpu.memory_space<vmem>>, %arg7: memref<125x80xi32, #tpu.memory_space<vmem>>, %arg8: memref<5x80x64xf32, #tpu.memory_space<vmem>>, %arg9: memref<10240x64xf32, #tpu.memory_space<vmem_shared>>, %arg10: memref<5x!tpu.dma_semaphore, #tpu.memory_space<semaphore_mem>>, %arg11: memref<5x!tpu.dma_semaphore, #tpu.memory_space<semaphore_mem>>) attributes {dimension_semantics = [#tpu.dimension_semantics<core_parallel>, #tpu.dimension_semantics<subcore_parallel>], iteration_bounds = array<i64: 2, 16>, scalar_prefetch = 0 : i64, scratch_operands = 6 : i64, tpu.core_type = #tpu.core_type<sc_vector_subcore>, window_params = [{transform_indices = #map}, {transform_indices = #map1}, {transform_indices = #map}, {transform_indices = #map2}]} {
    %mul3A = arith.constant 16 : i32
    %mul3A_0 = arith.muli %arg0, %mul3A : i32
    %add3A = arith.addi %mul3A_0, %arg1 : i32
    %mul3A_1 = arith.constant 640 : i32
    %mul3A_2 = arith.muli %arg1, %mul3A_1 : i32
    %mul3A_3 = arith.constant 640 : i32
    %mul3A_4 = arith.muli %arg1, %mul3A_3 : i32
    "tpu.region"() ({
      %run_scoped3A_89 = tpu.sem_alloc : memref<!tpu.dma_semaphore, #tpu.memory_space<semaphore_mem>>
      %dma_start3A_90 = arith.constant 0 : i32
      %dma_start3A_91 = tpu.memref_slice %arg9[%mul3A_4, %dma_start3A_90] : memref<10240x64xf32, #tpu.memory_space<vmem_shared>> -> memref<640x64xf32, #tpu.memory_space<vmem_shared>>
      %dma_start3A_92 = arith.constant 0 : i32
      %dma_start3A_93 = tpu.memref_slice %arg4[%mul3A_2, %dma_start3A_92] : memref<10240x64xf32, #tpu.memory_space<hbm>> -> memref<640x64xf32, #tpu.memory_space<hbm>>
      tpu.enqueue_dma source(%dma_start3A_93 : memref<640x64xf32, #tpu.memory_space<hbm>>) target(%dma_start3A_91 : memref<640x64xf32, #tpu.memory_space<vmem_shared>>) target_semaphore(%run_scoped3A_89 : memref<!tpu.dma_semaphore, #tpu.memory_space<semaphore_mem>>)
      %dma_wait3A = arith.constant 0 : i32
      %dma_wait3A_94 = tpu.memref_slice %arg9[%mul3A_4, %dma_wait3A] : memref<10240x64xf32, #tpu.memory_space<vmem_shared>> -> memref<640x64xf32, #tpu.memory_space<vmem_shared>>
      %dma_wait3A_95 = arith.constant 0 : i32
      %dma_wait3A_96 = tpu.memref_slice %arg4[%mul3A_2, %dma_wait3A_95] : memref<10240x64xf32, #tpu.memory_space<hbm>> -> memref<640x64xf32, #tpu.memory_space<hbm>>
      tpu.wait_dma2 semaphore(%run_scoped3A_89 : memref<!tpu.dma_semaphore, #tpu.memory_space<semaphore_mem>>) src(%dma_wait3A_96 : memref<640x64xf32, #tpu.memory_space<hbm>>) dst(%dma_wait3A_94 : memref<640x64xf32, #tpu.memory_space<vmem_shared>>)
      tpu.yield
    }) : () -> ()
    %run_scoped3A = arith.constant 0 : i32
    "tpu.region"() ({
      %run_scoped3A_89 = tpu.sem_alloc : memref<!tpu.dma_semaphore, #tpu.memory_space<semaphore_mem>>
      %dma_start3A_90 = arith.constant 0 : i32
      %dma_start3A_91 = arith.constant 0 : i32
      %dma_start3A_92 = arith.constant 0 : i32
      %dma_start3A_93 = tpu.memref_slice %arg3[%run_scoped3A, %dma_start3A_90, %dma_start3A_91, %dma_start3A_92] : memref<2x32x125x80xi32, #tpu.memory_space<hbm>> -> memref<1x32x125x80xi32, #tpu.memory_space<hbm>>
      %dma_start3A_94 = tpu.memref_squeeze %dma_start3A_93 : memref<1x32x125x80xi32, #tpu.memory_space<hbm>> -> memref<32x125x80xi32, #tpu.memory_space<hbm>>
      %dma_start3A_95 = arith.constant 0 : i32
      %dma_start3A_96 = arith.constant 0 : i32
      %dma_start3A_97 = tpu.memref_slice %dma_start3A_94[%add3A, %dma_start3A_95, %dma_start3A_96] : memref<32x125x80xi32, #tpu.memory_space<hbm>> -> memref<1x125x80xi32, #tpu.memory_space<hbm>>
      %dma_start3A_98 = tpu.memref_squeeze %dma_start3A_97 : memref<1x125x80xi32, #tpu.memory_space<hbm>> -> memref<125x80xi32, #tpu.memory_space<hbm>>
      %dma_start3A_99 = arith.constant 0 : i32
      %dma_start3A_100 = arith.constant 0 : i32
      %dma_start3A_101 = arith.constant 0 : i32
      %dma_start3A_102 = tpu.memref_slice %arg3[%run_scoped3A, %dma_start3A_99, %dma_start3A_100, %dma_start3A_101] : memref<2x32x125x80xi32, #tpu.memory_space<hbm>> -> memref<1x32x125x80xi32, #tpu.memory_space<hbm>>
      %dma_start3A_103 = tpu.memref_squeeze %dma_start3A_102 : memref<1x32x125x80xi32, #tpu.memory_space<hbm>> -> memref<32x125x80xi32, #tpu.memory_space<hbm>>
      %dma_start3A_104 = arith.constant 0 : i32
      %dma_start3A_105 = arith.constant 0 : i32
      %dma_start3A_106 = tpu.memref_slice %dma_start3A_103[%add3A, %dma_start3A_104, %dma_start3A_105] : memref<32x125x80xi32, #tpu.memory_space<hbm>> -> memref<1x125x80xi32, #tpu.memory_space<hbm>>
      %dma_start3A_107 = tpu.memref_squeeze %dma_start3A_106 : memref<1x125x80xi32, #tpu.memory_space<hbm>> -> memref<125x80xi32, #tpu.memory_space<hbm>>
      tpu.enqueue_dma source(%dma_start3A_107 : memref<125x80xi32, #tpu.memory_space<hbm>>) target(%arg6 : memref<125x80xi32, #tpu.memory_space<vmem>>) target_semaphore(%run_scoped3A_89 : memref<!tpu.dma_semaphore, #tpu.memory_space<semaphore_mem>>)
      %dma_wait3A = arith.constant 0 : i32
      %dma_wait3A_108 = arith.constant 0 : i32
      %dma_wait3A_109 = arith.constant 0 : i32
      %dma_wait3A_110 = tpu.memref_slice %arg3[%run_scoped3A, %dma_wait3A, %dma_wait3A_108, %dma_wait3A_109] : memref<2x32x125x80xi32, #tpu.memory_space<hbm>> -> memref<1x32x125x80xi32, #tpu.memory_space<hbm>>
      %dma_wait3A_111 = tpu.memref_squeeze %dma_wait3A_110 : memref<1x32x125x80xi32, #tpu.memory_space<hbm>> -> memref<32x125x80xi32, #tpu.memory_space<hbm>>
      %dma_wait3A_112 = arith.constant 0 : i32
      %dma_wait3A_113 = arith.constant 0 : i32
      %dma_wait3A_114 = tpu.memref_slice %dma_wait3A_111[%add3A, %dma_wait3A_112, %dma_wait3A_113] : memref<32x125x80xi32, #tpu.memory_space<hbm>> -> memref<1x125x80xi32, #tpu.memory_space<hbm>>
      %dma_wait3A_115 = tpu.memref_squeeze %dma_wait3A_114 : memref<1x125x80xi32, #tpu.memory_space<hbm>> -> memref<125x80xi32, #tpu.memory_space<hbm>>
      %dma_wait3A_116 = arith.constant 0 : i32
      %dma_wait3A_117 = arith.constant 0 : i32
      %dma_wait3A_118 = arith.constant 0 : i32
      %dma_wait3A_119 = tpu.memref_slice %arg3[%run_scoped3A, %dma_wait3A_116, %dma_wait3A_117, %dma_wait3A_118] : memref<2x32x125x80xi32, #tpu.memory_space<hbm>> -> memref<1x32x125x80xi32, #tpu.memory_space<hbm>>
      %dma_wait3A_120 = tpu.memref_squeeze %dma_wait3A_119 : memref<1x32x125x80xi32, #tpu.memory_space<hbm>> -> memref<32x125x80xi32, #tpu.memory_space<hbm>>
      %dma_wait3A_121 = arith.constant 0 : i32
      %dma_wait3A_122 = arith.constant 0 : i32
      %dma_wait3A_123 = tpu.memref_slice %dma_wait3A_120[%add3A, %dma_wait3A_121, %dma_wait3A_122] : memref<32x125x80xi32, #tpu.memory_space<hbm>> -> memref<1x125x80xi32, #tpu.memory_space<hbm>>
      %dma_wait3A_124 = tpu.memref_squeeze %dma_wait3A_123 : memref<1x125x80xi32, #tpu.memory_space<hbm>> -> memref<125x80xi32, #tpu.memory_space<hbm>>
      tpu.wait_dma2 semaphore(%run_scoped3A_89 : memref<!tpu.dma_semaphore, #tpu.memory_space<semaphore_mem>>) src(%dma_wait3A_124 : memref<125x80xi32, #tpu.memory_space<hbm>>) dst(%arg6 : memref<125x80xi32, #tpu.memory_space<vmem>>)
      tpu.yield
    }) : () -> ()
    %run_scoped3A_5 = arith.constant 1 : i32
    "tpu.region"() ({
      %run_scoped3A_89 = tpu.sem_alloc : memref<!tpu.dma_semaphore, #tpu.memory_space<semaphore_mem>>
      %dma_start3A_90 = arith.constant 0 : i32
      %dma_start3A_91 = arith.constant 0 : i32
      %dma_start3A_92 = arith.constant 0 : i32
      %dma_start3A_93 = tpu.memref_slice %arg3[%run_scoped3A_5, %dma_start3A_90, %dma_start3A_91, %dma_start3A_92] : memref<2x32x125x80xi32, #tpu.memory_space<hbm>> -> memref<1x32x125x80xi32, #tpu.memory_space<hbm>>
      %dma_start3A_94 = tpu.memref_squeeze %dma_start3A_93 : memref<1x32x125x80xi32, #tpu.memory_space<hbm>> -> memref<32x125x80xi32, #tpu.memory_space<hbm>>
      %dma_start3A_95 = arith.constant 0 : i32
      %dma_start3A_96 = arith.constant 0 : i32
      %dma_start3A_97 = tpu.memref_slice %dma_start3A_94[%add3A, %dma_start3A_95, %dma_start3A_96] : memref<32x125x80xi32, #tpu.memory_space<hbm>> -> memref<1x125x80xi32, #tpu.memory_space<hbm>>
      %dma_start3A_98 = tpu.memref_squeeze %dma_start3A_97 : memref<1x125x80xi32, #tpu.memory_space<hbm>> -> memref<125x80xi32, #tpu.memory_space<hbm>>
      %dma_start3A_99 = arith.constant 0 : i32
      %dma_start3A_100 = arith.constant 0 : i32
      %dma_start3A_101 = arith.constant 0 : i32
      %dma_start3A_102 = tpu.memref_slice %arg3[%run_scoped3A_5, %dma_start3A_99, %dma_start3A_100, %dma_start3A_101] : memref<2x32x125x80xi32, #tpu.memory_space<hbm>> -> memref<1x32x125x80xi32, #tpu.memory_space<hbm>>
      %dma_start3A_103 = tpu.memref_squeeze %dma_start3A_102 : memref<1x32x125x80xi32, #tpu.memory_space<hbm>> -> memref<32x125x80xi32, #tpu.memory_space<hbm>>
      %dma_start3A_104 = arith.constant 0 : i32
      %dma_start3A_105 = arith.constant 0 : i32
      %dma_start3A_106 = tpu.memref_slice %dma_start3A_103[%add3A, %dma_start3A_104, %dma_start3A_105] : memref<32x125x80xi32, #tpu.memory_space<hbm>> -> memref<1x125x80xi32, #tpu.memory_space<hbm>>
      %dma_start3A_107 = tpu.memref_squeeze %dma_start3A_106 : memref<1x125x80xi32, #tpu.memory_space<hbm>> -> memref<125x80xi32, #tpu.memory_space<hbm>>
      tpu.enqueue_dma source(%dma_start3A_107 : memref<125x80xi32, #tpu.memory_space<hbm>>) target(%arg7 : memref<125x80xi32, #tpu.memory_space<vmem>>) target_semaphore(%run_scoped3A_89 : memref<!tpu.dma_semaphore, #tpu.memory_space<semaphore_mem>>)
      %dma_wait3A = arith.constant 0 : i32
      %dma_wait3A_108 = arith.constant 0 : i32
      %dma_wait3A_109 = arith.constant 0 : i32
      %dma_wait3A_110 = tpu.memref_slice %arg3[%run_scoped3A_5, %dma_wait3A, %dma_wait3A_108, %dma_wait3A_109] : memref<2x32x125x80xi32, #tpu.memory_space<hbm>> -> memref<1x32x125x80xi32, #tpu.memory_space<hbm>>
      %dma_wait3A_111 = tpu.memref_squeeze %dma_wait3A_110 : memref<1x32x125x80xi32, #tpu.memory_space<hbm>> -> memref<32x125x80xi32, #tpu.memory_space<hbm>>
      %dma_wait3A_112 = arith.constant 0 : i32
      %dma_wait3A_113 = arith.constant 0 : i32
      %dma_wait3A_114 = tpu.memref_slice %dma_wait3A_111[%add3A, %dma_wait3A_112, %dma_wait3A_113] : memref<32x125x80xi32, #tpu.memory_space<hbm>> -> memref<1x125x80xi32, #tpu.memory_space<hbm>>
      %dma_wait3A_115 = tpu.memref_squeeze %dma_wait3A_114 : memref<1x125x80xi32, #tpu.memory_space<hbm>> -> memref<125x80xi32, #tpu.memory_space<hbm>>
      %dma_wait3A_116 = arith.constant 0 : i32
      %dma_wait3A_117 = arith.constant 0 : i32
      %dma_wait3A_118 = arith.constant 0 : i32
      %dma_wait3A_119 = tpu.memref_slice %arg3[%run_scoped3A_5, %dma_wait3A_116, %dma_wait3A_117, %dma_wait3A_118] : memref<2x32x125x80xi32, #tpu.memory_space<hbm>> -> memref<1x32x125x80xi32, #tpu.memory_space<hbm>>
      %dma_wait3A_120 = tpu.memref_squeeze %dma_wait3A_119 : memref<1x32x125x80xi32, #tpu.memory_space<hbm>> -> memref<32x125x80xi32, #tpu.memory_space<hbm>>
      %dma_wait3A_121 = arith.constant 0 : i32
      %dma_wait3A_122 = arith.constant 0 : i32
      %dma_wait3A_123 = tpu.memref_slice %dma_wait3A_120[%add3A, %dma_wait3A_121, %dma_wait3A_122] : memref<32x125x80xi32, #tpu.memory_space<hbm>> -> memref<1x125x80xi32, #tpu.memory_space<hbm>>
      %dma_wait3A_124 = tpu.memref_squeeze %dma_wait3A_123 : memref<1x125x80xi32, #tpu.memory_space<hbm>> -> memref<125x80xi32, #tpu.memory_space<hbm>>
      tpu.wait_dma2 semaphore(%run_scoped3A_89 : memref<!tpu.dma_semaphore, #tpu.memory_space<semaphore_mem>>) src(%dma_wait3A_124 : memref<125x80xi32, #tpu.memory_space<hbm>>) dst(%arg7 : memref<125x80xi32, #tpu.memory_space<vmem>>)
      tpu.yield
    }) : () -> ()
    %barrier3A = arith.constant 0 : index
    tpu.barrier barrier_id(%barrier3A)
    %dma_start3A = arith.constant 0 : i32
    %dma_start3A_6 = arith.constant 0 : i32
    %dma_start3A_7 = arith.constant 0 : i32
    %dma_start3A_8 = arith.constant 0 : i32
    %dma_start3A_9 = arith.constant 0 : i32
    %dma_start3A_10 = tpu.memref_slice %arg8[%dma_start3A_6, %dma_start3A_8, %dma_start3A_9] : memref<5x80x64xf32, #tpu.memory_space<vmem>> -> memref<1x80x64xf32, #tpu.memory_space<vmem>>
    %dma_start3A_11 = tpu.memref_squeeze %dma_start3A_10 : memref<1x80x64xf32, #tpu.memory_space<vmem>> -> memref<80x64xf32, #tpu.memory_space<vmem>>
    %dma_start3A_12 = arith.constant 0 : i32
    %dma_start3A_13 = tpu.memref_slice %arg6[%dma_start3A, %dma_start3A_12] : memref<125x80xi32, #tpu.memory_space<vmem>> -> memref<1x80xi32, #tpu.memory_space<vmem>>
    %dma_start3A_14 = tpu.memref_squeeze %dma_start3A_13 : memref<1x80xi32, #tpu.memory_space<vmem>> -> memref<80xi32, #tpu.memory_space<vmem>>
    %dma_start3A_15 = arith.constant 0 : i32
    %dma_start3A_16 = arith.constant 0 : i32
    %dma_start3A_17 = tpu.memref_slice %arg2[%dma_start3A_15, %dma_start3A_16] : memref<10000x64xf32, #tpu.memory_space<hbm>> -> memref<10000x64xf32, #tpu.memory_space<hbm>>
    %dma_start3A_18 = tpu.memref_slice %arg10[%dma_start3A_7] : memref<5x!tpu.dma_semaphore, #tpu.memory_space<semaphore_mem>> -> memref<1x!tpu.dma_semaphore, #tpu.memory_space<semaphore_mem>>
    %dma_start3A_19 = tpu.memref_squeeze %dma_start3A_18 : memref<1x!tpu.dma_semaphore, #tpu.memory_space<semaphore_mem>> -> memref<!tpu.dma_semaphore, #tpu.memory_space<semaphore_mem>>
    tpu.enqueue_indirect_dma source(%dma_start3A_17 : memref<10000x64xf32, #tpu.memory_space<hbm>>) target(%dma_start3A_11 : memref<80x64xf32, #tpu.memory_space<vmem>>) offsets(%dma_start3A_14 : memref<80xi32, #tpu.memory_space<vmem>>) semaphore(%dma_start3A_19 : memref<!tpu.dma_semaphore, #tpu.memory_space<semaphore_mem>>)
    %dma_start3A_20 = arith.constant 1 : i32
    %dma_start3A_21 = arith.constant 1 : i32
    %dma_start3A_22 = arith.constant 1 : i32
    %dma_start3A_23 = arith.constant 0 : i32
    %dma_start3A_24 = arith.constant 0 : i32
    %dma_start3A_25 = tpu.memref_slice %arg8[%dma_start3A_21, %dma_start3A_23, %dma_start3A_24] : memref<5x80x64xf32, #tpu.memory_space<vmem>> -> memref<1x80x64xf32, #tpu.memory_space<vmem>>
    %dma_start3A_26 = tpu.memref_squeeze %dma_start3A_25 : memref<1x80x64xf32, #tpu.memory_space<vmem>> -> memref<80x64xf32, #tpu.memory_space<vmem>>
    %dma_start3A_27 = arith.constant 0 : i32
    %dma_start3A_28 = tpu.memref_slice %arg6[%dma_start3A_20, %dma_start3A_27] : memref<125x80xi32, #tpu.memory_space<vmem>> -> memref<1x80xi32, #tpu.memory_space<vmem>>
    %dma_start3A_29 = tpu.memref_squeeze %dma_start3A_28 : memref<1x80xi32, #tpu.memory_space<vmem>> -> memref<80xi32, #tpu.memory_space<vmem>>
    %dma_start3A_30 = arith.constant 0 : i32
    %dma_start3A_31 = arith.constant 0 : i32
    %dma_start3A_32 = tpu.memref_slice %arg2[%dma_start3A_30, %dma_start3A_31] : memref<10000x64xf32, #tpu.memory_space<hbm>> -> memref<10000x64xf32, #tpu.memory_space<hbm>>
    %dma_start3A_33 = tpu.memref_slice %arg10[%dma_start3A_22] : memref<5x!tpu.dma_semaphore, #tpu.memory_space<semaphore_mem>> -> memref<1x!tpu.dma_semaphore, #tpu.memory_space<semaphore_mem>>
    %dma_start3A_34 = tpu.memref_squeeze %dma_start3A_33 : memref<1x!tpu.dma_semaphore, #tpu.memory_space<semaphore_mem>> -> memref<!tpu.dma_semaphore, #tpu.memory_space<semaphore_mem>>
    tpu.enqueue_indirect_dma source(%dma_start3A_32 : memref<10000x64xf32, #tpu.memory_space<hbm>>) target(%dma_start3A_26 : memref<80x64xf32, #tpu.memory_space<vmem>>) offsets(%dma_start3A_29 : memref<80xi32, #tpu.memory_space<vmem>>) semaphore(%dma_start3A_34 : memref<!tpu.dma_semaphore, #tpu.memory_space<semaphore_mem>>)
    %dma_start3A_35 = arith.constant 2 : i32
    %dma_start3A_36 = arith.constant 2 : i32
    %dma_start3A_37 = arith.constant 2 : i32
    %dma_start3A_38 = arith.constant 0 : i32
    %dma_start3A_39 = arith.constant 0 : i32
    %dma_start3A_40 = tpu.memref_slice %arg8[%dma_start3A_36, %dma_start3A_38, %dma_start3A_39] : memref<5x80x64xf32, #tpu.memory_space<vmem>> -> memref<1x80x64xf32, #tpu.memory_space<vmem>>
    %dma_start3A_41 = tpu.memref_squeeze %dma_start3A_40 : memref<1x80x64xf32, #tpu.memory_space<vmem>> -> memref<80x64xf32, #tpu.memory_space<vmem>>
    %dma_start3A_42 = arith.constant 0 : i32
    %dma_start3A_43 = tpu.memref_slice %arg6[%dma_start3A_35, %dma_start3A_42] : memref<125x80xi32, #tpu.memory_space<vmem>> -> memref<1x80xi32, #tpu.memory_space<vmem>>
    %dma_start3A_44 = tpu.memref_squeeze %dma_start3A_43 : memref<1x80xi32, #tpu.memory_space<vmem>> -> memref<80xi32, #tpu.memory_space<vmem>>
    %dma_start3A_45 = arith.constant 0 : i32
    %dma_start3A_46 = arith.constant 0 : i32
    %dma_start3A_47 = tpu.memref_slice %arg2[%dma_start3A_45, %dma_start3A_46] : memref<10000x64xf32, #tpu.memory_space<hbm>> -> memref<10000x64xf32, #tpu.memory_space<hbm>>
    %dma_start3A_48 = tpu.memref_slice %arg10[%dma_start3A_37] : memref<5x!tpu.dma_semaphore, #tpu.memory_space<semaphore_mem>> -> memref<1x!tpu.dma_semaphore, #tpu.memory_space<semaphore_mem>>
    %dma_start3A_49 = tpu.memref_squeeze %dma_start3A_48 : memref<1x!tpu.dma_semaphore, #tpu.memory_space<semaphore_mem>> -> memref<!tpu.dma_semaphore, #tpu.memory_space<semaphore_mem>>
    tpu.enqueue_indirect_dma source(%dma_start3A_47 : memref<10000x64xf32, #tpu.memory_space<hbm>>) target(%dma_start3A_41 : memref<80x64xf32, #tpu.memory_space<vmem>>) offsets(%dma_start3A_44 : memref<80xi32, #tpu.memory_space<vmem>>) semaphore(%dma_start3A_49 : memref<!tpu.dma_semaphore, #tpu.memory_space<semaphore_mem>>)
    %dma_start3A_50 = arith.constant 3 : i32
    %dma_start3A_51 = arith.constant 3 : i32
    %dma_start3A_52 = arith.constant 3 : i32
    %dma_start3A_53 = arith.constant 0 : i32
    %dma_start3A_54 = arith.constant 0 : i32
    %dma_start3A_55 = tpu.memref_slice %arg8[%dma_start3A_51, %dma_start3A_53, %dma_start3A_54] : memref<5x80x64xf32, #tpu.memory_space<vmem>> -> memref<1x80x64xf32, #tpu.memory_space<vmem>>
    %dma_start3A_56 = tpu.memref_squeeze %dma_start3A_55 : memref<1x80x64xf32, #tpu.memory_space<vmem>> -> memref<80x64xf32, #tpu.memory_space<vmem>>
    %dma_start3A_57 = arith.constant 0 : i32
    %dma_start3A_58 = tpu.memref_slice %arg6[%dma_start3A_50, %dma_start3A_57] : memref<125x80xi32, #tpu.memory_space<vmem>> -> memref<1x80xi32, #tpu.memory_space<vmem>>
    %dma_start3A_59 = tpu.memref_squeeze %dma_start3A_58 : memref<1x80xi32, #tpu.memory_space<vmem>> -> memref<80xi32, #tpu.memory_space<vmem>>
    %dma_start3A_60 = arith.constant 0 : i32
    %dma_start3A_61 = arith.constant 0 : i32
    %dma_start3A_62 = tpu.memref_slice %arg2[%dma_start3A_60, %dma_start3A_61] : memref<10000x64xf32, #tpu.memory_space<hbm>> -> memref<10000x64xf32, #tpu.memory_space<hbm>>
    %dma_start3A_63 = tpu.memref_slice %arg10[%dma_start3A_52] : memref<5x!tpu.dma_semaphore, #tpu.memory_space<semaphore_mem>> -> memref<1x!tpu.dma_semaphore, #tpu.memory_space<semaphore_mem>>
    %dma_start3A_64 = tpu.memref_squeeze %dma_start3A_63 : memref<1x!tpu.dma_semaphore, #tpu.memory_space<semaphore_mem>> -> memref<!tpu.dma_semaphore, #tpu.memory_space<semaphore_mem>>
    tpu.enqueue_indirect_dma source(%dma_start3A_62 : memref<10000x64xf32, #tpu.memory_space<hbm>>) target(%dma_start3A_56 : memref<80x64xf32, #tpu.memory_space<vmem>>) offsets(%dma_start3A_59 : memref<80xi32, #tpu.memory_space<vmem>>) semaphore(%dma_start3A_64 : memref<!tpu.dma_semaphore, #tpu.memory_space<semaphore_mem>>)
    %dma_start3A_65 = arith.constant 4 : i32
    %dma_start3A_66 = arith.constant 4 : i32
    %dma_start3A_67 = arith.constant 4 : i32
    %dma_start3A_68 = arith.constant 0 : i32
    %dma_start3A_69 = arith.constant 0 : i32
    %dma_start3A_70 = tpu.memref_slice %arg8[%dma_start3A_66, %dma_start3A_68, %dma_start3A_69] : memref<5x80x64xf32, #tpu.memory_space<vmem>> -> memref<1x80x64xf32, #tpu.memory_space<vmem>>
    %dma_start3A_71 = tpu.memref_squeeze %dma_start3A_70 : memref<1x80x64xf32, #tpu.memory_space<vmem>> -> memref<80x64xf32, #tpu.memory_space<vmem>>
    %dma_start3A_72 = arith.constant 0 : i32
    %dma_start3A_73 = tpu.memref_slice %arg6[%dma_start3A_65, %dma_start3A_72] : memref<125x80xi32, #tpu.memory_space<vmem>> -> memref<1x80xi32, #tpu.memory_space<vmem>>
    %dma_start3A_74 = tpu.memref_squeeze %dma_start3A_73 : memref<1x80xi32, #tpu.memory_space<vmem>> -> memref<80xi32, #tpu.memory_space<vmem>>
    %dma_start3A_75 = arith.constant 0 : i32
    %dma_start3A_76 = arith.constant 0 : i32
    %dma_start3A_77 = tpu.memref_slice %arg2[%dma_start3A_75, %dma_start3A_76] : memref<10000x64xf32, #tpu.memory_space<hbm>> -> memref<10000x64xf32, #tpu.memory_space<hbm>>
    %dma_start3A_78 = tpu.memref_slice %arg10[%dma_start3A_67] : memref<5x!tpu.dma_semaphore, #tpu.memory_space<semaphore_mem>> -> memref<1x!tpu.dma_semaphore, #tpu.memory_space<semaphore_mem>>
    %dma_start3A_79 = tpu.memref_squeeze %dma_start3A_78 : memref<1x!tpu.dma_semaphore, #tpu.memory_space<semaphore_mem>> -> memref<!tpu.dma_semaphore, #tpu.memory_space<semaphore_mem>>
    tpu.enqueue_indirect_dma source(%dma_start3A_77 : memref<10000x64xf32, #tpu.memory_space<hbm>>) target(%dma_start3A_71 : memref<80x64xf32, #tpu.memory_space<vmem>>) offsets(%dma_start3A_74 : memref<80xi32, #tpu.memory_space<vmem>>) semaphore(%dma_start3A_79 : memref<!tpu.dma_semaphore, #tpu.memory_space<semaphore_mem>>)
    %scan3A = arith.constant 0 : i32
    %scan3A_80 = arith.constant 25 : i32
    %scan3A_81 = arith.addi %scan3A, %scan3A_80 : i32
    %scan3A_82 = arith.constant 1 : i32
    scf.for %scan3A_89 = %scan3A to %scan3A_81 step %scan3A_82  : i32 {
      %mul3A_90 = arith.constant 5 : i32
      %mul3A_91 = arith.muli %scan3A_89, %mul3A_90 : i32
      %add3A_92 = arith.constant 0 : i32
      %add3A_93 = arith.addi %add3A_92, %mul3A_91 : i32
      %add3A_94 = arith.constant 0 : i32
      %add3A_95 = arith.addi %add3A_93, %add3A_94 : i32
      %dma_wait3A = arith.constant 0 : i32
      %dma_wait3A_96 = arith.constant 0 : i32
      %dma_wait3A_97 = arith.constant 0 : i32
      %dma_wait3A_98 = arith.constant 0 : i32
      %dma_wait3A_99 = tpu.memref_slice %arg8[%dma_wait3A, %dma_wait3A_97, %dma_wait3A_98] : memref<5x80x64xf32, #tpu.memory_space<vmem>> -> memref<1x80x64xf32, #tpu.memory_space<vmem>>
      %dma_wait3A_100 = tpu.memref_squeeze %dma_wait3A_99 : memref<1x80x64xf32, #tpu.memory_space<vmem>> -> memref<80x64xf32, #tpu.memory_space<vmem>>
      %dma_wait3A_101 = arith.constant 0 : i32
      %dma_wait3A_102 = tpu.memref_slice %arg6[%add3A_95, %dma_wait3A_101] : memref<125x80xi32, #tpu.memory_space<vmem>> -> memref<1x80xi32, #tpu.memory_space<vmem>>
      %dma_wait3A_103 = tpu.memref_squeeze %dma_wait3A_102 : memref<1x80xi32, #tpu.memory_space<vmem>> -> memref<80xi32, #tpu.memory_space<vmem>>
      %dma_wait3A_104 = arith.constant 0 : i32
      %dma_wait3A_105 = arith.constant 0 : i32
      %dma_wait3A_106 = tpu.memref_slice %arg2[%dma_wait3A_104, %dma_wait3A_105] : memref<10000x64xf32, #tpu.memory_space<hbm>> -> memref<10000x64xf32, #tpu.memory_space<hbm>>
      %dma_wait3A_107 = tpu.memref_slice %arg10[%dma_wait3A_96] : memref<5x!tpu.dma_semaphore, #tpu.memory_space<semaphore_mem>> -> memref<1x!tpu.dma_semaphore, #tpu.memory_space<semaphore_mem>>
      %dma_wait3A_108 = tpu.memref_squeeze %dma_wait3A_107 : memref<1x!tpu.dma_semaphore, #tpu.memory_space<semaphore_mem>> -> memref<!tpu.dma_semaphore, #tpu.memory_space<semaphore_mem>>
      tpu.wait_indirect_dma semaphore(%dma_wait3A_108 : memref<!tpu.dma_semaphore, #tpu.memory_space<semaphore_mem>>) src(%dma_wait3A_106 : memref<10000x64xf32, #tpu.memory_space<hbm>>) dst(%dma_wait3A_100 : memref<80x64xf32, #tpu.memory_space<vmem>>)
      %add3A_109 = arith.constant 0 : i32
      %add3A_110 = arith.addi %add3A_93, %add3A_109 : i32
      %dma_start3A_111 = arith.constant 0 : i32
      %dma_start3A_112 = arith.constant 0 : i32
      %dma_start3A_113 = arith.constant 0 : i32
      %dma_start3A_114 = arith.constant 0 : i32
      %dma_start3A_115 = tpu.memref_slice %arg8[%dma_start3A_111, %dma_start3A_113, %dma_start3A_114] : memref<5x80x64xf32, #tpu.memory_space<vmem>> -> memref<1x80x64xf32, #tpu.memory_space<vmem>>
      %dma_start3A_116 = tpu.memref_squeeze %dma_start3A_115 : memref<1x80x64xf32, #tpu.memory_space<vmem>> -> memref<80x64xf32, #tpu.memory_space<vmem>>
      %dma_start3A_117 = arith.constant 0 : i32
      %dma_start3A_118 = tpu.memref_slice %arg7[%add3A_110, %dma_start3A_117] : memref<125x80xi32, #tpu.memory_space<vmem>> -> memref<1x80xi32, #tpu.memory_space<vmem>>
      %dma_start3A_119 = tpu.memref_squeeze %dma_start3A_118 : memref<1x80xi32, #tpu.memory_space<vmem>> -> memref<80xi32, #tpu.memory_space<vmem>>
      %dma_start3A_120 = arith.constant 0 : i32
      %dma_start3A_121 = arith.constant 0 : i32
      %dma_start3A_122 = tpu.memref_slice %arg9[%dma_start3A_120, %dma_start3A_121] : memref<10240x64xf32, #tpu.memory_space<vmem_shared>> -> memref<10240x64xf32, #tpu.memory_space<vmem_shared>>
      %dma_start3A_123 = tpu.memref_slice %arg11[%dma_start3A_112] : memref<5x!tpu.dma_semaphore, #tpu.memory_space<semaphore_mem>> -> memref<1x!tpu.dma_semaphore, #tpu.memory_space<semaphore_mem>>
      %dma_start3A_124 = tpu.memref_squeeze %dma_start3A_123 : memref<1x!tpu.dma_semaphore, #tpu.memory_space<semaphore_mem>> -> memref<!tpu.dma_semaphore, #tpu.memory_space<semaphore_mem>>
      tpu.enqueue_indirect_dma source(%dma_start3A_116 : memref<80x64xf32, #tpu.memory_space<vmem>>) target(%dma_start3A_122 : memref<10240x64xf32, #tpu.memory_space<vmem_shared>>) offsets(%dma_start3A_119 : memref<80xi32, #tpu.memory_space<vmem>>) semaphore(%dma_start3A_124 : memref<!tpu.dma_semaphore, #tpu.memory_space<semaphore_mem>>) {add = true}
      %add3A_125 = arith.constant 1 : i32
      %add3A_126 = arith.addi %add3A_93, %add3A_125 : i32
      %dma_wait3A_127 = arith.constant 1 : i32
      %dma_wait3A_128 = arith.constant 1 : i32
      %dma_wait3A_129 = arith.constant 0 : i32
      %dma_wait3A_130 = arith.constant 0 : i32
      %dma_wait3A_131 = tpu.memref_slice %arg8[%dma_wait3A_127, %dma_wait3A_129, %dma_wait3A_130] : memref<5x80x64xf32, #tpu.memory_space<vmem>> -> memref<1x80x64xf32, #tpu.memory_space<vmem>>
      %dma_wait3A_132 = tpu.memref_squeeze %dma_wait3A_131 : memref<1x80x64xf32, #tpu.memory_space<vmem>> -> memref<80x64xf32, #tpu.memory_space<vmem>>
      %dma_wait3A_133 = arith.constant 0 : i32
      %dma_wait3A_134 = tpu.memref_slice %arg6[%add3A_126, %dma_wait3A_133] : memref<125x80xi32, #tpu.memory_space<vmem>> -> memref<1x80xi32, #tpu.memory_space<vmem>>
      %dma_wait3A_135 = tpu.memref_squeeze %dma_wait3A_134 : memref<1x80xi32, #tpu.memory_space<vmem>> -> memref<80xi32, #tpu.memory_space<vmem>>
      %dma_wait3A_136 = arith.constant 0 : i32
      %dma_wait3A_137 = arith.constant 0 : i32
      %dma_wait3A_138 = tpu.memref_slice %arg2[%dma_wait3A_136, %dma_wait3A_137] : memref<10000x64xf32, #tpu.memory_space<hbm>> -> memref<10000x64xf32, #tpu.memory_space<hbm>>
      %dma_wait3A_139 = tpu.memref_slice %arg10[%dma_wait3A_128] : memref<5x!tpu.dma_semaphore, #tpu.memory_space<semaphore_mem>> -> memref<1x!tpu.dma_semaphore, #tpu.memory_space<semaphore_mem>>
      %dma_wait3A_140 = tpu.memref_squeeze %dma_wait3A_139 : memref<1x!tpu.dma_semaphore, #tpu.memory_space<semaphore_mem>> -> memref<!tpu.dma_semaphore, #tpu.memory_space<semaphore_mem>>
      tpu.wait_indirect_dma semaphore(%dma_wait3A_140 : memref<!tpu.dma_semaphore, #tpu.memory_space<semaphore_mem>>) src(%dma_wait3A_138 : memref<10000x64xf32, #tpu.memory_space<hbm>>) dst(%dma_wait3A_132 : memref<80x64xf32, #tpu.memory_space<vmem>>)
      %add3A_141 = arith.constant 1 : i32
      %add3A_142 = arith.addi %add3A_93, %add3A_141 : i32
      %dma_start3A_143 = arith.constant 1 : i32
      %dma_start3A_144 = arith.constant 1 : i32
      %dma_start3A_145 = arith.constant 0 : i32
      %dma_start3A_146 = arith.constant 0 : i32
      %dma_start3A_147 = tpu.memref_slice %arg8[%dma_start3A_143, %dma_start3A_145, %dma_start3A_146] : memref<5x80x64xf32, #tpu.memory_space<vmem>> -> memref<1x80x64xf32, #tpu.memory_space<vmem>>
      %dma_start3A_148 = tpu.memref_squeeze %dma_start3A_147 : memref<1x80x64xf32, #tpu.memory_space<vmem>> -> memref<80x64xf32, #tpu.memory_space<vmem>>
      %dma_start3A_149 = arith.constant 0 : i32
      %dma_start3A_150 = tpu.memref_slice %arg7[%add3A_142, %dma_start3A_149] : memref<125x80xi32, #tpu.memory_space<vmem>> -> memref<1x80xi32, #tpu.memory_space<vmem>>
      %dma_start3A_151 = tpu.memref_squeeze %dma_start3A_150 : memref<1x80xi32, #tpu.memory_space<vmem>> -> memref<80xi32, #tpu.memory_space<vmem>>
      %dma_start3A_152 = arith.constant 0 : i32
      %dma_start3A_153 = arith.constant 0 : i32
      %dma_start3A_154 = tpu.memref_slice %arg9[%dma_start3A_152, %dma_start3A_153] : memref<10240x64xf32, #tpu.memory_space<vmem_shared>> -> memref<10240x64xf32, #tpu.memory_space<vmem_shared>>
      %dma_start3A_155 = tpu.memref_slice %arg11[%dma_start3A_144] : memref<5x!tpu.dma_semaphore, #tpu.memory_space<semaphore_mem>> -> memref<1x!tpu.dma_semaphore, #tpu.memory_space<semaphore_mem>>
      %dma_start3A_156 = tpu.memref_squeeze %dma_start3A_155 : memref<1x!tpu.dma_semaphore, #tpu.memory_space<semaphore_mem>> -> memref<!tpu.dma_semaphore, #tpu.memory_space<semaphore_mem>>
      tpu.enqueue_indirect_dma source(%dma_start3A_148 : memref<80x64xf32, #tpu.memory_space<vmem>>) target(%dma_start3A_154 : memref<10240x64xf32, #tpu.memory_space<vmem_shared>>) offsets(%dma_start3A_151 : memref<80xi32, #tpu.memory_space<vmem>>) semaphore(%dma_start3A_156 : memref<!tpu.dma_semaphore, #tpu.memory_space<semaphore_mem>>) {add = true}
      %add3A_157 = arith.constant 2 : i32
      %add3A_158 = arith.addi %add3A_93, %add3A_157 : i32
      %dma_wait3A_159 = arith.constant 2 : i32
      %dma_wait3A_160 = arith.constant 2 : i32
      %dma_wait3A_161 = arith.constant 0 : i32
      %dma_wait3A_162 = arith.constant 0 : i32
      %dma_wait3A_163 = tpu.memref_slice %arg8[%dma_wait3A_159, %dma_wait3A_161, %dma_wait3A_162] : memref<5x80x64xf32, #tpu.memory_space<vmem>> -> memref<1x80x64xf32, #tpu.memory_space<vmem>>
      %dma_wait3A_164 = tpu.memref_squeeze %dma_wait3A_163 : memref<1x80x64xf32, #tpu.memory_space<vmem>> -> memref<80x64xf32, #tpu.memory_space<vmem>>
      %dma_wait3A_165 = arith.constant 0 : i32
      %dma_wait3A_166 = tpu.memref_slice %arg6[%add3A_158, %dma_wait3A_165] : memref<125x80xi32, #tpu.memory_space<vmem>> -> memref<1x80xi32, #tpu.memory_space<vmem>>
      %dma_wait3A_167 = tpu.memref_squeeze %dma_wait3A_166 : memref<1x80xi32, #tpu.memory_space<vmem>> -> memref<80xi32, #tpu.memory_space<vmem>>
      %dma_wait3A_168 = arith.constant 0 : i32
      %dma_wait3A_169 = arith.constant 0 : i32
      %dma_wait3A_170 = tpu.memref_slice %arg2[%dma_wait3A_168, %dma_wait3A_169] : memref<10000x64xf32, #tpu.memory_space<hbm>> -> memref<10000x64xf32, #tpu.memory_space<hbm>>
      %dma_wait3A_171 = tpu.memref_slice %arg10[%dma_wait3A_160] : memref<5x!tpu.dma_semaphore, #tpu.memory_space<semaphore_mem>> -> memref<1x!tpu.dma_semaphore, #tpu.memory_space<semaphore_mem>>
      %dma_wait3A_172 = tpu.memref_squeeze %dma_wait3A_171 : memref<1x!tpu.dma_semaphore, #tpu.memory_space<semaphore_mem>> -> memref<!tpu.dma_semaphore, #tpu.memory_space<semaphore_mem>>
      tpu.wait_indirect_dma semaphore(%dma_wait3A_172 : memref<!tpu.dma_semaphore, #tpu.memory_space<semaphore_mem>>) src(%dma_wait3A_170 : memref<10000x64xf32, #tpu.memory_space<hbm>>) dst(%dma_wait3A_164 : memref<80x64xf32, #tpu.memory_space<vmem>>)
      %add3A_173 = arith.constant 2 : i32
      %add3A_174 = arith.addi %add3A_93, %add3A_173 : i32
      %dma_start3A_175 = arith.constant 2 : i32
      %dma_start3A_176 = arith.constant 2 : i32
      %dma_start3A_177 = arith.constant 0 : i32
      %dma_start3A_178 = arith.constant 0 : i32
      %dma_start3A_179 = tpu.memref_slice %arg8[%dma_start3A_175, %dma_start3A_177, %dma_start3A_178] : memref<5x80x64xf32, #tpu.memory_space<vmem>> -> memref<1x80x64xf32, #tpu.memory_space<vmem>>
      %dma_start3A_180 = tpu.memref_squeeze %dma_start3A_179 : memref<1x80x64xf32, #tpu.memory_space<vmem>> -> memref<80x64xf32, #tpu.memory_space<vmem>>
      %dma_start3A_181 = arith.constant 0 : i32
      %dma_start3A_182 = tpu.memref_slice %arg7[%add3A_174, %dma_start3A_181] : memref<125x80xi32, #tpu.memory_space<vmem>> -> memref<1x80xi32, #tpu.memory_space<vmem>>
      %dma_start3A_183 = tpu.memref_squeeze %dma_start3A_182 : memref<1x80xi32, #tpu.memory_space<vmem>> -> memref<80xi32, #tpu.memory_space<vmem>>
      %dma_start3A_184 = arith.constant 0 : i32
      %dma_start3A_185 = arith.constant 0 : i32
      %dma_start3A_186 = tpu.memref_slice %arg9[%dma_start3A_184, %dma_start3A_185] : memref<10240x64xf32, #tpu.memory_space<vmem_shared>> -> memref<10240x64xf32, #tpu.memory_space<vmem_shared>>
      %dma_start3A_187 = tpu.memref_slice %arg11[%dma_start3A_176] : memref<5x!tpu.dma_semaphore, #tpu.memory_space<semaphore_mem>> -> memref<1x!tpu.dma_semaphore, #tpu.memory_space<semaphore_mem>>
      %dma_start3A_188 = tpu.memref_squeeze %dma_start3A_187 : memref<1x!tpu.dma_semaphore, #tpu.memory_space<semaphore_mem>> -> memref<!tpu.dma_semaphore, #tpu.memory_space<semaphore_mem>>
      tpu.enqueue_indirect_dma source(%dma_start3A_180 : memref<80x64xf32, #tpu.memory_space<vmem>>) target(%dma_start3A_186 : memref<10240x64xf32, #tpu.memory_space<vmem_shared>>) offsets(%dma_start3A_183 : memref<80xi32, #tpu.memory_space<vmem>>) semaphore(%dma_start3A_188 : memref<!tpu.dma_semaphore, #tpu.memory_space<semaphore_mem>>) {add = true}
      %add3A_189 = arith.constant 3 : i32
      %add3A_190 = arith.addi %add3A_93, %add3A_189 : i32
      %dma_wait3A_191 = arith.constant 3 : i32
      %dma_wait3A_192 = arith.constant 3 : i32
      %dma_wait3A_193 = arith.constant 0 : i32
      %dma_wait3A_194 = arith.constant 0 : i32
      %dma_wait3A_195 = tpu.memref_slice %arg8[%dma_wait3A_191, %dma_wait3A_193, %dma_wait3A_194] : memref<5x80x64xf32, #tpu.memory_space<vmem>> -> memref<1x80x64xf32, #tpu.memory_space<vmem>>
      %dma_wait3A_196 = tpu.memref_squeeze %dma_wait3A_195 : memref<1x80x64xf32, #tpu.memory_space<vmem>> -> memref<80x64xf32, #tpu.memory_space<vmem>>
      %dma_wait3A_197 = arith.constant 0 : i32
      %dma_wait3A_198 = tpu.memref_slice %arg6[%add3A_190, %dma_wait3A_197] : memref<125x80xi32, #tpu.memory_space<vmem>> -> memref<1x80xi32, #tpu.memory_space<vmem>>
      %dma_wait3A_199 = tpu.memref_squeeze %dma_wait3A_198 : memref<1x80xi32, #tpu.memory_space<vmem>> -> memref<80xi32, #tpu.memory_space<vmem>>
      %dma_wait3A_200 = arith.constant 0 : i32
      %dma_wait3A_201 = arith.constant 0 : i32
      %dma_wait3A_202 = tpu.memref_slice %arg2[%dma_wait3A_200, %dma_wait3A_201] : memref<10000x64xf32, #tpu.memory_space<hbm>> -> memref<10000x64xf32, #tpu.memory_space<hbm>>
      %dma_wait3A_203 = tpu.memref_slice %arg10[%dma_wait3A_192] : memref<5x!tpu.dma_semaphore, #tpu.memory_space<semaphore_mem>> -> memref<1x!tpu.dma_semaphore, #tpu.memory_space<semaphore_mem>>
      %dma_wait3A_204 = tpu.memref_squeeze %dma_wait3A_203 : memref<1x!tpu.dma_semaphore, #tpu.memory_space<semaphore_mem>> -> memref<!tpu.dma_semaphore, #tpu.memory_space<semaphore_mem>>
      tpu.wait_indirect_dma semaphore(%dma_wait3A_204 : memref<!tpu.dma_semaphore, #tpu.memory_space<semaphore_mem>>) src(%dma_wait3A_202 : memref<10000x64xf32, #tpu.memory_space<hbm>>) dst(%dma_wait3A_196 : memref<80x64xf32, #tpu.memory_space<vmem>>)
      %add3A_205 = arith.constant 3 : i32
      %add3A_206 = arith.addi %add3A_93, %add3A_205 : i32
      %dma_start3A_207 = arith.constant 3 : i32
      %dma_start3A_208 = arith.constant 3 : i32
      %dma_start3A_209 = arith.constant 0 : i32
      %dma_start3A_210 = arith.constant 0 : i32
      %dma_start3A_211 = tpu.memref_slice %arg8[%dma_start3A_207, %dma_start3A_209, %dma_start3A_210] : memref<5x80x64xf32, #tpu.memory_space<vmem>> -> memref<1x80x64xf32, #tpu.memory_space<vmem>>
      %dma_start3A_212 = tpu.memref_squeeze %dma_start3A_211 : memref<1x80x64xf32, #tpu.memory_space<vmem>> -> memref<80x64xf32, #tpu.memory_space<vmem>>
      %dma_start3A_213 = arith.constant 0 : i32
      %dma_start3A_214 = tpu.memref_slice %arg7[%add3A_206, %dma_start3A_213] : memref<125x80xi32, #tpu.memory_space<vmem>> -> memref<1x80xi32, #tpu.memory_space<vmem>>
      %dma_start3A_215 = tpu.memref_squeeze %dma_start3A_214 : memref<1x80xi32, #tpu.memory_space<vmem>> -> memref<80xi32, #tpu.memory_space<vmem>>
      %dma_start3A_216 = arith.constant 0 : i32
      %dma_start3A_217 = arith.constant 0 : i32
      %dma_start3A_218 = tpu.memref_slice %arg9[%dma_start3A_216, %dma_start3A_217] : memref<10240x64xf32, #tpu.memory_space<vmem_shared>> -> memref<10240x64xf32, #tpu.memory_space<vmem_shared>>
      %dma_start3A_219 = tpu.memref_slice %arg11[%dma_start3A_208] : memref<5x!tpu.dma_semaphore, #tpu.memory_space<semaphore_mem>> -> memref<1x!tpu.dma_semaphore, #tpu.memory_space<semaphore_mem>>
      %dma_start3A_220 = tpu.memref_squeeze %dma_start3A_219 : memref<1x!tpu.dma_semaphore, #tpu.memory_space<semaphore_mem>> -> memref<!tpu.dma_semaphore, #tpu.memory_space<semaphore_mem>>
      tpu.enqueue_indirect_dma source(%dma_start3A_212 : memref<80x64xf32, #tpu.memory_space<vmem>>) target(%dma_start3A_218 : memref<10240x64xf32, #tpu.memory_space<vmem_shared>>) offsets(%dma_start3A_215 : memref<80xi32, #tpu.memory_space<vmem>>) semaphore(%dma_start3A_220 : memref<!tpu.dma_semaphore, #tpu.memory_space<semaphore_mem>>) {add = true}
      %add3A_221 = arith.constant 4 : i32
      %add3A_222 = arith.addi %add3A_93, %add3A_221 : i32
      %dma_wait3A_223 = arith.constant 4 : i32
      %dma_wait3A_224 = arith.constant 4 : i32
      %dma_wait3A_225 = arith.constant 0 : i32
      %dma_wait3A_226 = arith.constant 0 : i32
      %dma_wait3A_227 = tpu.memref_slice %arg8[%dma_wait3A_223, %dma_wait3A_225, %dma_wait3A_226] : memref<5x80x64xf32, #tpu.memory_space<vmem>> -> memref<1x80x64xf32, #tpu.memory_space<vmem>>
      %dma_wait3A_228 = tpu.memref_squeeze %dma_wait3A_227 : memref<1x80x64xf32, #tpu.memory_space<vmem>> -> memref<80x64xf32, #tpu.memory_space<vmem>>
      %dma_wait3A_229 = arith.constant 0 : i32
      %dma_wait3A_230 = tpu.memref_slice %arg6[%add3A_222, %dma_wait3A_229] : memref<125x80xi32, #tpu.memory_space<vmem>> -> memref<1x80xi32, #tpu.memory_space<vmem>>
      %dma_wait3A_231 = tpu.memref_squeeze %dma_wait3A_230 : memref<1x80xi32, #tpu.memory_space<vmem>> -> memref<80xi32, #tpu.memory_space<vmem>>
      %dma_wait3A_232 = arith.constant 0 : i32
      %dma_wait3A_233 = arith.constant 0 : i32
      %dma_wait3A_234 = tpu.memref_slice %arg2[%dma_wait3A_232, %dma_wait3A_233] : memref<10000x64xf32, #tpu.memory_space<hbm>> -> memref<10000x64xf32, #tpu.memory_space<hbm>>
      %dma_wait3A_235 = tpu.memref_slice %arg10[%dma_wait3A_224] : memref<5x!tpu.dma_semaphore, #tpu.memory_space<semaphore_mem>> -> memref<1x!tpu.dma_semaphore, #tpu.memory_space<semaphore_mem>>
      %dma_wait3A_236 = tpu.memref_squeeze %dma_wait3A_235 : memref<1x!tpu.dma_semaphore, #tpu.memory_space<semaphore_mem>> -> memref<!tpu.dma_semaphore, #tpu.memory_space<semaphore_mem>>
      tpu.wait_indirect_dma semaphore(%dma_wait3A_236 : memref<!tpu.dma_semaphore, #tpu.memory_space<semaphore_mem>>) src(%dma_wait3A_234 : memref<10000x64xf32, #tpu.memory_space<hbm>>) dst(%dma_wait3A_228 : memref<80x64xf32, #tpu.memory_space<vmem>>)
      %add3A_237 = arith.constant 4 : i32
      %add3A_238 = arith.addi %add3A_93, %add3A_237 : i32
      %dma_start3A_239 = arith.constant 4 : i32
      %dma_start3A_240 = arith.constant 4 : i32
      %dma_start3A_241 = arith.constant 0 : i32
      %dma_start3A_242 = arith.constant 0 : i32
      %dma_start3A_243 = tpu.memref_slice %arg8[%dma_start3A_239, %dma_start3A_241, %dma_start3A_242] : memref<5x80x64xf32, #tpu.memory_space<vmem>> -> memref<1x80x64xf32, #tpu.memory_space<vmem>>
      %dma_start3A_244 = tpu.memref_squeeze %dma_start3A_243 : memref<1x80x64xf32, #tpu.memory_space<vmem>> -> memref<80x64xf32, #tpu.memory_space<vmem>>
      %dma_start3A_245 = arith.constant 0 : i32
      %dma_start3A_246 = tpu.memref_slice %arg7[%add3A_238, %dma_start3A_245] : memref<125x80xi32, #tpu.memory_space<vmem>> -> memref<1x80xi32, #tpu.memory_space<vmem>>
      %dma_start3A_247 = tpu.memref_squeeze %dma_start3A_246 : memref<1x80xi32, #tpu.memory_space<vmem>> -> memref<80xi32, #tpu.memory_space<vmem>>
      %dma_start3A_248 = arith.constant 0 : i32
      %dma_start3A_249 = arith.constant 0 : i32
      %dma_start3A_250 = tpu.memref_slice %arg9[%dma_start3A_248, %dma_start3A_249] : memref<10240x64xf32, #tpu.memory_space<vmem_shared>> -> memref<10240x64xf32, #tpu.memory_space<vmem_shared>>
      %dma_start3A_251 = tpu.memref_slice %arg11[%dma_start3A_240] : memref<5x!tpu.dma_semaphore, #tpu.memory_space<semaphore_mem>> -> memref<1x!tpu.dma_semaphore, #tpu.memory_space<semaphore_mem>>
      %dma_start3A_252 = tpu.memref_squeeze %dma_start3A_251 : memref<1x!tpu.dma_semaphore, #tpu.memory_space<semaphore_mem>> -> memref<!tpu.dma_semaphore, #tpu.memory_space<semaphore_mem>>
      tpu.enqueue_indirect_dma source(%dma_start3A_244 : memref<80x64xf32, #tpu.memory_space<vmem>>) target(%dma_start3A_250 : memref<10240x64xf32, #tpu.memory_space<vmem_shared>>) offsets(%dma_start3A_247 : memref<80xi32, #tpu.memory_space<vmem>>) semaphore(%dma_start3A_252 : memref<!tpu.dma_semaphore, #tpu.memory_space<semaphore_mem>>) {add = true}
      %dma_wait3A_253 = arith.constant 0 : i32
      %dma_wait3A_254 = arith.constant 0 : i32
      %dma_wait3A_255 = arith.constant 0 : i32
      %dma_wait3A_256 = arith.constant 0 : i32
      %dma_wait3A_257 = tpu.memref_slice %arg8[%dma_wait3A_253, %dma_wait3A_255, %dma_wait3A_256] : memref<5x80x64xf32, #tpu.memory_space<vmem>> -> memref<1x80x64xf32, #tpu.memory_space<vmem>>
      %dma_wait3A_258 = tpu.memref_squeeze %dma_wait3A_257 : memref<1x80x64xf32, #tpu.memory_space<vmem>> -> memref<80x64xf32, #tpu.memory_space<vmem>>
      %dma_wait3A_259 = arith.constant 0 : i32
      %dma_wait3A_260 = tpu.memref_slice %arg7[%add3A_110, %dma_wait3A_259] : memref<125x80xi32, #tpu.memory_space<vmem>> -> memref<1x80xi32, #tpu.memory_space<vmem>>
      %dma_wait3A_261 = tpu.memref_squeeze %dma_wait3A_260 : memref<1x80xi32, #tpu.memory_space<vmem>> -> memref<80xi32, #tpu.memory_space<vmem>>
      %dma_wait3A_262 = arith.constant 0 : i32
      %dma_wait3A_263 = arith.constant 0 : i32
      %dma_wait3A_264 = tpu.memref_slice %arg9[%dma_wait3A_262, %dma_wait3A_263] : memref<10240x64xf32, #tpu.memory_space<vmem_shared>> -> memref<10240x64xf32, #tpu.memory_space<vmem_shared>>
      %dma_wait3A_265 = tpu.memref_slice %arg11[%dma_wait3A_254] : memref<5x!tpu.dma_semaphore, #tpu.memory_space<semaphore_mem>> -> memref<1x!tpu.dma_semaphore, #tpu.memory_space<semaphore_mem>>
      %dma_wait3A_266 = tpu.memref_squeeze %dma_wait3A_265 : memref<1x!tpu.dma_semaphore, #tpu.memory_space<semaphore_mem>> -> memref<!tpu.dma_semaphore, #tpu.memory_space<semaphore_mem>>
      tpu.wait_indirect_dma semaphore(%dma_wait3A_266 : memref<!tpu.dma_semaphore, #tpu.memory_space<semaphore_mem>>) src(%dma_wait3A_258 : memref<80x64xf32, #tpu.memory_space<vmem>>) dst(%dma_wait3A_264 : memref<10240x64xf32, #tpu.memory_space<vmem_shared>>)
      %add3A_267 = arith.constant 5 : i32
      %add3A_268 = arith.addi %add3A_93, %add3A_267 : i32
      %add3A_269 = arith.constant 0 : i32
      %add3A_270 = arith.addi %add3A_268, %add3A_269 : i32
      %lt3A = arith.constant 125 : i32
      %lt3A_271 = arith.cmpi slt, %add3A_270, %lt3A : i32
      %convert_element_type3A = arith.extui %lt3A_271 : i1 to i32
      %cond3A = arith.constant 0 : i32
      %cond3A_272 = arith.cmpi ne, %convert_element_type3A, %cond3A : i32
      scf.if %cond3A_272 {
        %add3A_365 = arith.constant 5 : i32
        %add3A_366 = arith.addi %add3A_93, %add3A_365 : i32
        %add3A_367 = arith.constant 0 : i32
        %add3A_368 = arith.addi %add3A_366, %add3A_367 : i32
        %dma_start3A_369 = arith.constant 0 : i32
        %dma_start3A_370 = arith.constant 0 : i32
        %dma_start3A_371 = arith.constant 0 : i32
        %dma_start3A_372 = arith.constant 0 : i32
        %dma_start3A_373 = tpu.memref_slice %arg8[%dma_start3A_369, %dma_start3A_371, %dma_start3A_372] : memref<5x80x64xf32, #tpu.memory_space<vmem>> -> memref<1x80x64xf32, #tpu.memory_space<vmem>>
        %dma_start3A_374 = tpu.memref_squeeze %dma_start3A_373 : memref<1x80x64xf32, #tpu.memory_space<vmem>> -> memref<80x64xf32, #tpu.memory_space<vmem>>
        %dma_start3A_375 = arith.constant 0 : i32
        %dma_start3A_376 = tpu.memref_slice %arg6[%add3A_368, %dma_start3A_375] : memref<125x80xi32, #tpu.memory_space<vmem>> -> memref<1x80xi32, #tpu.memory_space<vmem>>
        %dma_start3A_377 = tpu.memref_squeeze %dma_start3A_376 : memref<1x80xi32, #tpu.memory_space<vmem>> -> memref<80xi32, #tpu.memory_space<vmem>>
        %dma_start3A_378 = arith.constant 0 : i32
        %dma_start3A_379 = arith.constant 0 : i32
        %dma_start3A_380 = tpu.memref_slice %arg2[%dma_start3A_378, %dma_start3A_379] : memref<10000x64xf32, #tpu.memory_space<hbm>> -> memref<10000x64xf32, #tpu.memory_space<hbm>>
        %dma_start3A_381 = tpu.memref_slice %arg10[%dma_start3A_370] : memref<5x!tpu.dma_semaphore, #tpu.memory_space<semaphore_mem>> -> memref<1x!tpu.dma_semaphore, #tpu.memory_space<semaphore_mem>>
        %dma_start3A_382 = tpu.memref_squeeze %dma_start3A_381 : memref<1x!tpu.dma_semaphore, #tpu.memory_space<semaphore_mem>> -> memref<!tpu.dma_semaphore, #tpu.memory_space<semaphore_mem>>
        tpu.enqueue_indirect_dma source(%dma_start3A_380 : memref<10000x64xf32, #tpu.memory_space<hbm>>) target(%dma_start3A_374 : memref<80x64xf32, #tpu.memory_space<vmem>>) offsets(%dma_start3A_377 : memref<80xi32, #tpu.memory_space<vmem>>) semaphore(%dma_start3A_382 : memref<!tpu.dma_semaphore, #tpu.memory_space<semaphore_mem>>)
      } else {
      }
      %dma_wait3A_273 = arith.constant 1 : i32
      %dma_wait3A_274 = arith.constant 1 : i32
      %dma_wait3A_275 = arith.constant 0 : i32
      %dma_wait3A_276 = arith.constant 0 : i32
      %dma_wait3A_277 = tpu.memref_slice %arg8[%dma_wait3A_273, %dma_wait3A_275, %dma_wait3A_276] : memref<5x80x64xf32, #tpu.memory_space<vmem>> -> memref<1x80x64xf32, #tpu.memory_space<vmem>>
      %dma_wait3A_278 = tpu.memref_squeeze %dma_wait3A_277 : memref<1x80x64xf32, #tpu.memory_space<vmem>> -> memref<80x64xf32, #tpu.memory_space<vmem>>
      %dma_wait3A_279 = arith.constant 0 : i32
      %dma_wait3A_280 = tpu.memref_slice %arg7[%add3A_142, %dma_wait3A_279] : memref<125x80xi32, #tpu.memory_space<vmem>> -> memref<1x80xi32, #tpu.memory_space<vmem>>
      %dma_wait3A_281 = tpu.memref_squeeze %dma_wait3A_280 : memref<1x80xi32, #tpu.memory_space<vmem>> -> memref<80xi32, #tpu.memory_space<vmem>>
      %dma_wait3A_282 = arith.constant 0 : i32
      %dma_wait3A_283 = arith.constant 0 : i32
      %dma_wait3A_284 = tpu.memref_slice %arg9[%dma_wait3A_282, %dma_wait3A_283] : memref<10240x64xf32, #tpu.memory_space<vmem_shared>> -> memref<10240x64xf32, #tpu.memory_space<vmem_shared>>
      %dma_wait3A_285 = tpu.memref_slice %arg11[%dma_wait3A_274] : memref<5x!tpu.dma_semaphore, #tpu.memory_space<semaphore_mem>> -> memref<1x!tpu.dma_semaphore, #tpu.memory_space<semaphore_mem>>
      %dma_wait3A_286 = tpu.memref_squeeze %dma_wait3A_285 : memref<1x!tpu.dma_semaphore, #tpu.memory_space<semaphore_mem>> -> memref<!tpu.dma_semaphore, #tpu.memory_space<semaphore_mem>>
      tpu.wait_indirect_dma semaphore(%dma_wait3A_286 : memref<!tpu.dma_semaphore, #tpu.memory_space<semaphore_mem>>) src(%dma_wait3A_278 : memref<80x64xf32, #tpu.memory_space<vmem>>) dst(%dma_wait3A_284 : memref<10240x64xf32, #tpu.memory_space<vmem_shared>>)
      %add3A_287 = arith.constant 5 : i32
      %add3A_288 = arith.addi %add3A_93, %add3A_287 : i32
      %add3A_289 = arith.constant 1 : i32
      %add3A_290 = arith.addi %add3A_288, %add3A_289 : i32
      %lt3A_291 = arith.constant 125 : i32
      %lt3A_292 = arith.cmpi slt, %add3A_290, %lt3A_291 : i32
      %convert_element_type3A_293 = arith.extui %lt3A_292 : i1 to i32
      %cond3A_294 = arith.constant 0 : i32
      %cond3A_295 = arith.cmpi ne, %convert_element_type3A_293, %cond3A_294 : i32
      scf.if %cond3A_295 {
        %add3A_365 = arith.constant 5 : i32
        %add3A_366 = arith.addi %add3A_93, %add3A_365 : i32
        %add3A_367 = arith.constant 1 : i32
        %add3A_368 = arith.addi %add3A_366, %add3A_367 : i32
        %dma_start3A_369 = arith.constant 1 : i32
        %dma_start3A_370 = arith.constant 1 : i32
        %dma_start3A_371 = arith.constant 0 : i32
        %dma_start3A_372 = arith.constant 0 : i32
        %dma_start3A_373 = tpu.memref_slice %arg8[%dma_start3A_369, %dma_start3A_371, %dma_start3A_372] : memref<5x80x64xf32, #tpu.memory_space<vmem>> -> memref<1x80x64xf32, #tpu.memory_space<vmem>>
        %dma_start3A_374 = tpu.memref_squeeze %dma_start3A_373 : memref<1x80x64xf32, #tpu.memory_space<vmem>> -> memref<80x64xf32, #tpu.memory_space<vmem>>
        %dma_start3A_375 = arith.constant 0 : i32
        %dma_start3A_376 = tpu.memref_slice %arg6[%add3A_368, %dma_start3A_375] : memref<125x80xi32, #tpu.memory_space<vmem>> -> memref<1x80xi32, #tpu.memory_space<vmem>>
        %dma_start3A_377 = tpu.memref_squeeze %dma_start3A_376 : memref<1x80xi32, #tpu.memory_space<vmem>> -> memref<80xi32, #tpu.memory_space<vmem>>
        %dma_start3A_378 = arith.constant 0 : i32
        %dma_start3A_379 = arith.constant 0 : i32
        %dma_start3A_380 = tpu.memref_slice %arg2[%dma_start3A_378, %dma_start3A_379] : memref<10000x64xf32, #tpu.memory_space<hbm>> -> memref<10000x64xf32, #tpu.memory_space<hbm>>
        %dma_start3A_381 = tpu.memref_slice %arg10[%dma_start3A_370] : memref<5x!tpu.dma_semaphore, #tpu.memory_space<semaphore_mem>> -> memref<1x!tpu.dma_semaphore, #tpu.memory_space<semaphore_mem>>
        %dma_start3A_382 = tpu.memref_squeeze %dma_start3A_381 : memref<1x!tpu.dma_semaphore, #tpu.memory_space<semaphore_mem>> -> memref<!tpu.dma_semaphore, #tpu.memory_space<semaphore_mem>>
        tpu.enqueue_indirect_dma source(%dma_start3A_380 : memref<10000x64xf32, #tpu.memory_space<hbm>>) target(%dma_start3A_374 : memref<80x64xf32, #tpu.memory_space<vmem>>) offsets(%dma_start3A_377 : memref<80xi32, #tpu.memory_space<vmem>>) semaphore(%dma_start3A_382 : memref<!tpu.dma_semaphore, #tpu.memory_space<semaphore_mem>>)
      } else {
      }
      %dma_wait3A_296 = arith.constant 2 : i32
      %dma_wait3A_297 = arith.constant 2 : i32
      %dma_wait3A_298 = arith.constant 0 : i32
      %dma_wait3A_299 = arith.constant 0 : i32
      %dma_wait3A_300 = tpu.memref_slice %arg8[%dma_wait3A_296, %dma_wait3A_298, %dma_wait3A_299] : memref<5x80x64xf32, #tpu.memory_space<vmem>> -> memref<1x80x64xf32, #tpu.memory_space<vmem>>
      %dma_wait3A_301 = tpu.memref_squeeze %dma_wait3A_300 : memref<1x80x64xf32, #tpu.memory_space<vmem>> -> memref<80x64xf32, #tpu.memory_space<vmem>>
      %dma_wait3A_302 = arith.constant 0 : i32
      %dma_wait3A_303 = tpu.memref_slice %arg7[%add3A_174, %dma_wait3A_302] : memref<125x80xi32, #tpu.memory_space<vmem>> -> memref<1x80xi32, #tpu.memory_space<vmem>>
      %dma_wait3A_304 = tpu.memref_squeeze %dma_wait3A_303 : memref<1x80xi32, #tpu.memory_space<vmem>> -> memref<80xi32, #tpu.memory_space<vmem>>
      %dma_wait3A_305 = arith.constant 0 : i32
      %dma_wait3A_306 = arith.constant 0 : i32
      %dma_wait3A_307 = tpu.memref_slice %arg9[%dma_wait3A_305, %dma_wait3A_306] : memref<10240x64xf32, #tpu.memory_space<vmem_shared>> -> memref<10240x64xf32, #tpu.memory_space<vmem_shared>>
      %dma_wait3A_308 = tpu.memref_slice %arg11[%dma_wait3A_297] : memref<5x!tpu.dma_semaphore, #tpu.memory_space<semaphore_mem>> -> memref<1x!tpu.dma_semaphore, #tpu.memory_space<semaphore_mem>>
      %dma_wait3A_309 = tpu.memref_squeeze %dma_wait3A_308 : memref<1x!tpu.dma_semaphore, #tpu.memory_space<semaphore_mem>> -> memref<!tpu.dma_semaphore, #tpu.memory_space<semaphore_mem>>
      tpu.wait_indirect_dma semaphore(%dma_wait3A_309 : memref<!tpu.dma_semaphore, #tpu.memory_space<semaphore_mem>>) src(%dma_wait3A_301 : memref<80x64xf32, #tpu.memory_space<vmem>>) dst(%dma_wait3A_307 : memref<10240x64xf32, #tpu.memory_space<vmem_shared>>)
      %add3A_310 = arith.constant 5 : i32
      %add3A_311 = arith.addi %add3A_93, %add3A_310 : i32
      %add3A_312 = arith.constant 2 : i32
      %add3A_313 = arith.addi %add3A_311, %add3A_312 : i32
      %lt3A_314 = arith.constant 125 : i32
      %lt3A_315 = arith.cmpi slt, %add3A_313, %lt3A_314 : i32
      %convert_element_type3A_316 = arith.extui %lt3A_315 : i1 to i32
      %cond3A_317 = arith.constant 0 : i32
      %cond3A_318 = arith.cmpi ne, %convert_element_type3A_316, %cond3A_317 : i32
      scf.if %cond3A_318 {
        %add3A_365 = arith.constant 5 : i32
        %add3A_366 = arith.addi %add3A_93, %add3A_365 : i32
        %add3A_367 = arith.constant 2 : i32
        %add3A_368 = arith.addi %add3A_366, %add3A_367 : i32
        %dma_start3A_369 = arith.constant 2 : i32
        %dma_start3A_370 = arith.constant 2 : i32
        %dma_start3A_371 = arith.constant 0 : i32
        %dma_start3A_372 = arith.constant 0 : i32
        %dma_start3A_373 = tpu.memref_slice %arg8[%dma_start3A_369, %dma_start3A_371, %dma_start3A_372] : memref<5x80x64xf32, #tpu.memory_space<vmem>> -> memref<1x80x64xf32, #tpu.memory_space<vmem>>
        %dma_start3A_374 = tpu.memref_squeeze %dma_start3A_373 : memref<1x80x64xf32, #tpu.memory_space<vmem>> -> memref<80x64xf32, #tpu.memory_space<vmem>>
        %dma_start3A_375 = arith.constant 0 : i32
        %dma_start3A_376 = tpu.memref_slice %arg6[%add3A_368, %dma_start3A_375] : memref<125x80xi32, #tpu.memory_space<vmem>> -> memref<1x80xi32, #tpu.memory_space<vmem>>
        %dma_start3A_377 = tpu.memref_squeeze %dma_start3A_376 : memref<1x80xi32, #tpu.memory_space<vmem>> -> memref<80xi32, #tpu.memory_space<vmem>>
        %dma_start3A_378 = arith.constant 0 : i32
        %dma_start3A_379 = arith.constant 0 : i32
        %dma_start3A_380 = tpu.memref_slice %arg2[%dma_start3A_378, %dma_start3A_379] : memref<10000x64xf32, #tpu.memory_space<hbm>> -> memref<10000x64xf32, #tpu.memory_space<hbm>>
        %dma_start3A_381 = tpu.memref_slice %arg10[%dma_start3A_370] : memref<5x!tpu.dma_semaphore, #tpu.memory_space<semaphore_mem>> -> memref<1x!tpu.dma_semaphore, #tpu.memory_space<semaphore_mem>>
        %dma_start3A_382 = tpu.memref_squeeze %dma_start3A_381 : memref<1x!tpu.dma_semaphore, #tpu.memory_space<semaphore_mem>> -> memref<!tpu.dma_semaphore, #tpu.memory_space<semaphore_mem>>
        tpu.enqueue_indirect_dma source(%dma_start3A_380 : memref<10000x64xf32, #tpu.memory_space<hbm>>) target(%dma_start3A_374 : memref<80x64xf32, #tpu.memory_space<vmem>>) offsets(%dma_start3A_377 : memref<80xi32, #tpu.memory_space<vmem>>) semaphore(%dma_start3A_382 : memref<!tpu.dma_semaphore, #tpu.memory_space<semaphore_mem>>)
      } else {
      }
      %dma_wait3A_319 = arith.constant 3 : i32
      %dma_wait3A_320 = arith.constant 3 : i32
      %dma_wait3A_321 = arith.constant 0 : i32
      %dma_wait3A_322 = arith.constant 0 : i32
      %dma_wait3A_323 = tpu.memref_slice %arg8[%dma_wait3A_319, %dma_wait3A_321, %dma_wait3A_322] : memref<5x80x64xf32, #tpu.memory_space<vmem>> -> memref<1x80x64xf32, #tpu.memory_space<vmem>>
      %dma_wait3A_324 = tpu.memref_squeeze %dma_wait3A_323 : memref<1x80x64xf32, #tpu.memory_space<vmem>> -> memref<80x64xf32, #tpu.memory_space<vmem>>
      %dma_wait3A_325 = arith.constant 0 : i32
      %dma_wait3A_326 = tpu.memref_slice %arg7[%add3A_206, %dma_wait3A_325] : memref<125x80xi32, #tpu.memory_space<vmem>> -> memref<1x80xi32, #tpu.memory_space<vmem>>
      %dma_wait3A_327 = tpu.memref_squeeze %dma_wait3A_326 : memref<1x80xi32, #tpu.memory_space<vmem>> -> memref<80xi32, #tpu.memory_space<vmem>>
      %dma_wait3A_328 = arith.constant 0 : i32
      %dma_wait3A_329 = arith.constant 0 : i32
      %dma_wait3A_330 = tpu.memref_slice %arg9[%dma_wait3A_328, %dma_wait3A_329] : memref<10240x64xf32, #tpu.memory_space<vmem_shared>> -> memref<10240x64xf32, #tpu.memory_space<vmem_shared>>
      %dma_wait3A_331 = tpu.memref_slice %arg11[%dma_wait3A_320] : memref<5x!tpu.dma_semaphore, #tpu.memory_space<semaphore_mem>> -> memref<1x!tpu.dma_semaphore, #tpu.memory_space<semaphore_mem>>
      %dma_wait3A_332 = tpu.memref_squeeze %dma_wait3A_331 : memref<1x!tpu.dma_semaphore, #tpu.memory_space<semaphore_mem>> -> memref<!tpu.dma_semaphore, #tpu.memory_space<semaphore_mem>>
      tpu.wait_indirect_dma semaphore(%dma_wait3A_332 : memref<!tpu.dma_semaphore, #tpu.memory_space<semaphore_mem>>) src(%dma_wait3A_324 : memref<80x64xf32, #tpu.memory_space<vmem>>) dst(%dma_wait3A_330 : memref<10240x64xf32, #tpu.memory_space<vmem_shared>>)
      %add3A_333 = arith.constant 5 : i32
      %add3A_334 = arith.addi %add3A_93, %add3A_333 : i32
      %add3A_335 = arith.constant 3 : i32
      %add3A_336 = arith.addi %add3A_334, %add3A_335 : i32
      %lt3A_337 = arith.constant 125 : i32
      %lt3A_338 = arith.cmpi slt, %add3A_336, %lt3A_337 : i32
      %convert_element_type3A_339 = arith.extui %lt3A_338 : i1 to i32
      %cond3A_340 = arith.constant 0 : i32
      %cond3A_341 = arith.cmpi ne, %convert_element_type3A_339, %cond3A_340 : i32
      scf.if %cond3A_341 {
        %add3A_365 = arith.constant 5 : i32
        %add3A_366 = arith.addi %add3A_93, %add3A_365 : i32
        %add3A_367 = arith.constant 3 : i32
        %add3A_368 = arith.addi %add3A_366, %add3A_367 : i32
        %dma_start3A_369 = arith.constant 3 : i32
        %dma_start3A_370 = arith.constant 3 : i32
        %dma_start3A_371 = arith.constant 0 : i32
        %dma_start3A_372 = arith.constant 0 : i32
        %dma_start3A_373 = tpu.memref_slice %arg8[%dma_start3A_369, %dma_start3A_371, %dma_start3A_372] : memref<5x80x64xf32, #tpu.memory_space<vmem>> -> memref<1x80x64xf32, #tpu.memory_space<vmem>>
        %dma_start3A_374 = tpu.memref_squeeze %dma_start3A_373 : memref<1x80x64xf32, #tpu.memory_space<vmem>> -> memref<80x64xf32, #tpu.memory_space<vmem>>
        %dma_start3A_375 = arith.constant 0 : i32
        %dma_start3A_376 = tpu.memref_slice %arg6[%add3A_368, %dma_start3A_375] : memref<125x80xi32, #tpu.memory_space<vmem>> -> memref<1x80xi32, #tpu.memory_space<vmem>>
        %dma_start3A_377 = tpu.memref_squeeze %dma_start3A_376 : memref<1x80xi32, #tpu.memory_space<vmem>> -> memref<80xi32, #tpu.memory_space<vmem>>
        %dma_start3A_378 = arith.constant 0 : i32
        %dma_start3A_379 = arith.constant 0 : i32
        %dma_start3A_380 = tpu.memref_slice %arg2[%dma_start3A_378, %dma_start3A_379] : memref<10000x64xf32, #tpu.memory_space<hbm>> -> memref<10000x64xf32, #tpu.memory_space<hbm>>
        %dma_start3A_381 = tpu.memref_slice %arg10[%dma_start3A_370] : memref<5x!tpu.dma_semaphore, #tpu.memory_space<semaphore_mem>> -> memref<1x!tpu.dma_semaphore, #tpu.memory_space<semaphore_mem>>
        %dma_start3A_382 = tpu.memref_squeeze %dma_start3A_381 : memref<1x!tpu.dma_semaphore, #tpu.memory_space<semaphore_mem>> -> memref<!tpu.dma_semaphore, #tpu.memory_space<semaphore_mem>>
        tpu.enqueue_indirect_dma source(%dma_start3A_380 : memref<10000x64xf32, #tpu.memory_space<hbm>>) target(%dma_start3A_374 : memref<80x64xf32, #tpu.memory_space<vmem>>) offsets(%dma_start3A_377 : memref<80xi32, #tpu.memory_space<vmem>>) semaphore(%dma_start3A_382 : memref<!tpu.dma_semaphore, #tpu.memory_space<semaphore_mem>>)
      } else {
      }
      %dma_wait3A_342 = arith.constant 4 : i32
      %dma_wait3A_343 = arith.constant 4 : i32
      %dma_wait3A_344 = arith.constant 0 : i32
      %dma_wait3A_345 = arith.constant 0 : i32
      %dma_wait3A_346 = tpu.memref_slice %arg8[%dma_wait3A_342, %dma_wait3A_344, %dma_wait3A_345] : memref<5x80x64xf32, #tpu.memory_space<vmem>> -> memref<1x80x64xf32, #tpu.memory_space<vmem>>
      %dma_wait3A_347 = tpu.memref_squeeze %dma_wait3A_346 : memref<1x80x64xf32, #tpu.memory_space<vmem>> -> memref<80x64xf32, #tpu.memory_space<vmem>>
      %dma_wait3A_348 = arith.constant 0 : i32
      %dma_wait3A_349 = tpu.memref_slice %arg7[%add3A_238, %dma_wait3A_348] : memref<125x80xi32, #tpu.memory_space<vmem>> -> memref<1x80xi32, #tpu.memory_space<vmem>>
      %dma_wait3A_350 = tpu.memref_squeeze %dma_wait3A_349 : memref<1x80xi32, #tpu.memory_space<vmem>> -> memref<80xi32, #tpu.memory_space<vmem>>
      %dma_wait3A_351 = arith.constant 0 : i32
      %dma_wait3A_352 = arith.constant 0 : i32
      %dma_wait3A_353 = tpu.memref_slice %arg9[%dma_wait3A_351, %dma_wait3A_352] : memref<10240x64xf32, #tpu.memory_space<vmem_shared>> -> memref<10240x64xf32, #tpu.memory_space<vmem_shared>>
      %dma_wait3A_354 = tpu.memref_slice %arg11[%dma_wait3A_343] : memref<5x!tpu.dma_semaphore, #tpu.memory_space<semaphore_mem>> -> memref<1x!tpu.dma_semaphore, #tpu.memory_space<semaphore_mem>>
      %dma_wait3A_355 = tpu.memref_squeeze %dma_wait3A_354 : memref<1x!tpu.dma_semaphore, #tpu.memory_space<semaphore_mem>> -> memref<!tpu.dma_semaphore, #tpu.memory_space<semaphore_mem>>
      tpu.wait_indirect_dma semaphore(%dma_wait3A_355 : memref<!tpu.dma_semaphore, #tpu.memory_space<semaphore_mem>>) src(%dma_wait3A_347 : memref<80x64xf32, #tpu.memory_space<vmem>>) dst(%dma_wait3A_353 : memref<10240x64xf32, #tpu.memory_space<vmem_shared>>)
      %add3A_356 = arith.constant 5 : i32
      %add3A_357 = arith.addi %add3A_93, %add3A_356 : i32
      %add3A_358 = arith.constant 4 : i32
      %add3A_359 = arith.addi %add3A_357, %add3A_358 : i32
      %lt3A_360 = arith.constant 125 : i32
      %lt3A_361 = arith.cmpi slt, %add3A_359, %lt3A_360 : i32
      %convert_element_type3A_362 = arith.extui %lt3A_361 : i1 to i32
      %cond3A_363 = arith.constant 0 : i32
      %cond3A_364 = arith.cmpi ne, %convert_element_type3A_362, %cond3A_363 : i32
      scf.if %cond3A_364 {
        %add3A_365 = arith.constant 5 : i32
        %add3A_366 = arith.addi %add3A_93, %add3A_365 : i32
        %add3A_367 = arith.constant 4 : i32
        %add3A_368 = arith.addi %add3A_366, %add3A_367 : i32
        %dma_start3A_369 = arith.constant 4 : i32
        %dma_start3A_370 = arith.constant 4 : i32
        %dma_start3A_371 = arith.constant 0 : i32
        %dma_start3A_372 = arith.constant 0 : i32
        %dma_start3A_373 = tpu.memref_slice %arg8[%dma_start3A_369, %dma_start3A_371, %dma_start3A_372] : memref<5x80x64xf32, #tpu.memory_space<vmem>> -> memref<1x80x64xf32, #tpu.memory_space<vmem>>
        %dma_start3A_374 = tpu.memref_squeeze %dma_start3A_373 : memref<1x80x64xf32, #tpu.memory_space<vmem>> -> memref<80x64xf32, #tpu.memory_space<vmem>>
        %dma_start3A_375 = arith.constant 0 : i32
        %dma_start3A_376 = tpu.memref_slice %arg6[%add3A_368, %dma_start3A_375] : memref<125x80xi32, #tpu.memory_space<vmem>> -> memref<1x80xi32, #tpu.memory_space<vmem>>
        %dma_start3A_377 = tpu.memref_squeeze %dma_start3A_376 : memref<1x80xi32, #tpu.memory_space<vmem>> -> memref<80xi32, #tpu.memory_space<vmem>>
        %dma_start3A_378 = arith.constant 0 : i32
        %dma_start3A_379 = arith.constant 0 : i32
        %dma_start3A_380 = tpu.memref_slice %arg2[%dma_start3A_378, %dma_start3A_379] : memref<10000x64xf32, #tpu.memory_space<hbm>> -> memref<10000x64xf32, #tpu.memory_space<hbm>>
        %dma_start3A_381 = tpu.memref_slice %arg10[%dma_start3A_370] : memref<5x!tpu.dma_semaphore, #tpu.memory_space<semaphore_mem>> -> memref<1x!tpu.dma_semaphore, #tpu.memory_space<semaphore_mem>>
        %dma_start3A_382 = tpu.memref_squeeze %dma_start3A_381 : memref<1x!tpu.dma_semaphore, #tpu.memory_space<semaphore_mem>> -> memref<!tpu.dma_semaphore, #tpu.memory_space<semaphore_mem>>
        tpu.enqueue_indirect_dma source(%dma_start3A_380 : memref<10000x64xf32, #tpu.memory_space<hbm>>) target(%dma_start3A_374 : memref<80x64xf32, #tpu.memory_space<vmem>>) offsets(%dma_start3A_377 : memref<80xi32, #tpu.memory_space<vmem>>) semaphore(%dma_start3A_382 : memref<!tpu.dma_semaphore, #tpu.memory_space<semaphore_mem>>)
      } else {
      }
    }
    %scan3A_83 = arith.constant 25 : i32
    %barrier3A_84 = arith.constant 0 : index
    tpu.barrier barrier_id(%barrier3A_84)
    %mul3A_85 = arith.constant 640 : i32
    %mul3A_86 = arith.muli %arg1, %mul3A_85 : i32
    %mul3A_87 = arith.constant 640 : i32
    %mul3A_88 = arith.muli %arg1, %mul3A_87 : i32
    "tpu.region"() ({
      %run_scoped3A_89 = tpu.sem_alloc : memref<!tpu.dma_semaphore, #tpu.memory_space<semaphore_mem>>
      %dma_start3A_90 = arith.constant 0 : i32
      %dma_start3A_91 = arith.constant 0 : i32
      %dma_start3A_92 = tpu.memref_slice %arg5[%arg0, %dma_start3A_90, %dma_start3A_91] : memref<2x10240x64xf32, #tpu.memory_space<hbm>> -> memref<1x10240x64xf32, #tpu.memory_space<hbm>>
      %dma_start3A_93 = tpu.memref_squeeze %dma_start3A_92 : memref<1x10240x64xf32, #tpu.memory_space<hbm>> -> memref<10240x64xf32, #tpu.memory_space<hbm>>
      %dma_start3A_94 = arith.constant 0 : i32
      %dma_start3A_95 = tpu.memref_slice %dma_start3A_93[%mul3A_88, %dma_start3A_94] : memref<10240x64xf32, #tpu.memory_space<hbm>> -> memref<640x64xf32, #tpu.memory_space<hbm>>
      %dma_start3A_96 = arith.constant 0 : i32
      %dma_start3A_97 = tpu.memref_slice %arg9[%mul3A_86, %dma_start3A_96] : memref<10240x64xf32, #tpu.memory_space<vmem_shared>> -> memref<640x64xf32, #tpu.memory_space<vmem_shared>>
      tpu.enqueue_dma source(%dma_start3A_97 : memref<640x64xf32, #tpu.memory_space<vmem_shared>>) target(%dma_start3A_95 : memref<640x64xf32, #tpu.memory_space<hbm>>) target_semaphore(%run_scoped3A_89 : memref<!tpu.dma_semaphore, #tpu.memory_space<semaphore_mem>>)
      %dma_wait3A = arith.constant 0 : i32
      %dma_wait3A_98 = arith.constant 0 : i32
      %dma_wait3A_99 = tpu.memref_slice %arg5[%arg0, %dma_wait3A, %dma_wait3A_98] : memref<2x10240x64xf32, #tpu.memory_space<hbm>> -> memref<1x10240x64xf32, #tpu.memory_space<hbm>>
      %dma_wait3A_100 = tpu.memref_squeeze %dma_wait3A_99 : memref<1x10240x64xf32, #tpu.memory_space<hbm>> -> memref<10240x64xf32, #tpu.memory_space<hbm>>
      %dma_wait3A_101 = arith.constant 0 : i32
      %dma_wait3A_102 = tpu.memref_slice %dma_wait3A_100[%mul3A_88, %dma_wait3A_101] : memref<10240x64xf32, #tpu.memory_space<hbm>> -> memref<640x64xf32, #tpu.memory_space<hbm>>
      %dma_wait3A_103 = arith.constant 0 : i32
      %dma_wait3A_104 = tpu.memref_slice %arg9[%mul3A_86, %dma_wait3A_103] : memref<10240x64xf32, #tpu.memory_space<vmem_shared>> -> memref<640x64xf32, #tpu.memory_space<vmem_shared>>
      tpu.wait_dma2 semaphore(%run_scoped3A_89 : memref<!tpu.dma_semaphore, #tpu.memory_space<semaphore_mem>>) src(%dma_wait3A_104 : memref<640x64xf32, #tpu.memory_space<vmem_shared>>) dst(%dma_wait3A_102 : memref<640x64xf32, #tpu.memory_space<hbm>>)
      tpu.yield
    }) : () -> ()
    return
  }
}

#map = affine_map<(d0, d1) -> (0, 0)>
#map1 = affine_map<(d0, d1) -> (0, 0, 0, 0)>
#map2 = affine_map<(d0, d1) -> (0, 0, 0)>
module attributes {stable_mosaic.version = 14 : i64} {
  func.func @k(%arg0: i32, %arg1: i32, %arg2: memref<10000x32xf32, #tpu.memory_space<hbm>>, %arg3: memref<2x32x125x80xi32, #tpu.memory_space<hbm>>, %arg4: memref<10240x32xf32, #tpu.memory_space<hbm>>, %arg5: memref<2x10240x32xf32, #tpu.memory_space<hbm>>, %arg6: memref<125x80xi32, #tpu.memory_space<vmem>>, %arg7: memref<125x80xi32, #tpu.memory_space<vmem>>, %arg8: memref<5x80x32xf32, #tpu.memory_space<vmem>>, %arg9: memref<10240x32xf32, #tpu.memory_space<vmem_shared>>, %arg10: memref<5x!tpu.dma_semaphore, #tpu.memory_space<semaphore_mem>>, %arg11: memref<5x!tpu.dma_semaphore, #tpu.memory_space<semaphore_mem>>) attributes {dimension_semantics = [#tpu.dimension_semantics<core_parallel>, #tpu.dimension_semantics<subcore_parallel>], iteration_bounds = array<i64: 2, 16>, scalar_prefetch = 0 : i64, scratch_operands = 6 : i64, tpu.core_type = #tpu.core_type<sc_vector_subcore>, window_params = [{transform_indices = #map}, {transform_indices = #map1}, {transform_indices = #map}, {transform_indices = #map2}]} {
    %mul3A = arith.constant 16 : i32
    %mul3A_0 = arith.muli %arg0, %mul3A : i32
    %add3A = arith.addi %mul3A_0, %arg1 : i32
    %mul3A_1 = arith.constant 640 : i32
    %mul3A_2 = arith.muli %arg1, %mul3A_1 : i32
    %mul3A_3 = arith.constant 640 : i32
    %mul3A_4 = arith.muli %arg1, %mul3A_3 : i32
    "tpu.region"() ({
      %run_scoped3A_89 = tpu.sem_alloc : memref<!tpu.dma_semaphore, #tpu.memory_space<semaphore_mem>>
      %dma_start3A_90 = arith.constant 0 : i32
      %dma_start3A_91 = tpu.memref_slice %arg9[%mul3A_4, %dma_start3A_90] : memref<10240x32xf32, #tpu.memory_space<vmem_shared>> -> memref<640x32xf32, #tpu.memory_space<vmem_shared>>
      %dma_start3A_92 = arith.constant 0 : i32
      %dma_start3A_93 = tpu.memref_slice %arg4[%mul3A_2, %dma_start3A_92] : memref<10240x32xf32, #tpu.memory_space<hbm>> -> memref<640x32xf32, #tpu.memory_space<hbm>>
      tpu.enqueue_dma source(%dma_start3A_93 : memref<640x32xf32, #tpu.memory_space<hbm>>) target(%dma_start3A_91 : memref<640x32xf32, #tpu.memory_space<vmem_shared>>) target_semaphore(%run_scoped3A_89 : memref<!tpu.dma_semaphore, #tpu.memory_space<semaphore_mem>>)
      %dma_wait3A = arith.constant 0 : i32
      %dma_wait3A_94 = tpu.memref_slice %arg9[%mul3A_4, %dma_wait3A] : memref<10240x32xf32, #tpu.memory_space<vmem_shared>> -> memref<640x32xf32, #tpu.memory_space<vmem_shared>>
      %dma_wait3A_95 = arith.constant 0 : i32
      %dma_wait3A_96 = tpu.memref_slice %arg4[%mul3A_2, %dma_wait3A_95] : memref<10240x32xf32, #tpu.memory_space<hbm>> -> memref<640x32xf32, #tpu.memory_space<hbm>>
      tpu.wait_dma2 semaphore(%run_scoped3A_89 : memref<!tpu.dma_semaphore, #tpu.memory_space<semaphore_mem>>) src(%dma_wait3A_96 : memref<640x32xf32, #tpu.memory_space<hbm>>) dst(%dma_wait3A_94 : memref<640x32xf32, #tpu.memory_space<vmem_shared>>)
      tpu.yield
    }) : () -> ()
    %run_scoped3A = arith.constant 0 : i32
    "tpu.region"() ({
      %run_scoped3A_89 = tpu.sem_alloc : memref<!tpu.dma_semaphore, #tpu.memory_space<semaphore_mem>>
      %dma_start3A_90 = arith.constant 0 : i32
      %dma_start3A_91 = arith.constant 0 : i32
      %dma_start3A_92 = arith.constant 0 : i32
      %dma_start3A_93 = tpu.memref_slice %arg3[%run_scoped3A, %dma_start3A_90, %dma_start3A_91, %dma_start3A_92] : memref<2x32x125x80xi32, #tpu.memory_space<hbm>> -> memref<1x32x125x80xi32, #tpu.memory_space<hbm>>
      %dma_start3A_94 = tpu.memref_squeeze %dma_start3A_93 : memref<1x32x125x80xi32, #tpu.memory_space<hbm>> -> memref<32x125x80xi32, #tpu.memory_space<hbm>>
      %dma_start3A_95 = arith.constant 0 : i32
      %dma_start3A_96 = arith.constant 0 : i32
      %dma_start3A_97 = tpu.memref_slice %dma_start3A_94[%add3A, %dma_start3A_95, %dma_start3A_96] : memref<32x125x80xi32, #tpu.memory_space<hbm>> -> memref<1x125x80xi32, #tpu.memory_space<hbm>>
      %dma_start3A_98 = tpu.memref_squeeze %dma_start3A_97 : memref<1x125x80xi32, #tpu.memory_space<hbm>> -> memref<125x80xi32, #tpu.memory_space<hbm>>
      %dma_start3A_99 = arith.constant 0 : i32
      %dma_start3A_100 = arith.constant 0 : i32
      %dma_start3A_101 = arith.constant 0 : i32
      %dma_start3A_102 = tpu.memref_slice %arg3[%run_scoped3A, %dma_start3A_99, %dma_start3A_100, %dma_start3A_101] : memref<2x32x125x80xi32, #tpu.memory_space<hbm>> -> memref<1x32x125x80xi32, #tpu.memory_space<hbm>>
      %dma_start3A_103 = tpu.memref_squeeze %dma_start3A_102 : memref<1x32x125x80xi32, #tpu.memory_space<hbm>> -> memref<32x125x80xi32, #tpu.memory_space<hbm>>
      %dma_start3A_104 = arith.constant 0 : i32
      %dma_start3A_105 = arith.constant 0 : i32
      %dma_start3A_106 = tpu.memref_slice %dma_start3A_103[%add3A, %dma_start3A_104, %dma_start3A_105] : memref<32x125x80xi32, #tpu.memory_space<hbm>> -> memref<1x125x80xi32, #tpu.memory_space<hbm>>
      %dma_start3A_107 = tpu.memref_squeeze %dma_start3A_106 : memref<1x125x80xi32, #tpu.memory_space<hbm>> -> memref<125x80xi32, #tpu.memory_space<hbm>>
      tpu.enqueue_dma source(%dma_start3A_107 : memref<125x80xi32, #tpu.memory_space<hbm>>) target(%arg6 : memref<125x80xi32, #tpu.memory_space<vmem>>) target_semaphore(%run_scoped3A_89 : memref<!tpu.dma_semaphore, #tpu.memory_space<semaphore_mem>>)
      %dma_wait3A = arith.constant 0 : i32
      %dma_wait3A_108 = arith.constant 0 : i32
      %dma_wait3A_109 = arith.constant 0 : i32
      %dma_wait3A_110 = tpu.memref_slice %arg3[%run_scoped3A, %dma_wait3A, %dma_wait3A_108, %dma_wait3A_109] : memref<2x32x125x80xi32, #tpu.memory_space<hbm>> -> memref<1x32x125x80xi32, #tpu.memory_space<hbm>>
      %dma_wait3A_111 = tpu.memref_squeeze %dma_wait3A_110 : memref<1x32x125x80xi32, #tpu.memory_space<hbm>> -> memref<32x125x80xi32, #tpu.memory_space<hbm>>
      %dma_wait3A_112 = arith.constant 0 : i32
      %dma_wait3A_113 = arith.constant 0 : i32
      %dma_wait3A_114 = tpu.memref_slice %dma_wait3A_111[%add3A, %dma_wait3A_112, %dma_wait3A_113] : memref<32x125x80xi32, #tpu.memory_space<hbm>> -> memref<1x125x80xi32, #tpu.memory_space<hbm>>
      %dma_wait3A_115 = tpu.memref_squeeze %dma_wait3A_114 : memref<1x125x80xi32, #tpu.memory_space<hbm>> -> memref<125x80xi32, #tpu.memory_space<hbm>>
      %dma_wait3A_116 = arith.constant 0 : i32
      %dma_wait3A_117 = arith.constant 0 : i32
      %dma_wait3A_118 = arith.constant 0 : i32
      %dma_wait3A_119 = tpu.memref_slice %arg3[%run_scoped3A, %dma_wait3A_116, %dma_wait3A_117, %dma_wait3A_118] : memref<2x32x125x80xi32, #tpu.memory_space<hbm>> -> memref<1x32x125x80xi32, #tpu.memory_space<hbm>>
      %dma_wait3A_120 = tpu.memref_squeeze %dma_wait3A_119 : memref<1x32x125x80xi32, #tpu.memory_space<hbm>> -> memref<32x125x80xi32, #tpu.memory_space<hbm>>
      %dma_wait3A_121 = arith.constant 0 : i32
      %dma_wait3A_122 = arith.constant 0 : i32
      %dma_wait3A_123 = tpu.memref_slice %dma_wait3A_120[%add3A, %dma_wait3A_121, %dma_wait3A_122] : memref<32x125x80xi32, #tpu.memory_space<hbm>> -> memref<1x125x80xi32, #tpu.memory_space<hbm>>
      %dma_wait3A_124 = tpu.memref_squeeze %dma_wait3A_123 : memref<1x125x80xi32, #tpu.memory_space<hbm>> -> memref<125x80xi32, #tpu.memory_space<hbm>>
      tpu.wait_dma2 semaphore(%run_scoped3A_89 : memref<!tpu.dma_semaphore, #tpu.memory_space<semaphore_mem>>) src(%dma_wait3A_124 : memref<125x80xi32, #tpu.memory_space<hbm>>) dst(%arg6 : memref<125x80xi32, #tpu.memory_space<vmem>>)
      tpu.yield
    }) : () -> ()
    %run_scoped3A_5 = arith.constant 1 : i32
    "tpu.region"() ({
      %run_scoped3A_89 = tpu.sem_alloc : memref<!tpu.dma_semaphore, #tpu.memory_space<semaphore_mem>>
      %dma_start3A_90 = arith.constant 0 : i32
      %dma_start3A_91 = arith.constant 0 : i32
      %dma_start3A_92 = arith.constant 0 : i32
      %dma_start3A_93 = tpu.memref_slice %arg3[%run_scoped3A_5, %dma_start3A_90, %dma_start3A_91, %dma_start3A_92] : memref<2x32x125x80xi32, #tpu.memory_space<hbm>> -> memref<1x32x125x80xi32, #tpu.memory_space<hbm>>
      %dma_start3A_94 = tpu.memref_squeeze %dma_start3A_93 : memref<1x32x125x80xi32, #tpu.memory_space<hbm>> -> memref<32x125x80xi32, #tpu.memory_space<hbm>>
      %dma_start3A_95 = arith.constant 0 : i32
      %dma_start3A_96 = arith.constant 0 : i32
      %dma_start3A_97 = tpu.memref_slice %dma_start3A_94[%add3A, %dma_start3A_95, %dma_start3A_96] : memref<32x125x80xi32, #tpu.memory_space<hbm>> -> memref<1x125x80xi32, #tpu.memory_space<hbm>>
      %dma_start3A_98 = tpu.memref_squeeze %dma_start3A_97 : memref<1x125x80xi32, #tpu.memory_space<hbm>> -> memref<125x80xi32, #tpu.memory_space<hbm>>
      %dma_start3A_99 = arith.constant 0 : i32
      %dma_start3A_100 = arith.constant 0 : i32
      %dma_start3A_101 = arith.constant 0 : i32
      %dma_start3A_102 = tpu.memref_slice %arg3[%run_scoped3A_5, %dma_start3A_99, %dma_start3A_100, %dma_start3A_101] : memref<2x32x125x80xi32, #tpu.memory_space<hbm>> -> memref<1x32x125x80xi32, #tpu.memory_space<hbm>>
      %dma_start3A_103 = tpu.memref_squeeze %dma_start3A_102 : memref<1x32x125x80xi32, #tpu.memory_space<hbm>> -> memref<32x125x80xi32, #tpu.memory_space<hbm>>
      %dma_start3A_104 = arith.constant 0 : i32
      %dma_start3A_105 = arith.constant 0 : i32
      %dma_start3A_106 = tpu.memref_slice %dma_start3A_103[%add3A, %dma_start3A_104, %dma_start3A_105] : memref<32x125x80xi32, #tpu.memory_space<hbm>> -> memref<1x125x80xi32, #tpu.memory_space<hbm>>
      %dma_start3A_107 = tpu.memref_squeeze %dma_start3A_106 : memref<1x125x80xi32, #tpu.memory_space<hbm>> -> memref<125x80xi32, #tpu.memory_space<hbm>>
      tpu.enqueue_dma source(%dma_start3A_107 : memref<125x80xi32, #tpu.memory_space<hbm>>) target(%arg7 : memref<125x80xi32, #tpu.memory_space<vmem>>) target_semaphore(%run_scoped3A_89 : memref<!tpu.dma_semaphore, #tpu.memory_space<semaphore_mem>>)
      %dma_wait3A = arith.constant 0 : i32
      %dma_wait3A_108 = arith.constant 0 : i32
      %dma_wait3A_109 = arith.constant 0 : i32
      %dma_wait3A_110 = tpu.memref_slice %arg3[%run_scoped3A_5, %dma_wait3A, %dma_wait3A_108, %dma_wait3A_109] : memref<2x32x125x80xi32, #tpu.memory_space<hbm>> -> memref<1x32x125x80xi32, #tpu.memory_space<hbm>>
      %dma_wait3A_111 = tpu.memref_squeeze %dma_wait3A_110 : memref<1x32x125x80xi32, #tpu.memory_space<hbm>> -> memref<32x125x80xi32, #tpu.memory_space<hbm>>
      %dma_wait3A_112 = arith.constant 0 : i32
      %dma_wait3A_113 = arith.constant 0 : i32
      %dma_wait3A_114 = tpu.memref_slice %dma_wait3A_111[%add3A, %dma_wait3A_112, %dma_wait3A_113] : memref<32x125x80xi32, #tpu.memory_space<hbm>> -> memref<1x125x80xi32, #tpu.memory_space<hbm>>
      %dma_wait3A_115 = tpu.memref_squeeze %dma_wait3A_114 : memref<1x125x80xi32, #tpu.memory_space<hbm>> -> memref<125x80xi32, #tpu.memory_space<hbm>>
      %dma_wait3A_116 = arith.constant 0 : i32
      %dma_wait3A_117 = arith.constant 0 : i32
      %dma_wait3A_118 = arith.constant 0 : i32
      %dma_wait3A_119 = tpu.memref_slice %arg3[%run_scoped3A_5, %dma_wait3A_116, %dma_wait3A_117, %dma_wait3A_118] : memref<2x32x125x80xi32, #tpu.memory_space<hbm>> -> memref<1x32x125x80xi32, #tpu.memory_space<hbm>>
      %dma_wait3A_120 = tpu.memref_squeeze %dma_wait3A_119 : memref<1x32x125x80xi32, #tpu.memory_space<hbm>> -> memref<32x125x80xi32, #tpu.memory_space<hbm>>
      %dma_wait3A_121 = arith.constant 0 : i32
      %dma_wait3A_122 = arith.constant 0 : i32
      %dma_wait3A_123 = tpu.memref_slice %dma_wait3A_120[%add3A, %dma_wait3A_121, %dma_wait3A_122] : memref<32x125x80xi32, #tpu.memory_space<hbm>> -> memref<1x125x80xi32, #tpu.memory_space<hbm>>
      %dma_wait3A_124 = tpu.memref_squeeze %dma_wait3A_123 : memref<1x125x80xi32, #tpu.memory_space<hbm>> -> memref<125x80xi32, #tpu.memory_space<hbm>>
      tpu.wait_dma2 semaphore(%run_scoped3A_89 : memref<!tpu.dma_semaphore, #tpu.memory_space<semaphore_mem>>) src(%dma_wait3A_124 : memref<125x80xi32, #tpu.memory_space<hbm>>) dst(%arg7 : memref<125x80xi32, #tpu.memory_space<vmem>>)
      tpu.yield
    }) : () -> ()
    %barrier3A = arith.constant 0 : index
    tpu.barrier barrier_id(%barrier3A)
    %dma_start3A = arith.constant 0 : i32
    %dma_start3A_6 = arith.constant 0 : i32
    %dma_start3A_7 = arith.constant 0 : i32
    %dma_start3A_8 = arith.constant 0 : i32
    %dma_start3A_9 = arith.constant 0 : i32
    %dma_start3A_10 = tpu.memref_slice %arg8[%dma_start3A_6, %dma_start3A_8, %dma_start3A_9] : memref<5x80x32xf32, #tpu.memory_space<vmem>> -> memref<1x80x32xf32, #tpu.memory_space<vmem>>
    %dma_start3A_11 = tpu.memref_squeeze %dma_start3A_10 : memref<1x80x32xf32, #tpu.memory_space<vmem>> -> memref<80x32xf32, #tpu.memory_space<vmem>>
    %dma_start3A_12 = arith.constant 0 : i32
    %dma_start3A_13 = tpu.memref_slice %arg6[%dma_start3A, %dma_start3A_12] : memref<125x80xi32, #tpu.memory_space<vmem>> -> memref<1x80xi32, #tpu.memory_space<vmem>>
    %dma_start3A_14 = tpu.memref_squeeze %dma_start3A_13 : memref<1x80xi32, #tpu.memory_space<vmem>> -> memref<80xi32, #tpu.memory_space<vmem>>
    %dma_start3A_15 = arith.constant 0 : i32
    %dma_start3A_16 = arith.constant 0 : i32
    %dma_start3A_17 = tpu.memref_slice %arg2[%dma_start3A_15, %dma_start3A_16] : memref<10000x32xf32, #tpu.memory_space<hbm>> -> memref<10000x32xf32, #tpu.memory_space<hbm>>
    %dma_start3A_18 = tpu.memref_slice %arg10[%dma_start3A_7] : memref<5x!tpu.dma_semaphore, #tpu.memory_space<semaphore_mem>> -> memref<1x!tpu.dma_semaphore, #tpu.memory_space<semaphore_mem>>
    %dma_start3A_19 = tpu.memref_squeeze %dma_start3A_18 : memref<1x!tpu.dma_semaphore, #tpu.memory_space<semaphore_mem>> -> memref<!tpu.dma_semaphore, #tpu.memory_space<semaphore_mem>>
    tpu.enqueue_indirect_dma source(%dma_start3A_17 : memref<10000x32xf32, #tpu.memory_space<hbm>>) target(%dma_start3A_11 : memref<80x32xf32, #tpu.memory_space<vmem>>) offsets(%dma_start3A_14 : memref<80xi32, #tpu.memory_space<vmem>>) semaphore(%dma_start3A_19 : memref<!tpu.dma_semaphore, #tpu.memory_space<semaphore_mem>>)
    %dma_start3A_20 = arith.constant 1 : i32
    %dma_start3A_21 = arith.constant 1 : i32
    %dma_start3A_22 = arith.constant 1 : i32
    %dma_start3A_23 = arith.constant 0 : i32
    %dma_start3A_24 = arith.constant 0 : i32
    %dma_start3A_25 = tpu.memref_slice %arg8[%dma_start3A_21, %dma_start3A_23, %dma_start3A_24] : memref<5x80x32xf32, #tpu.memory_space<vmem>> -> memref<1x80x32xf32, #tpu.memory_space<vmem>>
    %dma_start3A_26 = tpu.memref_squeeze %dma_start3A_25 : memref<1x80x32xf32, #tpu.memory_space<vmem>> -> memref<80x32xf32, #tpu.memory_space<vmem>>
    %dma_start3A_27 = arith.constant 0 : i32
    %dma_start3A_28 = tpu.memref_slice %arg6[%dma_start3A_20, %dma_start3A_27] : memref<125x80xi32, #tpu.memory_space<vmem>> -> memref<1x80xi32, #tpu.memory_space<vmem>>
    %dma_start3A_29 = tpu.memref_squeeze %dma_start3A_28 : memref<1x80xi32, #tpu.memory_space<vmem>> -> memref<80xi32, #tpu.memory_space<vmem>>
    %dma_start3A_30 = arith.constant 0 : i32
    %dma_start3A_31 = arith.constant 0 : i32
    %dma_start3A_32 = tpu.memref_slice %arg2[%dma_start3A_30, %dma_start3A_31] : memref<10000x32xf32, #tpu.memory_space<hbm>> -> memref<10000x32xf32, #tpu.memory_space<hbm>>
    %dma_start3A_33 = tpu.memref_slice %arg10[%dma_start3A_22] : memref<5x!tpu.dma_semaphore, #tpu.memory_space<semaphore_mem>> -> memref<1x!tpu.dma_semaphore, #tpu.memory_space<semaphore_mem>>
    %dma_start3A_34 = tpu.memref_squeeze %dma_start3A_33 : memref<1x!tpu.dma_semaphore, #tpu.memory_space<semaphore_mem>> -> memref<!tpu.dma_semaphore, #tpu.memory_space<semaphore_mem>>
    tpu.enqueue_indirect_dma source(%dma_start3A_32 : memref<10000x32xf32, #tpu.memory_space<hbm>>) target(%dma_start3A_26 : memref<80x32xf32, #tpu.memory_space<vmem>>) offsets(%dma_start3A_29 : memref<80xi32, #tpu.memory_space<vmem>>) semaphore(%dma_start3A_34 : memref<!tpu.dma_semaphore, #tpu.memory_space<semaphore_mem>>)
    %dma_start3A_35 = arith.constant 2 : i32
    %dma_start3A_36 = arith.constant 2 : i32
    %dma_start3A_37 = arith.constant 2 : i32
    %dma_start3A_38 = arith.constant 0 : i32
    %dma_start3A_39 = arith.constant 0 : i32
    %dma_start3A_40 = tpu.memref_slice %arg8[%dma_start3A_36, %dma_start3A_38, %dma_start3A_39] : memref<5x80x32xf32, #tpu.memory_space<vmem>> -> memref<1x80x32xf32, #tpu.memory_space<vmem>>
    %dma_start3A_41 = tpu.memref_squeeze %dma_start3A_40 : memref<1x80x32xf32, #tpu.memory_space<vmem>> -> memref<80x32xf32, #tpu.memory_space<vmem>>
    %dma_start3A_42 = arith.constant 0 : i32
    %dma_start3A_43 = tpu.memref_slice %arg6[%dma_start3A_35, %dma_start3A_42] : memref<125x80xi32, #tpu.memory_space<vmem>> -> memref<1x80xi32, #tpu.memory_space<vmem>>
    %dma_start3A_44 = tpu.memref_squeeze %dma_start3A_43 : memref<1x80xi32, #tpu.memory_space<vmem>> -> memref<80xi32, #tpu.memory_space<vmem>>
    %dma_start3A_45 = arith.constant 0 : i32
    %dma_start3A_46 = arith.constant 0 : i32
    %dma_start3A_47 = tpu.memref_slice %arg2[%dma_start3A_45, %dma_start3A_46] : memref<10000x32xf32, #tpu.memory_space<hbm>> -> memref<10000x32xf32, #tpu.memory_space<hbm>>
    %dma_start3A_48 = tpu.memref_slice %arg10[%dma_start3A_37] : memref<5x!tpu.dma_semaphore, #tpu.memory_space<semaphore_mem>> -> memref<1x!tpu.dma_semaphore, #tpu.memory_space<semaphore_mem>>
    %dma_start3A_49 = tpu.memref_squeeze %dma_start3A_48 : memref<1x!tpu.dma_semaphore, #tpu.memory_space<semaphore_mem>> -> memref<!tpu.dma_semaphore, #tpu.memory_space<semaphore_mem>>
    tpu.enqueue_indirect_dma source(%dma_start3A_47 : memref<10000x32xf32, #tpu.memory_space<hbm>>) target(%dma_start3A_41 : memref<80x32xf32, #tpu.memory_space<vmem>>) offsets(%dma_start3A_44 : memref<80xi32, #tpu.memory_space<vmem>>) semaphore(%dma_start3A_49 : memref<!tpu.dma_semaphore, #tpu.memory_space<semaphore_mem>>)
    %dma_start3A_50 = arith.constant 3 : i32
    %dma_start3A_51 = arith.constant 3 : i32
    %dma_start3A_52 = arith.constant 3 : i32
    %dma_start3A_53 = arith.constant 0 : i32
    %dma_start3A_54 = arith.constant 0 : i32
    %dma_start3A_55 = tpu.memref_slice %arg8[%dma_start3A_51, %dma_start3A_53, %dma_start3A_54] : memref<5x80x32xf32, #tpu.memory_space<vmem>> -> memref<1x80x32xf32, #tpu.memory_space<vmem>>
    %dma_start3A_56 = tpu.memref_squeeze %dma_start3A_55 : memref<1x80x32xf32, #tpu.memory_space<vmem>> -> memref<80x32xf32, #tpu.memory_space<vmem>>
    %dma_start3A_57 = arith.constant 0 : i32
    %dma_start3A_58 = tpu.memref_slice %arg6[%dma_start3A_50, %dma_start3A_57] : memref<125x80xi32, #tpu.memory_space<vmem>> -> memref<1x80xi32, #tpu.memory_space<vmem>>
    %dma_start3A_59 = tpu.memref_squeeze %dma_start3A_58 : memref<1x80xi32, #tpu.memory_space<vmem>> -> memref<80xi32, #tpu.memory_space<vmem>>
    %dma_start3A_60 = arith.constant 0 : i32
    %dma_start3A_61 = arith.constant 0 : i32
    %dma_start3A_62 = tpu.memref_slice %arg2[%dma_start3A_60, %dma_start3A_61] : memref<10000x32xf32, #tpu.memory_space<hbm>> -> memref<10000x32xf32, #tpu.memory_space<hbm>>
    %dma_start3A_63 = tpu.memref_slice %arg10[%dma_start3A_52] : memref<5x!tpu.dma_semaphore, #tpu.memory_space<semaphore_mem>> -> memref<1x!tpu.dma_semaphore, #tpu.memory_space<semaphore_mem>>
    %dma_start3A_64 = tpu.memref_squeeze %dma_start3A_63 : memref<1x!tpu.dma_semaphore, #tpu.memory_space<semaphore_mem>> -> memref<!tpu.dma_semaphore, #tpu.memory_space<semaphore_mem>>
    tpu.enqueue_indirect_dma source(%dma_start3A_62 : memref<10000x32xf32, #tpu.memory_space<hbm>>) target(%dma_start3A_56 : memref<80x32xf32, #tpu.memory_space<vmem>>) offsets(%dma_start3A_59 : memref<80xi32, #tpu.memory_space<vmem>>) semaphore(%dma_start3A_64 : memref<!tpu.dma_semaphore, #tpu.memory_space<semaphore_mem>>)
    %dma_start3A_65 = arith.constant 4 : i32
    %dma_start3A_66 = arith.constant 4 : i32
    %dma_start3A_67 = arith.constant 4 : i32
    %dma_start3A_68 = arith.constant 0 : i32
    %dma_start3A_69 = arith.constant 0 : i32
    %dma_start3A_70 = tpu.memref_slice %arg8[%dma_start3A_66, %dma_start3A_68, %dma_start3A_69] : memref<5x80x32xf32, #tpu.memory_space<vmem>> -> memref<1x80x32xf32, #tpu.memory_space<vmem>>
    %dma_start3A_71 = tpu.memref_squeeze %dma_start3A_70 : memref<1x80x32xf32, #tpu.memory_space<vmem>> -> memref<80x32xf32, #tpu.memory_space<vmem>>
    %dma_start3A_72 = arith.constant 0 : i32
    %dma_start3A_73 = tpu.memref_slice %arg6[%dma_start3A_65, %dma_start3A_72] : memref<125x80xi32, #tpu.memory_space<vmem>> -> memref<1x80xi32, #tpu.memory_space<vmem>>
    %dma_start3A_74 = tpu.memref_squeeze %dma_start3A_73 : memref<1x80xi32, #tpu.memory_space<vmem>> -> memref<80xi32, #tpu.memory_space<vmem>>
    %dma_start3A_75 = arith.constant 0 : i32
    %dma_start3A_76 = arith.constant 0 : i32
    %dma_start3A_77 = tpu.memref_slice %arg2[%dma_start3A_75, %dma_start3A_76] : memref<10000x32xf32, #tpu.memory_space<hbm>> -> memref<10000x32xf32, #tpu.memory_space<hbm>>
    %dma_start3A_78 = tpu.memref_slice %arg10[%dma_start3A_67] : memref<5x!tpu.dma_semaphore, #tpu.memory_space<semaphore_mem>> -> memref<1x!tpu.dma_semaphore, #tpu.memory_space<semaphore_mem>>
    %dma_start3A_79 = tpu.memref_squeeze %dma_start3A_78 : memref<1x!tpu.dma_semaphore, #tpu.memory_space<semaphore_mem>> -> memref<!tpu.dma_semaphore, #tpu.memory_space<semaphore_mem>>
    tpu.enqueue_indirect_dma source(%dma_start3A_77 : memref<10000x32xf32, #tpu.memory_space<hbm>>) target(%dma_start3A_71 : memref<80x32xf32, #tpu.memory_space<vmem>>) offsets(%dma_start3A_74 : memref<80xi32, #tpu.memory_space<vmem>>) semaphore(%dma_start3A_79 : memref<!tpu.dma_semaphore, #tpu.memory_space<semaphore_mem>>)
    %scan3A = arith.constant 0 : i32
    %scan3A_80 = arith.constant 25 : i32
    %scan3A_81 = arith.addi %scan3A, %scan3A_80 : i32
    %scan3A_82 = arith.constant 1 : i32
    scf.for %scan3A_89 = %scan3A to %scan3A_81 step %scan3A_82  : i32 {
      %mul3A_90 = arith.constant 5 : i32
      %mul3A_91 = arith.muli %scan3A_89, %mul3A_90 : i32
      %add3A_92 = arith.constant 0 : i32
      %add3A_93 = arith.addi %add3A_92, %mul3A_91 : i32
      %add3A_94 = arith.constant 0 : i32
      %add3A_95 = arith.addi %add3A_93, %add3A_94 : i32
      %dma_wait3A = arith.constant 0 : i32
      %dma_wait3A_96 = arith.constant 0 : i32
      %dma_wait3A_97 = arith.constant 0 : i32
      %dma_wait3A_98 = arith.constant 0 : i32
      %dma_wait3A_99 = tpu.memref_slice %arg8[%dma_wait3A, %dma_wait3A_97, %dma_wait3A_98] : memref<5x80x32xf32, #tpu.memory_space<vmem>> -> memref<1x80x32xf32, #tpu.memory_space<vmem>>
      %dma_wait3A_100 = tpu.memref_squeeze %dma_wait3A_99 : memref<1x80x32xf32, #tpu.memory_space<vmem>> -> memref<80x32xf32, #tpu.memory_space<vmem>>
      %dma_wait3A_101 = arith.constant 0 : i32
      %dma_wait3A_102 = tpu.memref_slice %arg6[%add3A_95, %dma_wait3A_101] : memref<125x80xi32, #tpu.memory_space<vmem>> -> memref<1x80xi32, #tpu.memory_space<vmem>>
      %dma_wait3A_103 = tpu.memref_squeeze %dma_wait3A_102 : memref<1x80xi32, #tpu.memory_space<vmem>> -> memref<80xi32, #tpu.memory_space<vmem>>
      %dma_wait3A_104 = arith.constant 0 : i32
      %dma_wait3A_105 = arith.constant 0 : i32
      %dma_wait3A_106 = tpu.memref_slice %arg2[%dma_wait3A_104, %dma_wait3A_105] : memref<10000x32xf32, #tpu.memory_space<hbm>> -> memref<10000x32xf32, #tpu.memory_space<hbm>>
      %dma_wait3A_107 = tpu.memref_slice %arg10[%dma_wait3A_96] : memref<5x!tpu.dma_semaphore, #tpu.memory_space<semaphore_mem>> -> memref<1x!tpu.dma_semaphore, #tpu.memory_space<semaphore_mem>>
      %dma_wait3A_108 = tpu.memref_squeeze %dma_wait3A_107 : memref<1x!tpu.dma_semaphore, #tpu.memory_space<semaphore_mem>> -> memref<!tpu.dma_semaphore, #tpu.memory_space<semaphore_mem>>
      tpu.wait_indirect_dma semaphore(%dma_wait3A_108 : memref<!tpu.dma_semaphore, #tpu.memory_space<semaphore_mem>>) src(%dma_wait3A_106 : memref<10000x32xf32, #tpu.memory_space<hbm>>) dst(%dma_wait3A_100 : memref<80x32xf32, #tpu.memory_space<vmem>>)
      %add3A_109 = arith.constant 0 : i32
      %add3A_110 = arith.addi %add3A_93, %add3A_109 : i32
      %dma_start3A_111 = arith.constant 0 : i32
      %dma_start3A_112 = arith.constant 0 : i32
      %dma_start3A_113 = arith.constant 0 : i32
      %dma_start3A_114 = arith.constant 0 : i32
      %dma_start3A_115 = tpu.memref_slice %arg8[%dma_start3A_111, %dma_start3A_113, %dma_start3A_114] : memref<5x80x32xf32, #tpu.memory_space<vmem>> -> memref<1x80x32xf32, #tpu.memory_space<vmem>>
      %dma_start3A_116 = tpu.memref_squeeze %dma_start3A_115 : memref<1x80x32xf32, #tpu.memory_space<vmem>> -> memref<80x32xf32, #tpu.memory_space<vmem>>
      %dma_start3A_117 = arith.constant 0 : i32
      %dma_start3A_118 = tpu.memref_slice %arg7[%add3A_110, %dma_start3A_117] : memref<125x80xi32, #tpu.memory_space<vmem>> -> memref<1x80xi32, #tpu.memory_space<vmem>>
      %dma_start3A_119 = tpu.memref_squeeze %dma_start3A_118 : memref<1x80xi32, #tpu.memory_space<vmem>> -> memref<80xi32, #tpu.memory_space<vmem>>
      %dma_start3A_120 = arith.constant 0 : i32
      %dma_start3A_121 = arith.constant 0 : i32
      %dma_start3A_122 = tpu.memref_slice %arg9[%dma_start3A_120, %dma_start3A_121] : memref<10240x32xf32, #tpu.memory_space<vmem_shared>> -> memref<10240x32xf32, #tpu.memory_space<vmem_shared>>
      %dma_start3A_123 = tpu.memref_slice %arg11[%dma_start3A_112] : memref<5x!tpu.dma_semaphore, #tpu.memory_space<semaphore_mem>> -> memref<1x!tpu.dma_semaphore, #tpu.memory_space<semaphore_mem>>
      %dma_start3A_124 = tpu.memref_squeeze %dma_start3A_123 : memref<1x!tpu.dma_semaphore, #tpu.memory_space<semaphore_mem>> -> memref<!tpu.dma_semaphore, #tpu.memory_space<semaphore_mem>>
      tpu.enqueue_indirect_dma source(%dma_start3A_116 : memref<80x32xf32, #tpu.memory_space<vmem>>) target(%dma_start3A_122 : memref<10240x32xf32, #tpu.memory_space<vmem_shared>>) offsets(%dma_start3A_119 : memref<80xi32, #tpu.memory_space<vmem>>) semaphore(%dma_start3A_124 : memref<!tpu.dma_semaphore, #tpu.memory_space<semaphore_mem>>) {add = true}
      %add3A_125 = arith.constant 1 : i32
      %add3A_126 = arith.addi %add3A_93, %add3A_125 : i32
      %dma_wait3A_127 = arith.constant 1 : i32
      %dma_wait3A_128 = arith.constant 1 : i32
      %dma_wait3A_129 = arith.constant 0 : i32
      %dma_wait3A_130 = arith.constant 0 : i32
      %dma_wait3A_131 = tpu.memref_slice %arg8[%dma_wait3A_127, %dma_wait3A_129, %dma_wait3A_130] : memref<5x80x32xf32, #tpu.memory_space<vmem>> -> memref<1x80x32xf32, #tpu.memory_space<vmem>>
      %dma_wait3A_132 = tpu.memref_squeeze %dma_wait3A_131 : memref<1x80x32xf32, #tpu.memory_space<vmem>> -> memref<80x32xf32, #tpu.memory_space<vmem>>
      %dma_wait3A_133 = arith.constant 0 : i32
      %dma_wait3A_134 = tpu.memref_slice %arg6[%add3A_126, %dma_wait3A_133] : memref<125x80xi32, #tpu.memory_space<vmem>> -> memref<1x80xi32, #tpu.memory_space<vmem>>
      %dma_wait3A_135 = tpu.memref_squeeze %dma_wait3A_134 : memref<1x80xi32, #tpu.memory_space<vmem>> -> memref<80xi32, #tpu.memory_space<vmem>>
      %dma_wait3A_136 = arith.constant 0 : i32
      %dma_wait3A_137 = arith.constant 0 : i32
      %dma_wait3A_138 = tpu.memref_slice %arg2[%dma_wait3A_136, %dma_wait3A_137] : memref<10000x32xf32, #tpu.memory_space<hbm>> -> memref<10000x32xf32, #tpu.memory_space<hbm>>
      %dma_wait3A_139 = tpu.memref_slice %arg10[%dma_wait3A_128] : memref<5x!tpu.dma_semaphore, #tpu.memory_space<semaphore_mem>> -> memref<1x!tpu.dma_semaphore, #tpu.memory_space<semaphore_mem>>
      %dma_wait3A_140 = tpu.memref_squeeze %dma_wait3A_139 : memref<1x!tpu.dma_semaphore, #tpu.memory_space<semaphore_mem>> -> memref<!tpu.dma_semaphore, #tpu.memory_space<semaphore_mem>>
      tpu.wait_indirect_dma semaphore(%dma_wait3A_140 : memref<!tpu.dma_semaphore, #tpu.memory_space<semaphore_mem>>) src(%dma_wait3A_138 : memref<10000x32xf32, #tpu.memory_space<hbm>>) dst(%dma_wait3A_132 : memref<80x32xf32, #tpu.memory_space<vmem>>)
      %add3A_141 = arith.constant 1 : i32
      %add3A_142 = arith.addi %add3A_93, %add3A_141 : i32
      %dma_start3A_143 = arith.constant 1 : i32
      %dma_start3A_144 = arith.constant 1 : i32
      %dma_start3A_145 = arith.constant 0 : i32
      %dma_start3A_146 = arith.constant 0 : i32
      %dma_start3A_147 = tpu.memref_slice %arg8[%dma_start3A_143, %dma_start3A_145, %dma_start3A_146] : memref<5x80x32xf32, #tpu.memory_space<vmem>> -> memref<1x80x32xf32, #tpu.memory_space<vmem>>
      %dma_start3A_148 = tpu.memref_squeeze %dma_start3A_147 : memref<1x80x32xf32, #tpu.memory_space<vmem>> -> memref<80x32xf32, #tpu.memory_space<vmem>>
      %dma_start3A_149 = arith.constant 0 : i32
      %dma_start3A_150 = tpu.memref_slice %arg7[%add3A_142, %dma_start3A_149] : memref<125x80xi32, #tpu.memory_space<vmem>> -> memref<1x80xi32, #tpu.memory_space<vmem>>
      %dma_start3A_151 = tpu.memref_squeeze %dma_start3A_150 : memref<1x80xi32, #tpu.memory_space<vmem>> -> memref<80xi32, #tpu.memory_space<vmem>>
      %dma_start3A_152 = arith.constant 0 : i32
      %dma_start3A_153 = arith.constant 0 : i32
      %dma_start3A_154 = tpu.memref_slice %arg9[%dma_start3A_152, %dma_start3A_153] : memref<10240x32xf32, #tpu.memory_space<vmem_shared>> -> memref<10240x32xf32, #tpu.memory_space<vmem_shared>>
      %dma_start3A_155 = tpu.memref_slice %arg11[%dma_start3A_144] : memref<5x!tpu.dma_semaphore, #tpu.memory_space<semaphore_mem>> -> memref<1x!tpu.dma_semaphore, #tpu.memory_space<semaphore_mem>>
      %dma_start3A_156 = tpu.memref_squeeze %dma_start3A_155 : memref<1x!tpu.dma_semaphore, #tpu.memory_space<semaphore_mem>> -> memref<!tpu.dma_semaphore, #tpu.memory_space<semaphore_mem>>
      tpu.enqueue_indirect_dma source(%dma_start3A_148 : memref<80x32xf32, #tpu.memory_space<vmem>>) target(%dma_start3A_154 : memref<10240x32xf32, #tpu.memory_space<vmem_shared>>) offsets(%dma_start3A_151 : memref<80xi32, #tpu.memory_space<vmem>>) semaphore(%dma_start3A_156 : memref<!tpu.dma_semaphore, #tpu.memory_space<semaphore_mem>>) {add = true}
      %add3A_157 = arith.constant 2 : i32
      %add3A_158 = arith.addi %add3A_93, %add3A_157 : i32
      %dma_wait3A_159 = arith.constant 2 : i32
      %dma_wait3A_160 = arith.constant 2 : i32
      %dma_wait3A_161 = arith.constant 0 : i32
      %dma_wait3A_162 = arith.constant 0 : i32
      %dma_wait3A_163 = tpu.memref_slice %arg8[%dma_wait3A_159, %dma_wait3A_161, %dma_wait3A_162] : memref<5x80x32xf32, #tpu.memory_space<vmem>> -> memref<1x80x32xf32, #tpu.memory_space<vmem>>
      %dma_wait3A_164 = tpu.memref_squeeze %dma_wait3A_163 : memref<1x80x32xf32, #tpu.memory_space<vmem>> -> memref<80x32xf32, #tpu.memory_space<vmem>>
      %dma_wait3A_165 = arith.constant 0 : i32
      %dma_wait3A_166 = tpu.memref_slice %arg6[%add3A_158, %dma_wait3A_165] : memref<125x80xi32, #tpu.memory_space<vmem>> -> memref<1x80xi32, #tpu.memory_space<vmem>>
      %dma_wait3A_167 = tpu.memref_squeeze %dma_wait3A_166 : memref<1x80xi32, #tpu.memory_space<vmem>> -> memref<80xi32, #tpu.memory_space<vmem>>
      %dma_wait3A_168 = arith.constant 0 : i32
      %dma_wait3A_169 = arith.constant 0 : i32
      %dma_wait3A_170 = tpu.memref_slice %arg2[%dma_wait3A_168, %dma_wait3A_169] : memref<10000x32xf32, #tpu.memory_space<hbm>> -> memref<10000x32xf32, #tpu.memory_space<hbm>>
      %dma_wait3A_171 = tpu.memref_slice %arg10[%dma_wait3A_160] : memref<5x!tpu.dma_semaphore, #tpu.memory_space<semaphore_mem>> -> memref<1x!tpu.dma_semaphore, #tpu.memory_space<semaphore_mem>>
      %dma_wait3A_172 = tpu.memref_squeeze %dma_wait3A_171 : memref<1x!tpu.dma_semaphore, #tpu.memory_space<semaphore_mem>> -> memref<!tpu.dma_semaphore, #tpu.memory_space<semaphore_mem>>
      tpu.wait_indirect_dma semaphore(%dma_wait3A_172 : memref<!tpu.dma_semaphore, #tpu.memory_space<semaphore_mem>>) src(%dma_wait3A_170 : memref<10000x32xf32, #tpu.memory_space<hbm>>) dst(%dma_wait3A_164 : memref<80x32xf32, #tpu.memory_space<vmem>>)
      %add3A_173 = arith.constant 2 : i32
      %add3A_174 = arith.addi %add3A_93, %add3A_173 : i32
      %dma_start3A_175 = arith.constant 2 : i32
      %dma_start3A_176 = arith.constant 2 : i32
      %dma_start3A_177 = arith.constant 0 : i32
      %dma_start3A_178 = arith.constant 0 : i32
      %dma_start3A_179 = tpu.memref_slice %arg8[%dma_start3A_175, %dma_start3A_177, %dma_start3A_178] : memref<5x80x32xf32, #tpu.memory_space<vmem>> -> memref<1x80x32xf32, #tpu.memory_space<vmem>>
      %dma_start3A_180 = tpu.memref_squeeze %dma_start3A_179 : memref<1x80x32xf32, #tpu.memory_space<vmem>> -> memref<80x32xf32, #tpu.memory_space<vmem>>
      %dma_start3A_181 = arith.constant 0 : i32
      %dma_start3A_182 = tpu.memref_slice %arg7[%add3A_174, %dma_start3A_181] : memref<125x80xi32, #tpu.memory_space<vmem>> -> memref<1x80xi32, #tpu.memory_space<vmem>>
      %dma_start3A_183 = tpu.memref_squeeze %dma_start3A_182 : memref<1x80xi32, #tpu.memory_space<vmem>> -> memref<80xi32, #tpu.memory_space<vmem>>
      %dma_start3A_184 = arith.constant 0 : i32
      %dma_start3A_185 = arith.constant 0 : i32
      %dma_start3A_186 = tpu.memref_slice %arg9[%dma_start3A_184, %dma_start3A_185] : memref<10240x32xf32, #tpu.memory_space<vmem_shared>> -> memref<10240x32xf32, #tpu.memory_space<vmem_shared>>
      %dma_start3A_187 = tpu.memref_slice %arg11[%dma_start3A_176] : memref<5x!tpu.dma_semaphore, #tpu.memory_space<semaphore_mem>> -> memref<1x!tpu.dma_semaphore, #tpu.memory_space<semaphore_mem>>
      %dma_start3A_188 = tpu.memref_squeeze %dma_start3A_187 : memref<1x!tpu.dma_semaphore, #tpu.memory_space<semaphore_mem>> -> memref<!tpu.dma_semaphore, #tpu.memory_space<semaphore_mem>>
      tpu.enqueue_indirect_dma source(%dma_start3A_180 : memref<80x32xf32, #tpu.memory_space<vmem>>) target(%dma_start3A_186 : memref<10240x32xf32, #tpu.memory_space<vmem_shared>>) offsets(%dma_start3A_183 : memref<80xi32, #tpu.memory_space<vmem>>) semaphore(%dma_start3A_188 : memref<!tpu.dma_semaphore, #tpu.memory_space<semaphore_mem>>) {add = true}
      %add3A_189 = arith.constant 3 : i32
      %add3A_190 = arith.addi %add3A_93, %add3A_189 : i32
      %dma_wait3A_191 = arith.constant 3 : i32
      %dma_wait3A_192 = arith.constant 3 : i32
      %dma_wait3A_193 = arith.constant 0 : i32
      %dma_wait3A_194 = arith.constant 0 : i32
      %dma_wait3A_195 = tpu.memref_slice %arg8[%dma_wait3A_191, %dma_wait3A_193, %dma_wait3A_194] : memref<5x80x32xf32, #tpu.memory_space<vmem>> -> memref<1x80x32xf32, #tpu.memory_space<vmem>>
      %dma_wait3A_196 = tpu.memref_squeeze %dma_wait3A_195 : memref<1x80x32xf32, #tpu.memory_space<vmem>> -> memref<80x32xf32, #tpu.memory_space<vmem>>
      %dma_wait3A_197 = arith.constant 0 : i32
      %dma_wait3A_198 = tpu.memref_slice %arg6[%add3A_190, %dma_wait3A_197] : memref<125x80xi32, #tpu.memory_space<vmem>> -> memref<1x80xi32, #tpu.memory_space<vmem>>
      %dma_wait3A_199 = tpu.memref_squeeze %dma_wait3A_198 : memref<1x80xi32, #tpu.memory_space<vmem>> -> memref<80xi32, #tpu.memory_space<vmem>>
      %dma_wait3A_200 = arith.constant 0 : i32
      %dma_wait3A_201 = arith.constant 0 : i32
      %dma_wait3A_202 = tpu.memref_slice %arg2[%dma_wait3A_200, %dma_wait3A_201] : memref<10000x32xf32, #tpu.memory_space<hbm>> -> memref<10000x32xf32, #tpu.memory_space<hbm>>
      %dma_wait3A_203 = tpu.memref_slice %arg10[%dma_wait3A_192] : memref<5x!tpu.dma_semaphore, #tpu.memory_space<semaphore_mem>> -> memref<1x!tpu.dma_semaphore, #tpu.memory_space<semaphore_mem>>
      %dma_wait3A_204 = tpu.memref_squeeze %dma_wait3A_203 : memref<1x!tpu.dma_semaphore, #tpu.memory_space<semaphore_mem>> -> memref<!tpu.dma_semaphore, #tpu.memory_space<semaphore_mem>>
      tpu.wait_indirect_dma semaphore(%dma_wait3A_204 : memref<!tpu.dma_semaphore, #tpu.memory_space<semaphore_mem>>) src(%dma_wait3A_202 : memref<10000x32xf32, #tpu.memory_space<hbm>>) dst(%dma_wait3A_196 : memref<80x32xf32, #tpu.memory_space<vmem>>)
      %add3A_205 = arith.constant 3 : i32
      %add3A_206 = arith.addi %add3A_93, %add3A_205 : i32
      %dma_start3A_207 = arith.constant 3 : i32
      %dma_start3A_208 = arith.constant 3 : i32
      %dma_start3A_209 = arith.constant 0 : i32
      %dma_start3A_210 = arith.constant 0 : i32
      %dma_start3A_211 = tpu.memref_slice %arg8[%dma_start3A_207, %dma_start3A_209, %dma_start3A_210] : memref<5x80x32xf32, #tpu.memory_space<vmem>> -> memref<1x80x32xf32, #tpu.memory_space<vmem>>
      %dma_start3A_212 = tpu.memref_squeeze %dma_start3A_211 : memref<1x80x32xf32, #tpu.memory_space<vmem>> -> memref<80x32xf32, #tpu.memory_space<vmem>>
      %dma_start3A_213 = arith.constant 0 : i32
      %dma_start3A_214 = tpu.memref_slice %arg7[%add3A_206, %dma_start3A_213] : memref<125x80xi32, #tpu.memory_space<vmem>> -> memref<1x80xi32, #tpu.memory_space<vmem>>
      %dma_start3A_215 = tpu.memref_squeeze %dma_start3A_214 : memref<1x80xi32, #tpu.memory_space<vmem>> -> memref<80xi32, #tpu.memory_space<vmem>>
      %dma_start3A_216 = arith.constant 0 : i32
      %dma_start3A_217 = arith.constant 0 : i32
      %dma_start3A_218 = tpu.memref_slice %arg9[%dma_start3A_216, %dma_start3A_217] : memref<10240x32xf32, #tpu.memory_space<vmem_shared>> -> memref<10240x32xf32, #tpu.memory_space<vmem_shared>>
      %dma_start3A_219 = tpu.memref_slice %arg11[%dma_start3A_208] : memref<5x!tpu.dma_semaphore, #tpu.memory_space<semaphore_mem>> -> memref<1x!tpu.dma_semaphore, #tpu.memory_space<semaphore_mem>>
      %dma_start3A_220 = tpu.memref_squeeze %dma_start3A_219 : memref<1x!tpu.dma_semaphore, #tpu.memory_space<semaphore_mem>> -> memref<!tpu.dma_semaphore, #tpu.memory_space<semaphore_mem>>
      tpu.enqueue_indirect_dma source(%dma_start3A_212 : memref<80x32xf32, #tpu.memory_space<vmem>>) target(%dma_start3A_218 : memref<10240x32xf32, #tpu.memory_space<vmem_shared>>) offsets(%dma_start3A_215 : memref<80xi32, #tpu.memory_space<vmem>>) semaphore(%dma_start3A_220 : memref<!tpu.dma_semaphore, #tpu.memory_space<semaphore_mem>>) {add = true}
      %add3A_221 = arith.constant 4 : i32
      %add3A_222 = arith.addi %add3A_93, %add3A_221 : i32
      %dma_wait3A_223 = arith.constant 4 : i32
      %dma_wait3A_224 = arith.constant 4 : i32
      %dma_wait3A_225 = arith.constant 0 : i32
      %dma_wait3A_226 = arith.constant 0 : i32
      %dma_wait3A_227 = tpu.memref_slice %arg8[%dma_wait3A_223, %dma_wait3A_225, %dma_wait3A_226] : memref<5x80x32xf32, #tpu.memory_space<vmem>> -> memref<1x80x32xf32, #tpu.memory_space<vmem>>
      %dma_wait3A_228 = tpu.memref_squeeze %dma_wait3A_227 : memref<1x80x32xf32, #tpu.memory_space<vmem>> -> memref<80x32xf32, #tpu.memory_space<vmem>>
      %dma_wait3A_229 = arith.constant 0 : i32
      %dma_wait3A_230 = tpu.memref_slice %arg6[%add3A_222, %dma_wait3A_229] : memref<125x80xi32, #tpu.memory_space<vmem>> -> memref<1x80xi32, #tpu.memory_space<vmem>>
      %dma_wait3A_231 = tpu.memref_squeeze %dma_wait3A_230 : memref<1x80xi32, #tpu.memory_space<vmem>> -> memref<80xi32, #tpu.memory_space<vmem>>
      %dma_wait3A_232 = arith.constant 0 : i32
      %dma_wait3A_233 = arith.constant 0 : i32
      %dma_wait3A_234 = tpu.memref_slice %arg2[%dma_wait3A_232, %dma_wait3A_233] : memref<10000x32xf32, #tpu.memory_space<hbm>> -> memref<10000x32xf32, #tpu.memory_space<hbm>>
      %dma_wait3A_235 = tpu.memref_slice %arg10[%dma_wait3A_224] : memref<5x!tpu.dma_semaphore, #tpu.memory_space<semaphore_mem>> -> memref<1x!tpu.dma_semaphore, #tpu.memory_space<semaphore_mem>>
      %dma_wait3A_236 = tpu.memref_squeeze %dma_wait3A_235 : memref<1x!tpu.dma_semaphore, #tpu.memory_space<semaphore_mem>> -> memref<!tpu.dma_semaphore, #tpu.memory_space<semaphore_mem>>
      tpu.wait_indirect_dma semaphore(%dma_wait3A_236 : memref<!tpu.dma_semaphore, #tpu.memory_space<semaphore_mem>>) src(%dma_wait3A_234 : memref<10000x32xf32, #tpu.memory_space<hbm>>) dst(%dma_wait3A_228 : memref<80x32xf32, #tpu.memory_space<vmem>>)
      %add3A_237 = arith.constant 4 : i32
      %add3A_238 = arith.addi %add3A_93, %add3A_237 : i32
      %dma_start3A_239 = arith.constant 4 : i32
      %dma_start3A_240 = arith.constant 4 : i32
      %dma_start3A_241 = arith.constant 0 : i32
      %dma_start3A_242 = arith.constant 0 : i32
      %dma_start3A_243 = tpu.memref_slice %arg8[%dma_start3A_239, %dma_start3A_241, %dma_start3A_242] : memref<5x80x32xf32, #tpu.memory_space<vmem>> -> memref<1x80x32xf32, #tpu.memory_space<vmem>>
      %dma_start3A_244 = tpu.memref_squeeze %dma_start3A_243 : memref<1x80x32xf32, #tpu.memory_space<vmem>> -> memref<80x32xf32, #tpu.memory_space<vmem>>
      %dma_start3A_245 = arith.constant 0 : i32
      %dma_start3A_246 = tpu.memref_slice %arg7[%add3A_238, %dma_start3A_245] : memref<125x80xi32, #tpu.memory_space<vmem>> -> memref<1x80xi32, #tpu.memory_space<vmem>>
      %dma_start3A_247 = tpu.memref_squeeze %dma_start3A_246 : memref<1x80xi32, #tpu.memory_space<vmem>> -> memref<80xi32, #tpu.memory_space<vmem>>
      %dma_start3A_248 = arith.constant 0 : i32
      %dma_start3A_249 = arith.constant 0 : i32
      %dma_start3A_250 = tpu.memref_slice %arg9[%dma_start3A_248, %dma_start3A_249] : memref<10240x32xf32, #tpu.memory_space<vmem_shared>> -> memref<10240x32xf32, #tpu.memory_space<vmem_shared>>
      %dma_start3A_251 = tpu.memref_slice %arg11[%dma_start3A_240] : memref<5x!tpu.dma_semaphore, #tpu.memory_space<semaphore_mem>> -> memref<1x!tpu.dma_semaphore, #tpu.memory_space<semaphore_mem>>
      %dma_start3A_252 = tpu.memref_squeeze %dma_start3A_251 : memref<1x!tpu.dma_semaphore, #tpu.memory_space<semaphore_mem>> -> memref<!tpu.dma_semaphore, #tpu.memory_space<semaphore_mem>>
      tpu.enqueue_indirect_dma source(%dma_start3A_244 : memref<80x32xf32, #tpu.memory_space<vmem>>) target(%dma_start3A_250 : memref<10240x32xf32, #tpu.memory_space<vmem_shared>>) offsets(%dma_start3A_247 : memref<80xi32, #tpu.memory_space<vmem>>) semaphore(%dma_start3A_252 : memref<!tpu.dma_semaphore, #tpu.memory_space<semaphore_mem>>) {add = true}
      %dma_wait3A_253 = arith.constant 0 : i32
      %dma_wait3A_254 = arith.constant 0 : i32
      %dma_wait3A_255 = arith.constant 0 : i32
      %dma_wait3A_256 = arith.constant 0 : i32
      %dma_wait3A_257 = tpu.memref_slice %arg8[%dma_wait3A_253, %dma_wait3A_255, %dma_wait3A_256] : memref<5x80x32xf32, #tpu.memory_space<vmem>> -> memref<1x80x32xf32, #tpu.memory_space<vmem>>
      %dma_wait3A_258 = tpu.memref_squeeze %dma_wait3A_257 : memref<1x80x32xf32, #tpu.memory_space<vmem>> -> memref<80x32xf32, #tpu.memory_space<vmem>>
      %dma_wait3A_259 = arith.constant 0 : i32
      %dma_wait3A_260 = tpu.memref_slice %arg7[%add3A_110, %dma_wait3A_259] : memref<125x80xi32, #tpu.memory_space<vmem>> -> memref<1x80xi32, #tpu.memory_space<vmem>>
      %dma_wait3A_261 = tpu.memref_squeeze %dma_wait3A_260 : memref<1x80xi32, #tpu.memory_space<vmem>> -> memref<80xi32, #tpu.memory_space<vmem>>
      %dma_wait3A_262 = arith.constant 0 : i32
      %dma_wait3A_263 = arith.constant 0 : i32
      %dma_wait3A_264 = tpu.memref_slice %arg9[%dma_wait3A_262, %dma_wait3A_263] : memref<10240x32xf32, #tpu.memory_space<vmem_shared>> -> memref<10240x32xf32, #tpu.memory_space<vmem_shared>>
      %dma_wait3A_265 = tpu.memref_slice %arg11[%dma_wait3A_254] : memref<5x!tpu.dma_semaphore, #tpu.memory_space<semaphore_mem>> -> memref<1x!tpu.dma_semaphore, #tpu.memory_space<semaphore_mem>>
      %dma_wait3A_266 = tpu.memref_squeeze %dma_wait3A_265 : memref<1x!tpu.dma_semaphore, #tpu.memory_space<semaphore_mem>> -> memref<!tpu.dma_semaphore, #tpu.memory_space<semaphore_mem>>
      tpu.wait_indirect_dma semaphore(%dma_wait3A_266 : memref<!tpu.dma_semaphore, #tpu.memory_space<semaphore_mem>>) src(%dma_wait3A_258 : memref<80x32xf32, #tpu.memory_space<vmem>>) dst(%dma_wait3A_264 : memref<10240x32xf32, #tpu.memory_space<vmem_shared>>)
      %add3A_267 = arith.constant 5 : i32
      %add3A_268 = arith.addi %add3A_93, %add3A_267 : i32
      %add3A_269 = arith.constant 0 : i32
      %add3A_270 = arith.addi %add3A_268, %add3A_269 : i32
      %lt3A = arith.constant 125 : i32
      %lt3A_271 = arith.cmpi slt, %add3A_270, %lt3A : i32
      %convert_element_type3A = arith.extui %lt3A_271 : i1 to i32
      %cond3A = arith.constant 0 : i32
      %cond3A_272 = arith.cmpi ne, %convert_element_type3A, %cond3A : i32
      scf.if %cond3A_272 {
        %add3A_365 = arith.constant 5 : i32
        %add3A_366 = arith.addi %add3A_93, %add3A_365 : i32
        %add3A_367 = arith.constant 0 : i32
        %add3A_368 = arith.addi %add3A_366, %add3A_367 : i32
        %dma_start3A_369 = arith.constant 0 : i32
        %dma_start3A_370 = arith.constant 0 : i32
        %dma_start3A_371 = arith.constant 0 : i32
        %dma_start3A_372 = arith.constant 0 : i32
        %dma_start3A_373 = tpu.memref_slice %arg8[%dma_start3A_369, %dma_start3A_371, %dma_start3A_372] : memref<5x80x32xf32, #tpu.memory_space<vmem>> -> memref<1x80x32xf32, #tpu.memory_space<vmem>>
        %dma_start3A_374 = tpu.memref_squeeze %dma_start3A_373 : memref<1x80x32xf32, #tpu.memory_space<vmem>> -> memref<80x32xf32, #tpu.memory_space<vmem>>
        %dma_start3A_375 = arith.constant 0 : i32
        %dma_start3A_376 = tpu.memref_slice %arg6[%add3A_368, %dma_start3A_375] : memref<125x80xi32, #tpu.memory_space<vmem>> -> memref<1x80xi32, #tpu.memory_space<vmem>>
        %dma_start3A_377 = tpu.memref_squeeze %dma_start3A_376 : memref<1x80xi32, #tpu.memory_space<vmem>> -> memref<80xi32, #tpu.memory_space<vmem>>
        %dma_start3A_378 = arith.constant 0 : i32
        %dma_start3A_379 = arith.constant 0 : i32
        %dma_start3A_380 = tpu.memref_slice %arg2[%dma_start3A_378, %dma_start3A_379] : memref<10000x32xf32, #tpu.memory_space<hbm>> -> memref<10000x32xf32, #tpu.memory_space<hbm>>
        %dma_start3A_381 = tpu.memref_slice %arg10[%dma_start3A_370] : memref<5x!tpu.dma_semaphore, #tpu.memory_space<semaphore_mem>> -> memref<1x!tpu.dma_semaphore, #tpu.memory_space<semaphore_mem>>
        %dma_start3A_382 = tpu.memref_squeeze %dma_start3A_381 : memref<1x!tpu.dma_semaphore, #tpu.memory_space<semaphore_mem>> -> memref<!tpu.dma_semaphore, #tpu.memory_space<semaphore_mem>>
        tpu.enqueue_indirect_dma source(%dma_start3A_380 : memref<10000x32xf32, #tpu.memory_space<hbm>>) target(%dma_start3A_374 : memref<80x32xf32, #tpu.memory_space<vmem>>) offsets(%dma_start3A_377 : memref<80xi32, #tpu.memory_space<vmem>>) semaphore(%dma_start3A_382 : memref<!tpu.dma_semaphore, #tpu.memory_space<semaphore_mem>>)
      } else {
      }
      %dma_wait3A_273 = arith.constant 1 : i32
      %dma_wait3A_274 = arith.constant 1 : i32
      %dma_wait3A_275 = arith.constant 0 : i32
      %dma_wait3A_276 = arith.constant 0 : i32
      %dma_wait3A_277 = tpu.memref_slice %arg8[%dma_wait3A_273, %dma_wait3A_275, %dma_wait3A_276] : memref<5x80x32xf32, #tpu.memory_space<vmem>> -> memref<1x80x32xf32, #tpu.memory_space<vmem>>
      %dma_wait3A_278 = tpu.memref_squeeze %dma_wait3A_277 : memref<1x80x32xf32, #tpu.memory_space<vmem>> -> memref<80x32xf32, #tpu.memory_space<vmem>>
      %dma_wait3A_279 = arith.constant 0 : i32
      %dma_wait3A_280 = tpu.memref_slice %arg7[%add3A_142, %dma_wait3A_279] : memref<125x80xi32, #tpu.memory_space<vmem>> -> memref<1x80xi32, #tpu.memory_space<vmem>>
      %dma_wait3A_281 = tpu.memref_squeeze %dma_wait3A_280 : memref<1x80xi32, #tpu.memory_space<vmem>> -> memref<80xi32, #tpu.memory_space<vmem>>
      %dma_wait3A_282 = arith.constant 0 : i32
      %dma_wait3A_283 = arith.constant 0 : i32
      %dma_wait3A_284 = tpu.memref_slice %arg9[%dma_wait3A_282, %dma_wait3A_283] : memref<10240x32xf32, #tpu.memory_space<vmem_shared>> -> memref<10240x32xf32, #tpu.memory_space<vmem_shared>>
      %dma_wait3A_285 = tpu.memref_slice %arg11[%dma_wait3A_274] : memref<5x!tpu.dma_semaphore, #tpu.memory_space<semaphore_mem>> -> memref<1x!tpu.dma_semaphore, #tpu.memory_space<semaphore_mem>>
      %dma_wait3A_286 = tpu.memref_squeeze %dma_wait3A_285 : memref<1x!tpu.dma_semaphore, #tpu.memory_space<semaphore_mem>> -> memref<!tpu.dma_semaphore, #tpu.memory_space<semaphore_mem>>
      tpu.wait_indirect_dma semaphore(%dma_wait3A_286 : memref<!tpu.dma_semaphore, #tpu.memory_space<semaphore_mem>>) src(%dma_wait3A_278 : memref<80x32xf32, #tpu.memory_space<vmem>>) dst(%dma_wait3A_284 : memref<10240x32xf32, #tpu.memory_space<vmem_shared>>)
      %add3A_287 = arith.constant 5 : i32
      %add3A_288 = arith.addi %add3A_93, %add3A_287 : i32
      %add3A_289 = arith.constant 1 : i32
      %add3A_290 = arith.addi %add3A_288, %add3A_289 : i32
      %lt3A_291 = arith.constant 125 : i32
      %lt3A_292 = arith.cmpi slt, %add3A_290, %lt3A_291 : i32
      %convert_element_type3A_293 = arith.extui %lt3A_292 : i1 to i32
      %cond3A_294 = arith.constant 0 : i32
      %cond3A_295 = arith.cmpi ne, %convert_element_type3A_293, %cond3A_294 : i32
      scf.if %cond3A_295 {
        %add3A_365 = arith.constant 5 : i32
        %add3A_366 = arith.addi %add3A_93, %add3A_365 : i32
        %add3A_367 = arith.constant 1 : i32
        %add3A_368 = arith.addi %add3A_366, %add3A_367 : i32
        %dma_start3A_369 = arith.constant 1 : i32
        %dma_start3A_370 = arith.constant 1 : i32
        %dma_start3A_371 = arith.constant 0 : i32
        %dma_start3A_372 = arith.constant 0 : i32
        %dma_start3A_373 = tpu.memref_slice %arg8[%dma_start3A_369, %dma_start3A_371, %dma_start3A_372] : memref<5x80x32xf32, #tpu.memory_space<vmem>> -> memref<1x80x32xf32, #tpu.memory_space<vmem>>
        %dma_start3A_374 = tpu.memref_squeeze %dma_start3A_373 : memref<1x80x32xf32, #tpu.memory_space<vmem>> -> memref<80x32xf32, #tpu.memory_space<vmem>>
        %dma_start3A_375 = arith.constant 0 : i32
        %dma_start3A_376 = tpu.memref_slice %arg6[%add3A_368, %dma_start3A_375] : memref<125x80xi32, #tpu.memory_space<vmem>> -> memref<1x80xi32, #tpu.memory_space<vmem>>
        %dma_start3A_377 = tpu.memref_squeeze %dma_start3A_376 : memref<1x80xi32, #tpu.memory_space<vmem>> -> memref<80xi32, #tpu.memory_space<vmem>>
        %dma_start3A_378 = arith.constant 0 : i32
        %dma_start3A_379 = arith.constant 0 : i32
        %dma_start3A_380 = tpu.memref_slice %arg2[%dma_start3A_378, %dma_start3A_379] : memref<10000x32xf32, #tpu.memory_space<hbm>> -> memref<10000x32xf32, #tpu.memory_space<hbm>>
        %dma_start3A_381 = tpu.memref_slice %arg10[%dma_start3A_370] : memref<5x!tpu.dma_semaphore, #tpu.memory_space<semaphore_mem>> -> memref<1x!tpu.dma_semaphore, #tpu.memory_space<semaphore_mem>>
        %dma_start3A_382 = tpu.memref_squeeze %dma_start3A_381 : memref<1x!tpu.dma_semaphore, #tpu.memory_space<semaphore_mem>> -> memref<!tpu.dma_semaphore, #tpu.memory_space<semaphore_mem>>
        tpu.enqueue_indirect_dma source(%dma_start3A_380 : memref<10000x32xf32, #tpu.memory_space<hbm>>) target(%dma_start3A_374 : memref<80x32xf32, #tpu.memory_space<vmem>>) offsets(%dma_start3A_377 : memref<80xi32, #tpu.memory_space<vmem>>) semaphore(%dma_start3A_382 : memref<!tpu.dma_semaphore, #tpu.memory_space<semaphore_mem>>)
      } else {
      }
      %dma_wait3A_296 = arith.constant 2 : i32
      %dma_wait3A_297 = arith.constant 2 : i32
      %dma_wait3A_298 = arith.constant 0 : i32
      %dma_wait3A_299 = arith.constant 0 : i32
      %dma_wait3A_300 = tpu.memref_slice %arg8[%dma_wait3A_296, %dma_wait3A_298, %dma_wait3A_299] : memref<5x80x32xf32, #tpu.memory_space<vmem>> -> memref<1x80x32xf32, #tpu.memory_space<vmem>>
      %dma_wait3A_301 = tpu.memref_squeeze %dma_wait3A_300 : memref<1x80x32xf32, #tpu.memory_space<vmem>> -> memref<80x32xf32, #tpu.memory_space<vmem>>
      %dma_wait3A_302 = arith.constant 0 : i32
      %dma_wait3A_303 = tpu.memref_slice %arg7[%add3A_174, %dma_wait3A_302] : memref<125x80xi32, #tpu.memory_space<vmem>> -> memref<1x80xi32, #tpu.memory_space<vmem>>
      %dma_wait3A_304 = tpu.memref_squeeze %dma_wait3A_303 : memref<1x80xi32, #tpu.memory_space<vmem>> -> memref<80xi32, #tpu.memory_space<vmem>>
      %dma_wait3A_305 = arith.constant 0 : i32
      %dma_wait3A_306 = arith.constant 0 : i32
      %dma_wait3A_307 = tpu.memref_slice %arg9[%dma_wait3A_305, %dma_wait3A_306] : memref<10240x32xf32, #tpu.memory_space<vmem_shared>> -> memref<10240x32xf32, #tpu.memory_space<vmem_shared>>
      %dma_wait3A_308 = tpu.memref_slice %arg11[%dma_wait3A_297] : memref<5x!tpu.dma_semaphore, #tpu.memory_space<semaphore_mem>> -> memref<1x!tpu.dma_semaphore, #tpu.memory_space<semaphore_mem>>
      %dma_wait3A_309 = tpu.memref_squeeze %dma_wait3A_308 : memref<1x!tpu.dma_semaphore, #tpu.memory_space<semaphore_mem>> -> memref<!tpu.dma_semaphore, #tpu.memory_space<semaphore_mem>>
      tpu.wait_indirect_dma semaphore(%dma_wait3A_309 : memref<!tpu.dma_semaphore, #tpu.memory_space<semaphore_mem>>) src(%dma_wait3A_301 : memref<80x32xf32, #tpu.memory_space<vmem>>) dst(%dma_wait3A_307 : memref<10240x32xf32, #tpu.memory_space<vmem_shared>>)
      %add3A_310 = arith.constant 5 : i32
      %add3A_311 = arith.addi %add3A_93, %add3A_310 : i32
      %add3A_312 = arith.constant 2 : i32
      %add3A_313 = arith.addi %add3A_311, %add3A_312 : i32
      %lt3A_314 = arith.constant 125 : i32
      %lt3A_315 = arith.cmpi slt, %add3A_313, %lt3A_314 : i32
      %convert_element_type3A_316 = arith.extui %lt3A_315 : i1 to i32
      %cond3A_317 = arith.constant 0 : i32
      %cond3A_318 = arith.cmpi ne, %convert_element_type3A_316, %cond3A_317 : i32
      scf.if %cond3A_318 {
        %add3A_365 = arith.constant 5 : i32
        %add3A_366 = arith.addi %add3A_93, %add3A_365 : i32
        %add3A_367 = arith.constant 2 : i32
        %add3A_368 = arith.addi %add3A_366, %add3A_367 : i32
        %dma_start3A_369 = arith.constant 2 : i32
        %dma_start3A_370 = arith.constant 2 : i32
        %dma_start3A_371 = arith.constant 0 : i32
        %dma_start3A_372 = arith.constant 0 : i32
        %dma_start3A_373 = tpu.memref_slice %arg8[%dma_start3A_369, %dma_start3A_371, %dma_start3A_372] : memref<5x80x32xf32, #tpu.memory_space<vmem>> -> memref<1x80x32xf32, #tpu.memory_space<vmem>>
        %dma_start3A_374 = tpu.memref_squeeze %dma_start3A_373 : memref<1x80x32xf32, #tpu.memory_space<vmem>> -> memref<80x32xf32, #tpu.memory_space<vmem>>
        %dma_start3A_375 = arith.constant 0 : i32
        %dma_start3A_376 = tpu.memref_slice %arg6[%add3A_368, %dma_start3A_375] : memref<125x80xi32, #tpu.memory_space<vmem>> -> memref<1x80xi32, #tpu.memory_space<vmem>>
        %dma_start3A_377 = tpu.memref_squeeze %dma_start3A_376 : memref<1x80xi32, #tpu.memory_space<vmem>> -> memref<80xi32, #tpu.memory_space<vmem>>
        %dma_start3A_378 = arith.constant 0 : i32
        %dma_start3A_379 = arith.constant 0 : i32
        %dma_start3A_380 = tpu.memref_slice %arg2[%dma_start3A_378, %dma_start3A_379] : memref<10000x32xf32, #tpu.memory_space<hbm>> -> memref<10000x32xf32, #tpu.memory_space<hbm>>
        %dma_start3A_381 = tpu.memref_slice %arg10[%dma_start3A_370] : memref<5x!tpu.dma_semaphore, #tpu.memory_space<semaphore_mem>> -> memref<1x!tpu.dma_semaphore, #tpu.memory_space<semaphore_mem>>
        %dma_start3A_382 = tpu.memref_squeeze %dma_start3A_381 : memref<1x!tpu.dma_semaphore, #tpu.memory_space<semaphore_mem>> -> memref<!tpu.dma_semaphore, #tpu.memory_space<semaphore_mem>>
        tpu.enqueue_indirect_dma source(%dma_start3A_380 : memref<10000x32xf32, #tpu.memory_space<hbm>>) target(%dma_start3A_374 : memref<80x32xf32, #tpu.memory_space<vmem>>) offsets(%dma_start3A_377 : memref<80xi32, #tpu.memory_space<vmem>>) semaphore(%dma_start3A_382 : memref<!tpu.dma_semaphore, #tpu.memory_space<semaphore_mem>>)
      } else {
      }
      %dma_wait3A_319 = arith.constant 3 : i32
      %dma_wait3A_320 = arith.constant 3 : i32
      %dma_wait3A_321 = arith.constant 0 : i32
      %dma_wait3A_322 = arith.constant 0 : i32
      %dma_wait3A_323 = tpu.memref_slice %arg8[%dma_wait3A_319, %dma_wait3A_321, %dma_wait3A_322] : memref<5x80x32xf32, #tpu.memory_space<vmem>> -> memref<1x80x32xf32, #tpu.memory_space<vmem>>
      %dma_wait3A_324 = tpu.memref_squeeze %dma_wait3A_323 : memref<1x80x32xf32, #tpu.memory_space<vmem>> -> memref<80x32xf32, #tpu.memory_space<vmem>>
      %dma_wait3A_325 = arith.constant 0 : i32
      %dma_wait3A_326 = tpu.memref_slice %arg7[%add3A_206, %dma_wait3A_325] : memref<125x80xi32, #tpu.memory_space<vmem>> -> memref<1x80xi32, #tpu.memory_space<vmem>>
      %dma_wait3A_327 = tpu.memref_squeeze %dma_wait3A_326 : memref<1x80xi32, #tpu.memory_space<vmem>> -> memref<80xi32, #tpu.memory_space<vmem>>
      %dma_wait3A_328 = arith.constant 0 : i32
      %dma_wait3A_329 = arith.constant 0 : i32
      %dma_wait3A_330 = tpu.memref_slice %arg9[%dma_wait3A_328, %dma_wait3A_329] : memref<10240x32xf32, #tpu.memory_space<vmem_shared>> -> memref<10240x32xf32, #tpu.memory_space<vmem_shared>>
      %dma_wait3A_331 = tpu.memref_slice %arg11[%dma_wait3A_320] : memref<5x!tpu.dma_semaphore, #tpu.memory_space<semaphore_mem>> -> memref<1x!tpu.dma_semaphore, #tpu.memory_space<semaphore_mem>>
      %dma_wait3A_332 = tpu.memref_squeeze %dma_wait3A_331 : memref<1x!tpu.dma_semaphore, #tpu.memory_space<semaphore_mem>> -> memref<!tpu.dma_semaphore, #tpu.memory_space<semaphore_mem>>
      tpu.wait_indirect_dma semaphore(%dma_wait3A_332 : memref<!tpu.dma_semaphore, #tpu.memory_space<semaphore_mem>>) src(%dma_wait3A_324 : memref<80x32xf32, #tpu.memory_space<vmem>>) dst(%dma_wait3A_330 : memref<10240x32xf32, #tpu.memory_space<vmem_shared>>)
      %add3A_333 = arith.constant 5 : i32
      %add3A_334 = arith.addi %add3A_93, %add3A_333 : i32
      %add3A_335 = arith.constant 3 : i32
      %add3A_336 = arith.addi %add3A_334, %add3A_335 : i32
      %lt3A_337 = arith.constant 125 : i32
      %lt3A_338 = arith.cmpi slt, %add3A_336, %lt3A_337 : i32
      %convert_element_type3A_339 = arith.extui %lt3A_338 : i1 to i32
      %cond3A_340 = arith.constant 0 : i32
      %cond3A_341 = arith.cmpi ne, %convert_element_type3A_339, %cond3A_340 : i32
      scf.if %cond3A_341 {
        %add3A_365 = arith.constant 5 : i32
        %add3A_366 = arith.addi %add3A_93, %add3A_365 : i32
        %add3A_367 = arith.constant 3 : i32
        %add3A_368 = arith.addi %add3A_366, %add3A_367 : i32
        %dma_start3A_369 = arith.constant 3 : i32
        %dma_start3A_370 = arith.constant 3 : i32
        %dma_start3A_371 = arith.constant 0 : i32
        %dma_start3A_372 = arith.constant 0 : i32
        %dma_start3A_373 = tpu.memref_slice %arg8[%dma_start3A_369, %dma_start3A_371, %dma_start3A_372] : memref<5x80x32xf32, #tpu.memory_space<vmem>> -> memref<1x80x32xf32, #tpu.memory_space<vmem>>
        %dma_start3A_374 = tpu.memref_squeeze %dma_start3A_373 : memref<1x80x32xf32, #tpu.memory_space<vmem>> -> memref<80x32xf32, #tpu.memory_space<vmem>>
        %dma_start3A_375 = arith.constant 0 : i32
        %dma_start3A_376 = tpu.memref_slice %arg6[%add3A_368, %dma_start3A_375] : memref<125x80xi32, #tpu.memory_space<vmem>> -> memref<1x80xi32, #tpu.memory_space<vmem>>
        %dma_start3A_377 = tpu.memref_squeeze %dma_start3A_376 : memref<1x80xi32, #tpu.memory_space<vmem>> -> memref<80xi32, #tpu.memory_space<vmem>>
        %dma_start3A_378 = arith.constant 0 : i32
        %dma_start3A_379 = arith.constant 0 : i32
        %dma_start3A_380 = tpu.memref_slice %arg2[%dma_start3A_378, %dma_start3A_379] : memref<10000x32xf32, #tpu.memory_space<hbm>> -> memref<10000x32xf32, #tpu.memory_space<hbm>>
        %dma_start3A_381 = tpu.memref_slice %arg10[%dma_start3A_370] : memref<5x!tpu.dma_semaphore, #tpu.memory_space<semaphore_mem>> -> memref<1x!tpu.dma_semaphore, #tpu.memory_space<semaphore_mem>>
        %dma_start3A_382 = tpu.memref_squeeze %dma_start3A_381 : memref<1x!tpu.dma_semaphore, #tpu.memory_space<semaphore_mem>> -> memref<!tpu.dma_semaphore, #tpu.memory_space<semaphore_mem>>
        tpu.enqueue_indirect_dma source(%dma_start3A_380 : memref<10000x32xf32, #tpu.memory_space<hbm>>) target(%dma_start3A_374 : memref<80x32xf32, #tpu.memory_space<vmem>>) offsets(%dma_start3A_377 : memref<80xi32, #tpu.memory_space<vmem>>) semaphore(%dma_start3A_382 : memref<!tpu.dma_semaphore, #tpu.memory_space<semaphore_mem>>)
      } else {
      }
      %dma_wait3A_342 = arith.constant 4 : i32
      %dma_wait3A_343 = arith.constant 4 : i32
      %dma_wait3A_344 = arith.constant 0 : i32
      %dma_wait3A_345 = arith.constant 0 : i32
      %dma_wait3A_346 = tpu.memref_slice %arg8[%dma_wait3A_342, %dma_wait3A_344, %dma_wait3A_345] : memref<5x80x32xf32, #tpu.memory_space<vmem>> -> memref<1x80x32xf32, #tpu.memory_space<vmem>>
      %dma_wait3A_347 = tpu.memref_squeeze %dma_wait3A_346 : memref<1x80x32xf32, #tpu.memory_space<vmem>> -> memref<80x32xf32, #tpu.memory_space<vmem>>
      %dma_wait3A_348 = arith.constant 0 : i32
      %dma_wait3A_349 = tpu.memref_slice %arg7[%add3A_238, %dma_wait3A_348] : memref<125x80xi32, #tpu.memory_space<vmem>> -> memref<1x80xi32, #tpu.memory_space<vmem>>
      %dma_wait3A_350 = tpu.memref_squeeze %dma_wait3A_349 : memref<1x80xi32, #tpu.memory_space<vmem>> -> memref<80xi32, #tpu.memory_space<vmem>>
      %dma_wait3A_351 = arith.constant 0 : i32
      %dma_wait3A_352 = arith.constant 0 : i32
      %dma_wait3A_353 = tpu.memref_slice %arg9[%dma_wait3A_351, %dma_wait3A_352] : memref<10240x32xf32, #tpu.memory_space<vmem_shared>> -> memref<10240x32xf32, #tpu.memory_space<vmem_shared>>
      %dma_wait3A_354 = tpu.memref_slice %arg11[%dma_wait3A_343] : memref<5x!tpu.dma_semaphore, #tpu.memory_space<semaphore_mem>> -> memref<1x!tpu.dma_semaphore, #tpu.memory_space<semaphore_mem>>
      %dma_wait3A_355 = tpu.memref_squeeze %dma_wait3A_354 : memref<1x!tpu.dma_semaphore, #tpu.memory_space<semaphore_mem>> -> memref<!tpu.dma_semaphore, #tpu.memory_space<semaphore_mem>>
      tpu.wait_indirect_dma semaphore(%dma_wait3A_355 : memref<!tpu.dma_semaphore, #tpu.memory_space<semaphore_mem>>) src(%dma_wait3A_347 : memref<80x32xf32, #tpu.memory_space<vmem>>) dst(%dma_wait3A_353 : memref<10240x32xf32, #tpu.memory_space<vmem_shared>>)
      %add3A_356 = arith.constant 5 : i32
      %add3A_357 = arith.addi %add3A_93, %add3A_356 : i32
      %add3A_358 = arith.constant 4 : i32
      %add3A_359 = arith.addi %add3A_357, %add3A_358 : i32
      %lt3A_360 = arith.constant 125 : i32
      %lt3A_361 = arith.cmpi slt, %add3A_359, %lt3A_360 : i32
      %convert_element_type3A_362 = arith.extui %lt3A_361 : i1 to i32
      %cond3A_363 = arith.constant 0 : i32
      %cond3A_364 = arith.cmpi ne, %convert_element_type3A_362, %cond3A_363 : i32
      scf.if %cond3A_364 {
        %add3A_365 = arith.constant 5 : i32
        %add3A_366 = arith.addi %add3A_93, %add3A_365 : i32
        %add3A_367 = arith.constant 4 : i32
        %add3A_368 = arith.addi %add3A_366, %add3A_367 : i32
        %dma_start3A_369 = arith.constant 4 : i32
        %dma_start3A_370 = arith.constant 4 : i32
        %dma_start3A_371 = arith.constant 0 : i32
        %dma_start3A_372 = arith.constant 0 : i32
        %dma_start3A_373 = tpu.memref_slice %arg8[%dma_start3A_369, %dma_start3A_371, %dma_start3A_372] : memref<5x80x32xf32, #tpu.memory_space<vmem>> -> memref<1x80x32xf32, #tpu.memory_space<vmem>>
        %dma_start3A_374 = tpu.memref_squeeze %dma_start3A_373 : memref<1x80x32xf32, #tpu.memory_space<vmem>> -> memref<80x32xf32, #tpu.memory_space<vmem>>
        %dma_start3A_375 = arith.constant 0 : i32
        %dma_start3A_376 = tpu.memref_slice %arg6[%add3A_368, %dma_start3A_375] : memref<125x80xi32, #tpu.memory_space<vmem>> -> memref<1x80xi32, #tpu.memory_space<vmem>>
        %dma_start3A_377 = tpu.memref_squeeze %dma_start3A_376 : memref<1x80xi32, #tpu.memory_space<vmem>> -> memref<80xi32, #tpu.memory_space<vmem>>
        %dma_start3A_378 = arith.constant 0 : i32
        %dma_start3A_379 = arith.constant 0 : i32
        %dma_start3A_380 = tpu.memref_slice %arg2[%dma_start3A_378, %dma_start3A_379] : memref<10000x32xf32, #tpu.memory_space<hbm>> -> memref<10000x32xf32, #tpu.memory_space<hbm>>
        %dma_start3A_381 = tpu.memref_slice %arg10[%dma_start3A_370] : memref<5x!tpu.dma_semaphore, #tpu.memory_space<semaphore_mem>> -> memref<1x!tpu.dma_semaphore, #tpu.memory_space<semaphore_mem>>
        %dma_start3A_382 = tpu.memref_squeeze %dma_start3A_381 : memref<1x!tpu.dma_semaphore, #tpu.memory_space<semaphore_mem>> -> memref<!tpu.dma_semaphore, #tpu.memory_space<semaphore_mem>>
        tpu.enqueue_indirect_dma source(%dma_start3A_380 : memref<10000x32xf32, #tpu.memory_space<hbm>>) target(%dma_start3A_374 : memref<80x32xf32, #tpu.memory_space<vmem>>) offsets(%dma_start3A_377 : memref<80xi32, #tpu.memory_space<vmem>>) semaphore(%dma_start3A_382 : memref<!tpu.dma_semaphore, #tpu.memory_space<semaphore_mem>>)
      } else {
      }
    }
    %scan3A_83 = arith.constant 25 : i32
    %barrier3A_84 = arith.constant 0 : index
    tpu.barrier barrier_id(%barrier3A_84)
    %mul3A_85 = arith.constant 640 : i32
    %mul3A_86 = arith.muli %arg1, %mul3A_85 : i32
    %mul3A_87 = arith.constant 640 : i32
    %mul3A_88 = arith.muli %arg1, %mul3A_87 : i32
    "tpu.region"() ({
      %run_scoped3A_89 = tpu.sem_alloc : memref<!tpu.dma_semaphore, #tpu.memory_space<semaphore_mem>>
      %dma_start3A_90 = arith.constant 0 : i32
      %dma_start3A_91 = arith.constant 0 : i32
      %dma_start3A_92 = tpu.memref_slice %arg5[%arg0, %dma_start3A_90, %dma_start3A_91] : memref<2x10240x32xf32, #tpu.memory_space<hbm>> -> memref<1x10240x32xf32, #tpu.memory_space<hbm>>
      %dma_start3A_93 = tpu.memref_squeeze %dma_start3A_92 : memref<1x10240x32xf32, #tpu.memory_space<hbm>> -> memref<10240x32xf32, #tpu.memory_space<hbm>>
      %dma_start3A_94 = arith.constant 0 : i32
      %dma_start3A_95 = tpu.memref_slice %dma_start3A_93[%mul3A_88, %dma_start3A_94] : memref<10240x32xf32, #tpu.memory_space<hbm>> -> memref<640x32xf32, #tpu.memory_space<hbm>>
      %dma_start3A_96 = arith.constant 0 : i32
      %dma_start3A_97 = tpu.memref_slice %arg9[%mul3A_86, %dma_start3A_96] : memref<10240x32xf32, #tpu.memory_space<vmem_shared>> -> memref<640x32xf32, #tpu.memory_space<vmem_shared>>
      tpu.enqueue_dma source(%dma_start3A_97 : memref<640x32xf32, #tpu.memory_space<vmem_shared>>) target(%dma_start3A_95 : memref<640x32xf32, #tpu.memory_space<hbm>>) target_semaphore(%run_scoped3A_89 : memref<!tpu.dma_semaphore, #tpu.memory_space<semaphore_mem>>)
      %dma_wait3A = arith.constant 0 : i32
      %dma_wait3A_98 = arith.constant 0 : i32
      %dma_wait3A_99 = tpu.memref_slice %arg5[%arg0, %dma_wait3A, %dma_wait3A_98] : memref<2x10240x32xf32, #tpu.memory_space<hbm>> -> memref<1x10240x32xf32, #tpu.memory_space<hbm>>
      %dma_wait3A_100 = tpu.memref_squeeze %dma_wait3A_99 : memref<1x10240x32xf32, #tpu.memory_space<hbm>> -> memref<10240x32xf32, #tpu.memory_space<hbm>>
      %dma_wait3A_101 = arith.constant 0 : i32
      %dma_wait3A_102 = tpu.memref_slice %dma_wait3A_100[%mul3A_88, %dma_wait3A_101] : memref<10240x32xf32, #tpu.memory_space<hbm>> -> memref<640x32xf32, #tpu.memory_space<hbm>>
      %dma_wait3A_103 = arith.constant 0 : i32
      %dma_wait3A_104 = tpu.memref_slice %arg9[%mul3A_86, %dma_wait3A_103] : memref<10240x32xf32, #tpu.memory_space<vmem_shared>> -> memref<640x32xf32, #tpu.memory_space<vmem_shared>>
      tpu.wait_dma2 semaphore(%run_scoped3A_89 : memref<!tpu.dma_semaphore, #tpu.memory_space<semaphore_mem>>) src(%dma_wait3A_104 : memref<640x32xf32, #tpu.memory_space<vmem_shared>>) dst(%dma_wait3A_102 : memref<640x32xf32, #tpu.memory_space<hbm>>)
      tpu.yield
    }) : () -> ()
    return
  }
}

module attributes {stable_mosaic.version = 14 : i64} {
  func.func @body(%arg0: i32, %arg1: memref<2000x128xf32, #tpu.memory_space<vmem>>, %arg2: memref<128x64xf32, #tpu.memory_space<vmem>>, %arg3: memref<2x2000x16xf32, #tpu.memory_space<vmem>>, %arg4: memref<2000x1xf32, #tpu.memory_space<vmem>>, %arg5: memref<2000x64xf32, #tpu.memory_space<vmem>>) attributes {dimension_semantics = [#tpu.dimension_semantics<arbitrary>], iteration_bounds = array<i64: 5>, scalar_prefetch = 0 : i64, scratch_operands = 0 : i64, tpu.core_type = #tpu.core_type<tc>, window_params = [{transform_indices = @transform_0, window_bounds = array<i64: 2000, 128>}, {pipeline_mode = #tpu.pipeline_mode<synchronous>, transform_indices = @transform_1, window_bounds = array<i64: 128, 64>}, {transform_indices = @transform_2, window_bounds = array<i64: 2, 2000, 16>}, {transform_indices = @transform_3, window_bounds = array<i64: 2000, 1>}, {transform_indices = @transform_4, window_bounds = array<i64: 2000, 64>}]} {
    %get3A = arith.constant 0 : index
    %get3A_0 = arith.constant 0 : index
    %get3A_1 = arith.constant 0 : index
    %get3A_2 = vector.load %arg3[%get3A, %get3A_0, %get3A_1] : memref<2x2000x16xf32, #tpu.memory_space<vmem>>, vector<1x2000x1xf32>
    %get3A_3 = vector.shape_cast %get3A_2 : vector<1x2000x1xf32> to vector<2000xf32>
    %get3A_4 = arith.constant 1 : index
    %get3A_5 = arith.constant 0 : index
    %get3A_6 = arith.constant 0 : index
    %get3A_7 = vector.load %arg3[%get3A_4, %get3A_5, %get3A_6] : memref<2x2000x16xf32, #tpu.memory_space<vmem>>, vector<1x2000x1xf32>
    %get3A_8 = vector.shape_cast %get3A_7 : vector<1x2000x1xf32> to vector<2000xf32>
    %add3A = arith.addf %get3A_3, %get3A_8 : vector<2000xf32>
    %add3A_9 = arith.constant 1.000000e+00 : f32
    %add3A_10 = vector.broadcast %add3A_9 : f32 to vector<2000xf32>
    %add3A_11 = arith.addf %add3A, %add3A_10 : vector<2000xf32>
    %max3A = arith.constant 1.000000e+00 : f32
    %max3A_12 = vector.broadcast %max3A : f32 to vector<2000xf32>
    %max3A_13 = arith.maximumf %add3A_11, %max3A_12 : vector<2000xf32>
    %rsqrt3A = math.rsqrt %max3A_13 : vector<2000xf32>
    %broadcast_in_dim3A = vector.shape_cast %rsqrt3A : vector<2000xf32> to vector<2000x1xf32>
    %swap3A = arith.constant 0 : index
    %swap3A_14 = arith.constant 0 : index
    %swap3A_15 = vector.load %arg4[%swap3A, %swap3A_14] : memref<2000x1xf32, #tpu.memory_space<vmem>>, vector<2000x1xf32>
    tpu.vector_store %arg4[%swap3A, %swap3A_14], %broadcast_in_dim3A {strides = array<i32>} : memref<2000x1xf32, #tpu.memory_space<vmem>>, vector<2000x1xf32>,
    %get3A_16 = arith.constant 0 : index
    %get3A_17 = arith.constant 0 : index
    %get3A_18 = vector.load %arg1[%get3A_16, %get3A_17] : memref<2000x128xf32, #tpu.memory_space<vmem>>, vector<2000x128xf32>
    %get3A_19 = arith.constant 0 : index
    %get3A_20 = arith.constant 0 : index
    %get3A_21 = vector.load %arg2[%get3A_19, %get3A_20] : memref<128x64xf32, #tpu.memory_space<vmem>>, vector<128x64xf32>
    %dot_general3A = arith.constant dense<0.000000e+00> : vector<2000x64xf32>
    %dot_general3A_22 = tpu.matmul %get3A_18, %get3A_21, %dot_general3A {dimension_numbers = #tpu.dot_dimension_numbers<[1], [0], [0], [1], [0, 0, 1, 1], [], []>, transpose_lhs_hint = false} : vector<2000x128xf32>, vector<128x64xf32>, vector<2000x64xf32> -> vector<2000x64xf32>
    %broadcast_in_dim3A_23 = vector.shape_cast %rsqrt3A : vector<2000xf32> to vector<2000x1xf32>
    %mul3A = vector.broadcast %broadcast_in_dim3A_23 : vector<2000x1xf32> to vector<2000x64xf32>
    %mul3A_24 = arith.mulf %dot_general3A_22, %mul3A : vector<2000x64xf32>
    %swap3A_25 = arith.constant 0 : index
    %swap3A_26 = arith.constant 0 : index
    %swap3A_27 = vector.load %arg5[%swap3A_25, %swap3A_26] : memref<2000x64xf32, #tpu.memory_space<vmem>>, vector<2000x64xf32>
    tpu.vector_store %arg5[%swap3A_25, %swap3A_26], %mul3A_24 {strides = array<i32>} : memref<2000x64xf32, #tpu.memory_space<vmem>>, vector<2000x64xf32>,
    return
  }
  func.func @transform_0(%arg0: i32) -> (i32, i32) {
    %c0_i32 = arith.constant 0 : i32
    %c0_i32_0 = arith.constant 0 : i32
    return %arg0, %c0_i32 : i32, i32
  }
  func.func @transform_1(%arg0: i32) -> (i32, i32) {
    %c0_i32 = arith.constant 0 : i32
    %c0_i32_0 = arith.constant 0 : i32
    %c0_i32_1 = arith.constant 0 : i32
    return %c0_i32, %c0_i32_0 : i32, i32
  }
  func.func @transform_2(%arg0: i32) -> (i32, i32, i32) {
    %c0_i32 = arith.constant 0 : i32
    %c0_i32_0 = arith.constant 0 : i32
    %c0_i32_1 = arith.constant 0 : i32
    return %c0_i32, %arg0, %c0_i32_0 : i32, i32, i32
  }
  func.func @transform_3(%arg0: i32) -> (i32, i32) {
    %c0_i32 = arith.constant 0 : i32
    %c0_i32_0 = arith.constant 0 : i32
    return %arg0, %c0_i32 : i32, i32
  }
  func.func @transform_4(%arg0: i32) -> (i32, i32) {
    %c0_i32 = arith.constant 0 : i32
    %c0_i32_0 = arith.constant 0 : i32
    return %arg0, %c0_i32 : i32, i32
  }
}

module attributes {stable_mosaic.version = 14 : i64} {
  func.func @body(%arg0: i32, %arg1: memref<2x2000x64xf32, #tpu.memory_space<vmem>>, %arg2: memref<2000x64xf32, #tpu.memory_space<vmem>>, %arg3: memref<2000x1xf32, #tpu.memory_space<vmem>>, %arg4: memref<1x64xf32, #tpu.memory_space<vmem>>, %arg5: memref<64x32xf32, #tpu.memory_space<vmem>>, %arg6: memref<2000x32xf32, #tpu.memory_space<vmem>>) attributes {dimension_semantics = [#tpu.dimension_semantics<arbitrary>], iteration_bounds = array<i64: 5>, scalar_prefetch = 0 : i64, scratch_operands = 0 : i64, tpu.core_type = #tpu.core_type<tc>, window_params = [{transform_indices = @transform_0, window_bounds = array<i64: 2, 2000, 64>}, {transform_indices = @transform_1, window_bounds = array<i64: 2000, 64>}, {transform_indices = @transform_2, window_bounds = array<i64: 2000, 1>}, {pipeline_mode = #tpu.pipeline_mode<synchronous>, transform_indices = @transform_3, window_bounds = array<i64: 1, 64>}, {pipeline_mode = #tpu.pipeline_mode<synchronous>, transform_indices = @transform_4, window_bounds = array<i64: 64, 32>}, {transform_indices = @transform_5, window_bounds = array<i64: 2000, 32>}]} {
    %get3A = arith.constant 0 : index
    %get3A_0 = arith.constant 0 : index
    %get3A_1 = arith.constant 0 : index
    %get3A_2 = vector.load %arg1[%get3A, %get3A_0, %get3A_1] : memref<2x2000x64xf32, #tpu.memory_space<vmem>>, vector<1x2000x64xf32>
    %get3A_3 = vector.shape_cast %get3A_2 : vector<1x2000x64xf32> to vector<2000x64xf32>
    %get3A_4 = arith.constant 1 : index
    %get3A_5 = arith.constant 0 : index
    %get3A_6 = arith.constant 0 : index
    %get3A_7 = vector.load %arg1[%get3A_4, %get3A_5, %get3A_6] : memref<2x2000x64xf32, #tpu.memory_space<vmem>>, vector<1x2000x64xf32>
    %get3A_8 = vector.shape_cast %get3A_7 : vector<1x2000x64xf32> to vector<2000x64xf32>
    %add3A = arith.addf %get3A_3, %get3A_8 : vector<2000x64xf32>
    %get3A_9 = arith.constant 0 : index
    %get3A_10 = arith.constant 0 : index
    %get3A_11 = vector.load %arg2[%get3A_9, %get3A_10] : memref<2000x64xf32, #tpu.memory_space<vmem>>, vector<2000x64xf32>
    %add3A_12 = arith.addf %add3A, %get3A_11 : vector<2000x64xf32>
    %get3A_13 = arith.constant 0 : index
    %get3A_14 = arith.constant 0 : index
    %get3A_15 = vector.load %arg3[%get3A_13, %get3A_14] : memref<2000x1xf32, #tpu.memory_space<vmem>>, vector<2000x1xf32>
    %mul3A = vector.broadcast %get3A_15 : vector<2000x1xf32> to vector<2000x64xf32>
    %mul3A_16 = arith.mulf %add3A_12, %mul3A : vector<2000x64xf32>
    %get3A_17 = arith.constant 0 : index
    %get3A_18 = arith.constant 0 : index
    %get3A_19 = vector.load %arg4[%get3A_17, %get3A_18] : memref<1x64xf32, #tpu.memory_space<vmem>>, vector<1x64xf32>
    %add3A_20 = vector.broadcast %get3A_19 : vector<1x64xf32> to vector<2000x64xf32>
    %add3A_21 = arith.addf %mul3A_16, %add3A_20 : vector<2000x64xf32>
    %max3A = arith.constant 0.000000e+00 : f32
    %max3A_22 = vector.broadcast %max3A : f32 to vector<2000x64xf32>
    %max3A_23 = arith.maximumf %add3A_21, %max3A_22 : vector<2000x64xf32>
    %get3A_24 = arith.constant 0 : index
    %get3A_25 = arith.constant 0 : index
    %get3A_26 = vector.load %arg5[%get3A_24, %get3A_25] : memref<64x32xf32, #tpu.memory_space<vmem>>, vector<64x32xf32>
    %dot_general3A = arith.constant dense<0.000000e+00> : vector<2000x32xf32>
    %dot_general3A_27 = tpu.matmul %max3A_23, %get3A_26, %dot_general3A {dimension_numbers = #tpu.dot_dimension_numbers<[1], [0], [0], [1], [0, 0, 1, 1], [], []>, transpose_lhs_hint = false} : vector<2000x64xf32>, vector<64x32xf32>, vector<2000x32xf32> -> vector<2000x32xf32>
    %get3A_28 = arith.constant 0 : index
    %get3A_29 = arith.constant 0 : index
    %get3A_30 = vector.load %arg3[%get3A_28, %get3A_29] : memref<2000x1xf32, #tpu.memory_space<vmem>>, vector<2000x1xf32>
    %mul3A_31 = vector.broadcast %get3A_30 : vector<2000x1xf32> to vector<2000x32xf32>
    %mul3A_32 = arith.mulf %dot_general3A_27, %mul3A_31 : vector<2000x32xf32>
    %swap3A = arith.constant 0 : index
    %swap3A_33 = arith.constant 0 : index
    %swap3A_34 = vector.load %arg6[%swap3A, %swap3A_33] : memref<2000x32xf32, #tpu.memory_space<vmem>>, vector<2000x32xf32>
    tpu.vector_store %arg6[%swap3A, %swap3A_33], %mul3A_32 {strides = array<i32>} : memref<2000x32xf32, #tpu.memory_space<vmem>>, vector<2000x32xf32>,
    return
  }
  func.func @transform_0(%arg0: i32) -> (i32, i32, i32) {
    %c0_i32 = arith.constant 0 : i32
    %c0_i32_0 = arith.constant 0 : i32
    %c0_i32_1 = arith.constant 0 : i32
    return %c0_i32, %arg0, %c0_i32_0 : i32, i32, i32
  }
  func.func @transform_1(%arg0: i32) -> (i32, i32) {
    %c0_i32 = arith.constant 0 : i32
    %c0_i32_0 = arith.constant 0 : i32
    return %arg0, %c0_i32 : i32, i32
  }
  func.func @transform_2(%arg0: i32) -> (i32, i32) {
    %c0_i32 = arith.constant 0 : i32
    %c0_i32_0 = arith.constant 0 : i32
    return %arg0, %c0_i32 : i32, i32
  }
  func.func @transform_3(%arg0: i32) -> (i32, i32) {
    %c0_i32 = arith.constant 0 : i32
    %c0_i32_0 = arith.constant 0 : i32
    %c0_i32_1 = arith.constant 0 : i32
    return %c0_i32, %c0_i32_0 : i32, i32
  }
  func.func @transform_4(%arg0: i32) -> (i32, i32) {
    %c0_i32 = arith.constant 0 : i32
    %c0_i32_0 = arith.constant 0 : i32
    %c0_i32_1 = arith.constant 0 : i32
    return %c0_i32, %c0_i32_0 : i32, i32
  }
  func.func @transform_5(%arg0: i32) -> (i32, i32) {
    %c0_i32 = arith.constant 0 : i32
    %c0_i32_0 = arith.constant 0 : i32
    return %arg0, %c0_i32 : i32, i32
  }
}

module attributes {stable_mosaic.version = 14 : i64} {
  func.func @body(%arg0: i32, %arg1: memref<2x2000x32xf32, #tpu.memory_space<vmem>>, %arg2: memref<2000x32xf32, #tpu.memory_space<vmem>>, %arg3: memref<2000x1xf32, #tpu.memory_space<vmem>>, %arg4: memref<1x32xf32, #tpu.memory_space<vmem>>, %arg5: memref<1x32xf32, #tpu.memory_space<vmem>>, %arg6: memref<1x1xf32, #tpu.memory_space<vmem>>, %arg7: memref<2000x32xf32, #tpu.memory_space<vmem>>) attributes {dimension_semantics = [#tpu.dimension_semantics<arbitrary>], iteration_bounds = array<i64: 5>, scalar_prefetch = 0 : i64, scratch_operands = 0 : i64, tpu.core_type = #tpu.core_type<tc>, window_params = [{transform_indices = @transform_0, window_bounds = array<i64: 2, 2000, 32>}, {transform_indices = @transform_1, window_bounds = array<i64: 2000, 32>}, {transform_indices = @transform_2, window_bounds = array<i64: 2000, 1>}, {pipeline_mode = #tpu.pipeline_mode<synchronous>, transform_indices = @transform_3, window_bounds = array<i64: 1, 32>}, {pipeline_mode = #tpu.pipeline_mode<synchronous>, transform_indices = @transform_4, window_bounds = array<i64: 1, 32>}, {pipeline_mode = #tpu.pipeline_mode<synchronous>, transform_indices = @transform_5, window_bounds = array<i64: 1, 1>}, {transform_indices = @transform_6, window_bounds = array<i64: 2000, 32>}]} {
    %get3A = arith.constant 0 : index
    %get3A_0 = arith.constant 0 : index
    %get3A_1 = arith.constant 0 : index
    %get3A_2 = vector.load %arg1[%get3A, %get3A_0, %get3A_1] : memref<2x2000x32xf32, #tpu.memory_space<vmem>>, vector<1x2000x32xf32>
    %get3A_3 = vector.shape_cast %get3A_2 : vector<1x2000x32xf32> to vector<2000x32xf32>
    %get3A_4 = arith.constant 1 : index
    %get3A_5 = arith.constant 0 : index
    %get3A_6 = arith.constant 0 : index
    %get3A_7 = vector.load %arg1[%get3A_4, %get3A_5, %get3A_6] : memref<2x2000x32xf32, #tpu.memory_space<vmem>>, vector<1x2000x32xf32>
    %get3A_8 = vector.shape_cast %get3A_7 : vector<1x2000x32xf32> to vector<2000x32xf32>
    %add3A = arith.addf %get3A_3, %get3A_8 : vector<2000x32xf32>
    %get3A_9 = arith.constant 0 : index
    %get3A_10 = arith.constant 0 : index
    %get3A_11 = vector.load %arg2[%get3A_9, %get3A_10] : memref<2000x32xf32, #tpu.memory_space<vmem>>, vector<2000x32xf32>
    %add3A_12 = arith.addf %add3A, %get3A_11 : vector<2000x32xf32>
    %get3A_13 = arith.constant 0 : index
    %get3A_14 = arith.constant 0 : index
    %get3A_15 = vector.load %arg3[%get3A_13, %get3A_14] : memref<2000x1xf32, #tpu.memory_space<vmem>>, vector<2000x1xf32>
    %mul3A = vector.broadcast %get3A_15 : vector<2000x1xf32> to vector<2000x32xf32>
    %mul3A_16 = arith.mulf %add3A_12, %mul3A : vector<2000x32xf32>
    %get3A_17 = arith.constant 0 : index
    %get3A_18 = arith.constant 0 : index
    %get3A_19 = vector.load %arg4[%get3A_17, %get3A_18] : memref<1x32xf32, #tpu.memory_space<vmem>>, vector<1x32xf32>
    %add3A_20 = vector.broadcast %get3A_19 : vector<1x32xf32> to vector<2000x32xf32>
    %add3A_21 = arith.addf %mul3A_16, %add3A_20 : vector<2000x32xf32>
    %max3A = arith.constant 0.000000e+00 : f32
    %max3A_22 = vector.broadcast %max3A : f32 to vector<2000x32xf32>
    %max3A_23 = arith.maximumf %add3A_21, %max3A_22 : vector<2000x32xf32>
    %get3A_24 = arith.constant 0 : index
    %get3A_25 = arith.constant 0 : index
    %get3A_26 = vector.load %arg5[%get3A_24, %get3A_25] : memref<1x32xf32, #tpu.memory_space<vmem>>, vector<1x32xf32>
    %mul3A_27 = vector.broadcast %get3A_26 : vector<1x32xf32> to vector<2000x32xf32>
    %mul3A_28 = arith.mulf %max3A_23, %mul3A_27 : vector<2000x32xf32>
    %reduce_sum3A = arith.constant dense<0.000000e+00> : vector<2000xf32>
    %reduce_sum3A_29 = vector.multi_reduction <add>, %mul3A_28, %reduce_sum3A [1] : vector<2000x32xf32> to vector<2000xf32>
    %broadcast_in_dim3A = vector.shape_cast %reduce_sum3A_29 : vector<2000xf32> to vector<2000x1xf32>
    %get3A_30 = arith.constant 0 : index
    %get3A_31 = arith.constant 0 : index
    %get3A_32 = vector.load %arg6[%get3A_30, %get3A_31] : memref<1x1xf32, #tpu.memory_space<vmem>>, vector<1x1xf32>
    %add3A_33 = vector.broadcast %get3A_32 : vector<1x1xf32> to vector<2000x1xf32>
    %add3A_34 = arith.addf %broadcast_in_dim3A, %add3A_33 : vector<2000x1xf32>
    %logistic3A = arith.negf %add3A_34 : vector<2000x1xf32>
    %logistic3A_35 = math.exp %logistic3A : vector<2000x1xf32>
    %logistic3A_36 = arith.constant 1.000000e+00 : f32
    %logistic3A_37 = vector.broadcast %logistic3A_36 : f32 to vector<2000x1xf32>
    %logistic3A_38 = arith.addf %logistic3A_37, %logistic3A_35 : vector<2000x1xf32>
    %logistic3A_39 = arith.divf %logistic3A_37, %logistic3A_38 : vector<2000x1xf32>
    %mul3A_40 = vector.broadcast %logistic3A_39 : vector<2000x1xf32> to vector<2000x32xf32>
    %mul3A_41 = arith.mulf %max3A_23, %mul3A_40 : vector<2000x32xf32>
    %swap3A = arith.constant 0 : index
    %swap3A_42 = arith.constant 0 : index
    %swap3A_43 = vector.load %arg7[%swap3A, %swap3A_42] : memref<2000x32xf32, #tpu.memory_space<vmem>>, vector<2000x32xf32>
    tpu.vector_store %arg7[%swap3A, %swap3A_42], %mul3A_41 {strides = array<i32>} : memref<2000x32xf32, #tpu.memory_space<vmem>>, vector<2000x32xf32>,
    return
  }
  func.func @transform_0(%arg0: i32) -> (i32, i32, i32) {
    %c0_i32 = arith.constant 0 : i32
    %c0_i32_0 = arith.constant 0 : i32
    %c0_i32_1 = arith.constant 0 : i32
    return %c0_i32, %arg0, %c0_i32_0 : i32, i32, i32
  }
  func.func @transform_1(%arg0: i32) -> (i32, i32) {
    %c0_i32 = arith.constant 0 : i32
    %c0_i32_0 = arith.constant 0 : i32
    return %arg0, %c0_i32 : i32, i32
  }
  func.func @transform_2(%arg0: i32) -> (i32, i32) {
    %c0_i32 = arith.constant 0 : i32
    %c0_i32_0 = arith.constant 0 : i32
    return %arg0, %c0_i32 : i32, i32
  }
  func.func @transform_3(%arg0: i32) -> (i32, i32) {
    %c0_i32 = arith.constant 0 : i32
    %c0_i32_0 = arith.constant 0 : i32
    %c0_i32_1 = arith.constant 0 : i32
    return %c0_i32, %c0_i32_0 : i32, i32
  }
  func.func @transform_4(%arg0: i32) -> (i32, i32) {
    %c0_i32 = arith.constant 0 : i32
    %c0_i32_0 = arith.constant 0 : i32
    %c0_i32_1 = arith.constant 0 : i32
    return %c0_i32, %c0_i32_0 : i32, i32
  }
  func.func @transform_5(%arg0: i32) -> (i32, i32) {
    %c0_i32 = arith.constant 0 : i32
    %c0_i32_0 = arith.constant 0 : i32
    %c0_i32_1 = arith.constant 0 : i32
    return %c0_i32, %c0_i32_0 : i32, i32
  }
  func.func @transform_6(%arg0: i32) -> (i32, i32) {
    %c0_i32 = arith.constant 0 : i32
    %c0_i32_0 = arith.constant 0 : i32
    return %arg0, %c0_i32 : i32, i32
  }
}

</mosaic_0001>

<sc_bundles>
// kernel: kernel.11.cloned.1.call-start
scs
__scs_entry_jumppad:
0x0: {  	(pc) =	sbr.rel $0x88, $3  }
0x1: {  	(tag) =	ssettag $0x0;
	lr =	simm.s32 $0x1  }
0x2: {  	[smem:$0x3F99] =	sst lr;
	_ =	strace $0xD0000000  }
0x3: {  	_ = 	snop  }
0x4: {  	_ = 	snop  }
0x5: {  	_ = 	snop  }
0x6: {  	_ = 	snop  }
0x7: {  	_ = 	snop  }
__scs_overlays_trampoline_lowered:
0x8: {  	[smem:$0x3FA8] =	sst s0  }
0x9: {  	[smem:$0x3FA9] =	sst s1  }
0xa: {  	[smem:$0x3FAA] =	sst s2  }
0xb: {  	[smem:$0x3FAB] =	sst s3  }
0xc: {  	[smem:$0x3FAC] =	sst s4  }
0xd: {  	[smem:$0x3FAD] =	sst s5  }
0xe: {  	[smem:$0x3FAE] =	sst s6  }
0xf: {  	[smem:$0x3FAF] =	sst s7  }
0x10: {  	[smem:$0x3FB0] =	sst s8  }
0x11: {  	[smem:$0x3FB1] =	sst s9;
	s0 =	simm.s32 @!p0 $0x0  }
0x12: {  	s1 =	sld [smem:$0x3F97];
	s0 =	simm.s32 @p0 $0x1  }
0x13: {  	[smem:$0x3FB2] =	sst s0;
	s0 =	simm.s32 @!p1 $0x0  }
0x14: {  	s2 =	sld [smem:$0x3F96];
	s0 =	simm.s32 @p1 $0x1  }
0x15: {  	[smem:$0x3FB3] =	sst s0;
	s0 =	simm.s32 @!p2 $0x0  }
0x16: {  	s3 =	sld [smem:$0x3FDB];
	s0 =	simm.s32 @p2 $0x1  }
0x17: {  	s4 =	simm.s32 $0x1BF5;
	[smem:$0x3FB5] =	sst s0  }
0x18: {  	s0 =	sld [smem:$0x3F98];
	_ =	swait.ge [sflag:s4], $0x0  }
0x19: {  	s7 =	sld [smem:$0x3F99]  }
0x1a: {  	s8 =	sadd.s32 $0xFFFFE003, lr  }
0x1b: {  	s9 =	sadd.s32 $0xFFFFFEF7, lr;
	s5 =	simm.s32 $0xFFFFFFFF;
	p2 =	slt.u32 s8, $0xFFFFF086  }
0x1c: {  	p1 =	slt.u32 s9, $0xF7A;
	s5 =	simm.s32 @!p2 $0x0  }
0x1d: {  	s5 =	simm.s32 @p1 $0x1;
	p0 =	seq.s32 s7, s2  }
0x1e: {  	s7 =	smul.u32 @!p0 $0xF7A, s2;
	p2 =	seq.s32 @!p0 s5, $0x0  }
0x1f: {  	s9 =	smul.u32 $0xF7A, s1;
	s8 =	simm.s32 @!p0 $0x1BF5;
	p2 =	por !p2, p0  }
0x20: {  	[sflag:s8] =	ssyncset.s32 @!p0 $0xFFFFF086;
	s6 =	sadd.s32 @!p0 s3, s7;
	s7 =	simm.s32 @!p0 $0x108  }
0x21: {  	s3 =	sadd.s32 s3, s9;
	s6 =	sadd.s32 @!p0 $0x88, s6;
	s7 =	simm.s32 @p2 $0x1082  }
0x22: {  	[simem:s7], [sflag:s8] =	dma.local @!p0 [hbm:s6], $0xF7A  }
0x23: {  	s9 =	sor.u32 $0xD0000000, s2;
	s6 =	simm.s32 $0x108;
	_ =	swait.ge @!p0 [sflag:s8], $0x0  }
0x24: {  	s3 =	sadd.s32 $0x88, s3;
	s6 =	simm.s32 @!p1 $0x1082;
	[sflag:s4] =	ssyncset.s32 $0xFFFFF086  }
0x25: {  	[simem:s6], [sflag:s4] =	dma.local [hbm:s3], $0xF7A  }
0x26: {  	[smem:$0x3F99] =	sst s1;
	(tag) =	ssettag s2;
	_ =	strace s9  }
0x27: {  	s1 =	sld [smem:$0x3FA9]  }
0x28: {  	s2 =	sld [smem:$0x3FAA]  }
0x29: {  	s4 =	sld [smem:$0x3FAC]  }
0x2a: {  	p0 =	seq.s32 s5, $0x0;
	s5 =	sld [smem:$0x3FAD]  }
0x2b: {  	s6 =	sld [smem:$0x3FAE]  }
0x2c: {  	s7 =	sld [smem:$0x3FAF]  }
0x2d: {  	s3 =	simm.s32 $0x108;
	s8 =	sld [smem:$0x3FB0]  }
0x2e: {  	s3 =	simm.s32 @!p0 $0x1082;
	s9 =	sld [smem:$0x3FB1]  }
0x2f: {  	lr =	sadd.s32 s0, s3;
	s0 =	sld [smem:$0x3FA8]  }
0x30: {  	s3 =	sld [smem:$0x3FAB]  }
0x31: {  	[smem:$0x3FB4] =	sst s10  }
0x32: {  	s10 =	sld [smem:$0x3FB2];
	_ =	sdelay $0x3  }
0x33: {  	p0 =	seq.s32 s10, $0x1;
	s10 =	sld [smem:$0x3FB4];
	_ =	sdelay $0x3  }
0x34: {  	[smem:$0x3FB4] =	sst s10  }
0x35: {  	s10 =	sld [smem:$0x3FB3];
	_ =	sdelay $0x3  }
0x36: {  	p1 =	seq.s32 s10, $0x1;
	s10 =	sld [smem:$0x3FB4];
	_ =	sdelay $0x3  }
0x37: {  	[smem:$0x3FB4] =	sst s10  }
0x38: {  	s10 =	sld [smem:$0x3FB5]  }
0x39: {  	_ = 	snop;
	(pc) =	sbr.ind lr, $3  }
0x3a: {  	_ = 	snop  }
0x3b: {  	_ = 	snop  }
0x3c: {  	p2 =	seq.s32 s10, $0x1;
	s10 =	sld [smem:$0x3FB4]  }
0x3d: {  	_ =	shalt  }
0x3e: {  	_ =	shalt  }
0x3f: {  	_ =	shalt  }
0x40: {  	_ =	shalt  }
0x41: {  	_ =	shalt  }
0x42: {  	_ =	shalt  }
0x43: {  	_ =	shalt  }
0x44: {  	_ =	shalt  }
0x45: {  	_ =	shalt  }
0x46: {  	_ =	shalt  }
0x47: {  	_ =	shalt  }
0x48: {  	_ =	shalt  }
0x49: {  	_ =	shalt  }
0x4a: {  	_ =	shalt  }
0x4b: {  	_ =	shalt  }
0x4c: {  	_ =	shalt  }
0x4d: {  	_ =	shalt  }
0x4e: {  	_ =	shalt  }
0x4f: {  	_ =	shalt  }
0x50: {  	_ =	shalt  }
0x51: {  	_ =	shalt  }
0x52: {  	_ =	shalt  }
0x53: {  	_ =	shalt  }
0x54: {  	_ =	shalt  }
0x55: {  	_ =	shalt  }
0x56: {  	_ =	shalt  }
0x57: {  	_ =	shalt  }
0x58: {  	_ =	shalt  }
0x59: {  	_ =	shalt  }
0x5a: {  	_ =	shalt  }
0x5b: {  	_ =	shalt  }
0x5c: {  	_ =	shalt  }
0x5d: {  	_ =	shalt  }
0x5e: {  	_ =	shalt  }
0x5f: {  	_ =	shalt  }
0x60: {  	_ =	shalt  }
0x61: {  	_ =	shalt  }
0x62: {  	_ =	shalt  }
0x63: {  	_ =	shalt  }
0x64: {  	_ =	shalt  }
0x65: {  	_ =	shalt  }
0x66: {  	_ =	shalt  }
0x67: {  	_ =	shalt  }
0x68: {  	_ =	shalt  }
0x69: {  	_ =	shalt  }
0x6a: {  	_ =	shalt  }
0x6b: {  	_ =	shalt  }
0x6c: {  	_ =	shalt  }
0x6d: {  	_ =	shalt  }
0x6e: {  	_ =	shalt  }
0x6f: {  	_ =	shalt  }
0x70: {  	_ =	shalt  }
0x71: {  	_ =	shalt  }
0x72: {  	_ =	shalt  }
0x73: {  	_ =	shalt  }
0x74: {  	_ =	shalt  }
0x75: {  	_ =	shalt  }
0x76: {  	_ =	shalt  }
0x77: {  	_ =	shalt  }
0x78: {  	_ =	shalt  }
0x79: {  	_ =	shalt  }
0x7a: {  	_ =	shalt  }
0x7b: {  	_ =	shalt  }
0x7c: {  	_ =	shalt  }
0x7d: {  	_ =	shalt  }
0x7e: {  	_ =	shalt  }
0x7f: {  	_ =	shalt  }
0x80: {  	_ =	shalt  }
0x81: {  	_ =	shalt  }
0x82: {  	_ =	shalt  }
0x83: {  	_ =	shalt  }
0x84: {  	_ =	shalt  }
0x85: {  	_ =	shalt  }
0x86: {  	_ =	shalt  }
0x87: {  	_ =	shalt  }
.Lfunc_end0:
.L_simem_size_0:
called_computation.1_lowered:
.L_overlay_start_0:
0x88: {  	s2 =	sld [smem:$0x3FD9]  }
0x89: {  	s3 =	sld [smem:$0x3FFE];
	_ =	sdelay $0x1  }
0x8a: {  	s1 =	srdreg.scid  }
0x8b: {  	s0 =	sand.u32 $0x1, s1  }
0x8c: {  	s16 =	sshll.u32 s0, $0xA;
	s2 =	sadd.s32 s3, s2  }
0x8d: {  	s2 =	sadd.s32 s2, s16  }
0x8e: {  	[smem:$0x3FC0] =	sst s2  }
0x8f: {  	_ = 	snop  }
0x90: {  	(tm) =	ssettm $0x1  }
0x91: {  	s17 =	sld [smem:$0x3FFB];
	_ =	sdelay $0x3  }
0x92: {  	_ =	strace s17  }
0x93: {  	s2 =	sld [smem:$0x3FFC];
	_ =	sdelay $0x3  }
0x94: {  	_ =	strace s2  }
0x95: {  	s2 =	sld [smem:$0x3FFD];
	_ =	sdelay $0x3  }
0x96: {  	_ =	strace s2  }
0x97: {  	_ =	strace $0x8FFFFFFF  }
0x98: {  	s18 =	sld [smem:$0x3FDB];
	_ =	sdelay $0x1  }
0x99: {  	s19 =	simm.s32 $_scs_section_size  }
0x9a: {  	s4 =	simm.s32 $_size__tile_overlayer_lowered;
	s5 =	simm.s32 $_tile_overlayer_lowered  }
0x9b: {  	s22 =	simm.s32 $0x1BFF;
	s21 =	sshll.u32 s5, $0x1;
	s2 =	sadd.s32 s19, s18  }
0x9c: {  	s6 =	simm.s32 $0x0;
	s20 =	sshll.u32 s4, $0x1;
	s4 =	sadd.s32 s21, s2  }
0x9d: {  	[timem:s6], [sflag:s22] =	dma.local [hbm:s4], s20  }
0x9e: {  	_ =	swait.ge [sflag:s22], s20  }
0x9f: {  	s3 =	ssub.s32 $0x0, s20;
	[sflag:s22] =	ssyncset.done $0x0  }
0xa0: {  	[sflag:s22] =	ssyncadd.s32 s3;
	_ =	sdelay $0x1  }
0xa1: {  	s23 =	simm.s32 $0x1B8B  }
0xa2: {  	_ =	swait.ge [sflag:s23], $0x1  }
0xa3: {  	[sflag:s23] =	ssyncset.done $0x0  }
0xa4: {  	s25 =	simm.s32 $0x1B8E;
	s24 =	sld [smem:$0x3FFE];
	[sflag:s23] =	ssyncadd.s32 $0xFFFFFFFF  }
0xa5: {  	s26 =	simm.s32 $execute0_lowered;
	[smem:$0x3FD2] =	sst s25  }
0xa6: {  	s4 =	sshll.u32 s26, $0x1;
	_ =	strace $0x80000049;
	[dreg:$0x1] =	wrdreg $0xFFFFFFFF  }
0xa7: {  	s28 =	simm.s32 $_size_execute0_lowered;
	s2 =	sadd.s32 s2, s4;
	[dreg:$0x0] =	wrdreg $0x0  }
0xa8: {  	s4 =	sshll.u32 s28, $0x1;
	[dreg:$0x2] =	wrdreg s2  }
0xa9: {  	[dreg:$0x3] =	wrdreg s4  }
0xaa: {  	[dreg:$0x4] =	wrdreg $0xC0  }
0xab: {  	_ =	task [dreg:s6], $0x5FFFF  }
0xac: {  	[dreg:$0x1] =	wrdreg $0xFFFFFFFF  }
0xad: {  	[dreg:$0x0] =	wrdreg $0x60  }
0xae: {  	[dreg:$0x2] =	wrdreg s24  }
0xaf: {  	[dreg:$0x3] =	wrdreg $0xB2200  }
0xb0: {  	[dreg:$0x4] =	wrdreg $0x9  }
0xb1: {  	_ =	task.clear_ibuf [dreg:s6], $0x5FFFF;
	_ =	strace $0x90000049  }
0xb2: {  	s29 =	simm.s32 $0x9;
	_ =	strace $0x8000004B  }
0xb3: {  	_ =	swait.ge [sflag:s29], $0x1  }
0xb4: {  	[sflag:s29] =	ssyncadd.s32 $0xFFFFFFFF  }
0xb5: {  	_ =	strace $0x9000004B  }
0xb6: {  	_ =	sfence  }
0xb7: {  	s30 =	sld [smem:$0x0];
	_ =	sdelay $0x2  }
0xb8: {  	s31 =	sshll.u32 s1, $0xD;
	s1 =	sshrl.u32 s1, $0x2  }
0xb9: {  	s3 =	sand.u32 $0x4000, s31;
	s1 =	sadd.s32 s1, s30  }
0xba: {  	s0 =	sor.u32 s3, s0;
	s1 =	sshll.u32 s1, $0x11  }
0xbb: {  	s0 =	sor.u32 s1, s0  }
0xbc: {  	s0 =	sadd.s32 $0x8F2B, s0  }
0xbd: {  	[sflag:s0] =	ssyncadd.remote.s32 $0x1  }
0xbe: {  	_ =	sfence.sel $0xFFFF  }
0xbf: {  	[dreg:$0x0] =	wrdreg $0xFFFFFFFF;
	(pc) =	sbr.abs _section_cstart, $3  }
0xc0: {  	[dreg:$0x1] =	wrdreg $0xFFFFFFFF  }
0xc1: {  	_ =	task.clear_ibuf [dreg:s6], $0x2FFFF;
	_ =	strace $0x9FFFFFFF  }
0xc2: {  	(tm) =	ssettm $0x7FFFFFFF  }
0xc3: {  	_ =	shalt  }
tec
execute0_lowered:
.L_overlay_start_1:
0x0: {  	(tag) =	ssettag $0x1  }
0x1: {  	s0 =	srdreg.scid;
	s1 =	rddreg [dreg:$0x0]  }
0x2: {  	s13 =	stileid.u32;
	s2 =	rddreg [dreg:$0x1];
	s14 =	simm.s32 $0x4E20  }
0x3: {  	s15 =	simm.s32 $0x6220;
	s17 =	simm.s32 $0x7620;
	s19 =	simm.s32 $0x8A20  }
0x4: {  	s21 =	simm.s32 $0x9E20;
	s22 =	simm.s32 $0x1;
	s23 =	simm.s32 $0x2  }
0x5: {  	s28 =	simm.s32 $0x5;
	s29 =	simm.s32 $0x6;
	s30 =	simm.s32 $0x7  }
0x6: {  	s31 =	simm.s32 $0x8;
	s0 =	sand.u32 $0x1, s0;
	s5 =	smul.u32 $0xA000, s13  }
0x7: {  	s26 =	sshll.u32 s13, $0x6;
	s3 =	sshll.u32 s0, $0x4;
	s6 =	smul.u32 $0x14000, s0  }
0x8: {  	s0 =	ssub.s32 $0x2, s0;
	s4 =	sor.u32 s13, s3;
	s3 =	simm.s32 $0x0  }
0x9: {  	s12 =	sshrl.u32 s5, $0x3;
	s25 =	sshrl.u32 s0, $0x1;
	s10 =	sadd.s32 s5, s2  }
0xa: {  	s13 =	simm.s32 $0x50;
	s11 =	smul.u32 $0x4E2, s4;
	[smem:$0x7FF] =	sst s3  }
0xb: {  	s4 =	sadd.s32 $0x15A00, s1;
	s8 =	sadd.s32 s12, s1;
	s9 =	sadd.s32 s6, s1  }
0xc: {  	s0 =	ssub.s32 s0, s25;
	s6 =	sor.u32 $0x1C0B, s26;
	s25 =	simm.s32 $0x3  }
0xd: {  	s26 =	simm.s32 $0x4;
	_ =	strace $0x8000004A;
	s5 =	sadd.s32 $0x29400, s8  }
0xe: {  	s16 =	sadd.s32 $0x3D400, s9;
	s8 =	smax.u32 s0, $0x1;
	s9 =	sshrl.u32 s10, $0x3  }
0xf: {  	s10 =	simm.s32 $0xB;
	s0 =	simm.s32 $0xA;
	s7 =	sadd.s32 s11, s1  }
0x10: {  	s1 =	sadd.s32 $0xBC40, s1;
	s24 =	sadd.s32 s12, s16;
	s16 =	simm.s32 $0x0  }
0x11: {  	s7 =	sadd.s32 $0x2000, s7;
	s11 =	sadd.s32 s11, s1;
	s1 =	simm.s32 $0x9  }
.LBB2_1:
0x12: {  	[spmem:s9], [sflag:s6] =	dma.local [hbm:s5], $0x1400  }
0x13: {  	_ =	swait.ge [sflag:s10], $0x1400  }
0x14: {  	[sflag:s10] =	ssyncset.done $0x0  }
0x15: {  	[sflag:s10] =	ssyncadd.s32 $0xFFFFEC00  }
0x16: {  	[tilespmem:s3], [sflag:$0xB] =	stream.linear.gather [hbm4b:s7+s3], $0x2710, $0x38;
	[tilespmem:$0x15220] =	vst v63  }
0x17: {  	_ =	swait.ge [sflag:s10], $0x2710  }
0x18: {  	[sflag:s10] =	ssyncset.done $0x0  }
0x19: {  	s12 =	simm.s32 $0x2710;
	[sflag:s10] =	ssyncadd.s32 $0xFFFFD8F0  }
0x1a: {  	[tilespmem:s12], [sflag:$0xB] =	stream.linear.gather [hbm4b:s11+s3], $0x2710, $0x38;
	[tilespmem:$0x15220] =	vst v63  }
0x1b: {  	_ =	swait.ge [sflag:s10], $0x2710  }
0x1c: {  	[sflag:s10] =	ssyncset.done $0x0  }
0x1d: {  	[sflag:s10] =	ssyncadd.s32 $0xFFFFD8F0  }
0x1e: {  	[bflag:$0x0] =	sbarrier.arrive $0xFFFF  }
0x1f: {  	[tilespmem:s14], [sflag:$0x1] =	stream.indirect.gather [hbm4b:s4+s13], $0x40, s3, s13, $0xb8;
	[tilespmem:$0x15220] =	vst v63  }
0x20: {  	_ = 	snop  }
0x21: {  	[tilespmem:s15], [sflag:$0x2] =	stream.indirect.gather [hbm4b:s4+s13], $0x40, s13, s13, $0xb8;
	[tilespmem:$0x15220] =	vst v63  }
0x22: {  	s20 =	simm.s32 $0xA0  }
0x23: {  	[tilespmem:s17], [sflag:$0x3] =	stream.indirect.gather [hbm4b:s4+s13], $0x40, s20, s13, $0xb8;
	[tilespmem:$0x15220] =	vst v63  }
0x24: {  	s18 =	simm.s32 $0xF0  }
0x25: {  	[tilespmem:s19], [sflag:$0x4] =	stream.indirect.gather [hbm4b:s4+s13], $0x40, s18, s13, $0xb8;
	[tilespmem:$0x15220] =	vst v63  }
0x26: {  	s20 =	simm.s32 $0x140  }
0x27: {  	[tilespmem:s21], [sflag:$0x5] =	stream.indirect.gather [hbm4b:s4+s13], $0x40, s20, s13, $0xb8;
	[tilespmem:$0x15220] =	vst v63  }
0x28: {  	_ =	swait.ge [sflag:s22], $0x1400  }
0x29: {  	[sflag:s22] =	ssyncset.done $0x0  }
0x2a: {  	s18 =	simm.s32 $0x2710;
	[sflag:s22] =	ssyncadd.s32 $0xFFFFEC00  }
0x2b: {  	[spmem:s2] =	stream.indirect.scatter.add.f32 [tilespmem:s14], [sflag:$0x6], $0x40, s18, s13, $0xb8;
	[tilespmem:$0x15220] =	vst v63  }
0x2c: {  	_ =	swait.ge [sflag:s23], $0x1400  }
0x2d: {  	[sflag:s23] =	ssyncset.done $0x0  }
0x2e: {  	s12 =	simm.s32 $0x2760;
	[sflag:s23] =	ssyncadd.s32 $0xFFFFEC00  }
0x2f: {  	[spmem:s2] =	stream.indirect.scatter.add.f32 [tilespmem:s15], [sflag:$0x7], $0x40, s12, s13, $0xb8;
	[tilespmem:$0x15220] =	vst v63  }
0x30: {  	_ =	swait.ge [sflag:s25], $0x1400  }
0x31: {  	[sflag:s25] =	ssyncset.done $0x0  }
0x32: {  	s20 =	simm.s32 $0x27B0;
	[sflag:s25] =	ssyncadd.s32 $0xFFFFEC00  }
0x33: {  	[spmem:s2] =	stream.indirect.scatter.add.f32 [tilespmem:s17], [sflag:$0x8], $0x40, s20, s13, $0xb8;
	[tilespmem:$0x15220] =	vst v63  }
0x34: {  	_ =	swait.ge [sflag:s26], $0x1400  }
0x35: {  	[sflag:s26] =	ssyncset.done $0x0  }
0x36: {  	s12 =	simm.s32 $0x2800;
	[sflag:s26] =	ssyncadd.s32 $0xFFFFEC00  }
0x37: {  	[spmem:s2] =	stream.indirect.scatter.add.f32 [tilespmem:s19], [sflag:$0x9], $0x40, s12, s13, $0xb8;
	[tilespmem:$0x15220] =	vst v63  }
0x38: {  	_ =	swait.ge [sflag:s28], $0x1400  }
0x39: {  	[sflag:s28] =	ssyncset.done $0x0  }
0x3a: {  	s20 =	simm.s32 $0x2850;
	[sflag:s28] =	ssyncadd.s32 $0xFFFFEC00  }
0x3b: {  	[spmem:s2] =	stream.indirect.scatter.add.f32 [tilespmem:s21], [sflag:$0xA], $0x40, s20, s13, $0xb8;
	[tilespmem:$0x15220] =	vst v63  }
0x3c: {  	_ =	swait.ge [sflag:s29], $0x1400  }
0x3d: {  	[sflag:s29] =	ssyncset.done $0x0  }
0x3e: {  	s12 =	simm.s32 $0x190;
	[sflag:s29] =	ssyncadd.s32 $0xFFFFEC00  }
0x3f: {  	[tilespmem:s14], [sflag:$0x1] =	stream.indirect.gather [hbm4b:s4+s13], $0x40, s12, s13, $0xb8;
	[tilespmem:$0x15220] =	vst v63  }
0x40: {  	_ =	swait.ge [sflag:s30], $0x1400  }
0x41: {  	[sflag:s30] =	ssyncset.done $0x0  }
0x42: {  	s20 =	simm.s32 $0x1E0;
	[sflag:s30] =	ssyncadd.s32 $0xFFFFEC00  }
0x43: {  	[tilespmem:s15], [sflag:$0x2] =	stream.indirect.gather [hbm4b:s4+s13], $0x40, s20, s13, $0xb8;
	[tilespmem:$0x15220] =	vst v63  }
0x44: {  	_ =	swait.ge [sflag:s31], $0x1400  }
0x45: {  	[sflag:s31] =	ssyncset.done $0x0  }
0x46: {  	s12 =	simm.s32 $0x230;
	[sflag:s31] =	ssyncadd.s32 $0xFFFFEC00  }
0x47: {  	[tilespmem:s17], [sflag:$0x3] =	stream.indirect.gather [hbm4b:s4+s13], $0x40, s12, s13, $0xb8;
	[tilespmem:$0x15220] =	vst v63  }
0x48: {  	_ =	swait.ge [sflag:s1], $0x1400  }
0x49: {  	[sflag:s1] =	ssyncset.done $0x0  }
0x4a: {  	s20 =	simm.s32 $0x280;
	[sflag:s1] =	ssyncadd.s32 $0xFFFFEC00  }
0x4b: {  	[tilespmem:s19], [sflag:$0x4] =	stream.indirect.gather [hbm4b:s4+s13], $0x40, s20, s13, $0xb8;
	[tilespmem:$0x15220] =	vst v63  }
0x4c: {  	_ =	swait.ge [sflag:s0], $0x1400  }
0x4d: {  	[sflag:s0] =	ssyncset.done $0x0  }
0x4e: {  	s18 =	simm.s32 $0x640;
	s20 =	simm.s32 $0x2D0;
	[sflag:s0] =	ssyncadd.s32 $0xFFFFEC00  }
.LBB2_2:
0x4f: {  	[tilespmem:s21], [sflag:$0x5] =	stream.indirect.gather [hbm4b:s4+s13], $0x40, s20, s13, $0xb8;
	[tilespmem:$0x15220] =	vst v63  }
0x50: {  	s20 =	smov.u32 s18  }
0x51: {  	p0 =	sne.s32 s18, $0x8FC0;
	s18 =	sadd.s32 $0x640, s18;
	_ =	swait.ge [sflag:s22], $0x1400  }
0x52: {  	s20 =	sshra.s32 s20, $0x2;
	[sflag:s22] =	ssyncset.done $0x0  }
0x53: {  	s12 =	sadd.s32 $0x2710, s20;
	[sflag:s22] =	ssyncadd.s32 $0xFFFFEC00  }
0x54: {  	[spmem:s2] =	stream.indirect.scatter.add.f32 [tilespmem:s14], [sflag:$0x6], $0x40, s12, s13, $0xb8;
	[tilespmem:$0x15220] =	vst v63  }
0x55: {  	_ =	swait.ge [sflag:s23], $0x1400  }
0x56: {  	[sflag:s23] =	ssyncset.done $0x0  }
0x57: {  	s12 =	sadd.s32 $0x2760, s20;
	[sflag:s23] =	ssyncadd.s32 $0xFFFFEC00  }
0x58: {  	[spmem:s2] =	stream.indirect.scatter.add.f32 [tilespmem:s15], [sflag:$0x7], $0x40, s12, s13, $0xb8;
	[tilespmem:$0x15220] =	vst v63  }
0x59: {  	_ =	swait.ge [sflag:s25], $0x1400  }
0x5a: {  	[sflag:s25] =	ssyncset.done $0x0  }
0x5b: {  	s12 =	sadd.s32 $0x27B0, s20;
	[sflag:s25] =	ssyncadd.s32 $0xFFFFEC00  }
0x5c: {  	[spmem:s2] =	stream.indirect.scatter.add.f32 [tilespmem:s17], [sflag:$0x8], $0x40, s12, s13, $0xb8;
	[tilespmem:$0x15220] =	vst v63  }
0x5d: {  	_ =	swait.ge [sflag:s26], $0x1400  }
0x5e: {  	[sflag:s26] =	ssyncset.done $0x0  }
0x5f: {  	s12 =	sadd.s32 $0x2800, s20;
	[sflag:s26] =	ssyncadd.s32 $0xFFFFEC00  }
0x60: {  	[spmem:s2] =	stream.indirect.scatter.add.f32 [tilespmem:s19], [sflag:$0x9], $0x40, s12, s13, $0xb8;
	[tilespmem:$0x15220] =	vst v63  }
0x61: {  	_ =	swait.ge [sflag:s28], $0x1400  }
0x62: {  	[sflag:s28] =	ssyncset.done $0x0  }
0x63: {  	s12 =	sadd.s32 $0x2850, s20;
	[sflag:s28] =	ssyncadd.s32 $0xFFFFEC00  }
0x64: {  	[spmem:s2] =	stream.indirect.scatter.add.f32 [tilespmem:s21], [sflag:$0xA], $0x40, s12, s13, $0xb8;
	[tilespmem:$0x15220] =	vst v63  }
0x65: {  	_ =	swait.ge [sflag:s29], $0x1400  }
0x66: {  	[sflag:s29] =	ssyncset.done $0x0  }
0x67: {  	s12 =	sadd.s32 $0x190, s20;
	[sflag:s29] =	ssyncadd.s32 $0xFFFFEC00  }
0x68: {  	[tilespmem:s14], [sflag:$0x1] =	stream.indirect.gather [hbm4b:s4+s13], $0x40, s12, s13, $0xb8;
	[tilespmem:$0x15220] =	vst v63  }
0x69: {  	_ =	swait.ge [sflag:s30], $0x1400  }
0x6a: {  	[sflag:s30] =	ssyncset.done $0x0  }
0x6b: {  	s12 =	sadd.s32 $0x1E0, s20;
	[sflag:s30] =	ssyncadd.s32 $0xFFFFEC00  }
0x6c: {  	[tilespmem:s15], [sflag:$0x2] =	stream.indirect.gather [hbm4b:s4+s13], $0x40, s12, s13, $0xb8;
	[tilespmem:$0x15220] =	vst v63  }
0x6d: {  	_ =	swait.ge [sflag:s31], $0x1400  }
0x6e: {  	[sflag:s31] =	ssyncset.done $0x0  }
0x6f: {  	s12 =	sadd.s32 $0x230, s20;
	[sflag:s31] =	ssyncadd.s32 $0xFFFFEC00  }
0x70: {  	[tilespmem:s17], [sflag:$0x3] =	stream.indirect.gather [hbm4b:s4+s13], $0x40, s12, s13, $0xb8;
	[tilespmem:$0x15220] =	vst v63  }
0x71: {  	_ =	swait.ge [sflag:s1], $0x1400  }
0x72: {  	[sflag:s1] =	ssyncset.done $0x0  }
.Ltmp0:
0x73: {  	s12 =	sadd.s32 $0x280, s20;
	[sflag:s1] =	ssyncadd.s32 $0xFFFFEC00;
	(pc) =	sbr.rel @p0 .LBB2_2-.Ltmp0, $4  }
0x74: {  	[tilespmem:s19], [sflag:$0x4] =	stream.indirect.gather [hbm4b:s4+s13], $0x40, s12, s13, $0xb8;
	[tilespmem:$0x15220] =	vst v63  }
0x75: {  	_ =	swait.ge [sflag:s0], $0x1400  }
0x76: {  	[sflag:s0] =	ssyncset.done $0x0  }
0x77: {  	s20 =	sadd.s32 $0x2D0, s20;
	[sflag:s0] =	ssyncadd.s32 $0xFFFFEC00  }
0x78: {  	[tilespmem:s21], [sflag:$0x5] =	stream.indirect.gather [hbm4b:s4+s13], $0x40, s20, s13, $0xb8;
	[tilespmem:$0x15220] =	vst v63  }
0x79: {  	_ =	swait.ge [sflag:s22], $0x1400  }
0x7a: {  	[sflag:s22] =	ssyncset.done $0x0  }
0x7b: {  	s12 =	simm.s32 $0x4C90;
	[sflag:s22] =	ssyncadd.s32 $0xFFFFEC00  }
0x7c: {  	[spmem:s2] =	stream.indirect.scatter.add.f32 [tilespmem:s14], [sflag:$0x6], $0x40, s12, s13, $0xb8;
	[tilespmem:$0x15220] =	vst v63  }
0x7d: {  	_ =	swait.ge [sflag:s23], $0x1400  }
0x7e: {  	[sflag:s23] =	ssyncset.done $0x0  }
0x7f: {  	s18 =	simm.s32 $0x4CE0;
	[sflag:s23] =	ssyncadd.s32 $0xFFFFEC00  }
0x80: {  	[spmem:s2] =	stream.indirect.scatter.add.f32 [tilespmem:s15], [sflag:$0x7], $0x40, s18, s13, $0xb8;
	[tilespmem:$0x15220] =	vst v63  }
0x81: {  	_ =	swait.ge [sflag:s25], $0x1400  }
0x82: {  	[sflag:s25] =	ssyncset.done $0x0  }
0x83: {  	s20 =	simm.s32 $0x4D30;
	[sflag:s25] =	ssyncadd.s32 $0xFFFFEC00  }
0x84: {  	[spmem:s2] =	stream.indirect.scatter.add.f32 [tilespmem:s17], [sflag:$0x8], $0x40, s20, s13, $0xb8;
	[tilespmem:$0x15220] =	vst v63  }
0x85: {  	_ =	swait.ge [sflag:s26], $0x1400  }
0x86: {  	[sflag:s26] =	ssyncset.done $0x0  }
0x87: {  	s18 =	simm.s32 $0x4D80;
	[sflag:s26] =	ssyncadd.s32 $0xFFFFEC00  }
0x88: {  	[spmem:s2] =	stream.indirect.scatter.add.f32 [tilespmem:s19], [sflag:$0x9], $0x40, s18, s13, $0xb8;
	[tilespmem:$0x15220] =	vst v63  }
0x89: {  	_ =	swait.ge [sflag:s28], $0x1400  }
0x8a: {  	[sflag:s28] =	ssyncset.done $0x0  }
0x8b: {  	s20 =	simm.s32 $0x4DD0;
	[sflag:s28] =	ssyncadd.s32 $0xFFFFEC00  }
0x8c: {  	[spmem:s2] =	stream.indirect.scatter.add.f32 [tilespmem:s21], [sflag:$0xA], $0x40, s20, s13, $0xb8;
	[tilespmem:$0x15220] =	vst v63  }
0x8d: {  	_ =	swait.ge [sflag:s29], $0x1400  }
0x8e: {  	[sflag:s29] =	ssyncset.done $0x0  }
0x8f: {  	[sflag:s29] =	ssyncadd.s32 $0xFFFFEC00  }
0x90: {  	_ =	swait.ge [sflag:s30], $0x1400  }
0x91: {  	[sflag:s30] =	ssyncset.done $0x0  }
0x92: {  	[sflag:s30] =	ssyncadd.s32 $0xFFFFEC00  }
0x93: {  	_ =	swait.ge [sflag:s31], $0x1400  }
0x94: {  	[sflag:s31] =	ssyncset.done $0x0  }
0x95: {  	[sflag:s31] =	ssyncadd.s32 $0xFFFFEC00  }
0x96: {  	_ =	swait.ge [sflag:s1], $0x1400  }
0x97: {  	[sflag:s1] =	ssyncset.done $0x0  }
0x98: {  	[sflag:s1] =	ssyncadd.s32 $0xFFFFEC00  }
0x99: {  	_ =	swait.ge [sflag:s0], $0x1400  }
0x9a: {  	s16 =	sadd.s32 $0x1, s16;
	[sflag:s0] =	ssyncset.done $0x0  }
0x9b: {  	p0 =	sne.s32 s16, s8;
	[sflag:s0] =	ssyncadd.s32 $0xFFFFEC00  }
.Ltmp1:
0x9c: {  	[bflag:$0x0] =	sbarrier.arrive $0xFFFF;
	(pc) =	sbr.rel @p0 .LBB2_1-.Ltmp1, $4  }
0x9d: {  	[hbm:s24], [sflag:s6] =	dma.local [spmem:s9], $0x1400  }
0x9e: {  	_ =	swait.ge [sflag:s10], $0x1400  }
0x9f: {  	[sflag:s10] =	ssyncset.done $0x0  }
0xa0: {  	[sflag:s10] =	ssyncadd.s32 $0xFFFFEC00  }
0xa1: {  	_ =	sfence.sel $0x180000  }
0xa2: {  	[bflag:$0x0] =	sbarrier.arrive $0xFFFF  }
0xa3: {  	_ =	strace $0x9000004A  }
0xa4: {  	s0 =	stileid.u32;
	[bflag:$0x2] =	sbarrier.arrive $0xFFFF  }
0xa5: {  	p0 =	sne.s32 s0, $0x0;
	s0 =	rddreg [dreg:$0x2]  }
0xa6: {  	s0 =	sadd.s32 @!p0 $0x100000, s0  }
0xa7: {  	[sflag:s0] =	ssyncadd.tile.s32 @!p0 $0x1;
	_ =	shalt  }
.Lfunc_end2:
_tile_overlayer_lowered:
.L_overlay_start_2:
0xa8: {  	(tag) =	ssettag $0x2  }
0xa9: {  	s0 =	rddreg [dreg:$0x0];
	s2 =	stileid.u32  }
0xaa: {  	s1 =	rddreg [dreg:$0x1];
	p0 =	sne.s32 s2, $0x0  }
0xab: {  	s3 =	rddreg [dreg:$0x2];
	[bflag:$0x3] =	sbarrier.arrive $0xFFFF;
	s2 =	simm.s32 @!p0 $0x1C0B  }
0xac: {  	[timem:s3], [sflag:s2] =	dma.local @!p0 [hbm:s0], s1  }
0xad: {  	s0 =	simm.s32 @!p0 $0xB  }
0xae: {  	_ =	swait.ge @!p0 [sflag:s0], s1  }
0xaf: {  	s1 =	ssub.s32 @!p0 $0x0, s1;
	[sflag:s0] =	ssyncset.done @!p0 $0x0  }
0xb0: {  	[sflag:s0] =	ssyncadd.s32 @!p0 s1  }
0xb1: {  	[bflag:$0x3] =	sbarrier.arrive $0xFFFF  }
0xb2: {  	_ =	shalt  }

// kernel: kernel.14.cloned.1.call-start
scs
__scs_entry_jumppad:
0x0: {  	(pc) =	sbr.rel $0x88, $3  }
0x1: {  	(tag) =	ssettag $0x0;
	lr =	simm.s32 $0x1  }
0x2: {  	[smem:$0x3F99] =	sst lr;
	_ =	strace $0xD0000000  }
0x3: {  	_ = 	snop  }
0x4: {  	_ = 	snop  }
0x5: {  	_ = 	snop  }
0x6: {  	_ = 	snop  }
0x7: {  	_ = 	snop  }
__scs_overlays_trampoline_lowered:
0x8: {  	[smem:$0x3FA8] =	sst s0  }
0x9: {  	[smem:$0x3FA9] =	sst s1  }
0xa: {  	[smem:$0x3FAA] =	sst s2  }
0xb: {  	[smem:$0x3FAB] =	sst s3  }
0xc: {  	[smem:$0x3FAC] =	sst s4  }
0xd: {  	[smem:$0x3FAD] =	sst s5  }
0xe: {  	[smem:$0x3FAE] =	sst s6  }
0xf: {  	[smem:$0x3FAF] =	sst s7  }
0x10: {  	[smem:$0x3FB0] =	sst s8  }
0x11: {  	[smem:$0x3FB1] =	sst s9;
	s0 =	simm.s32 @!p0 $0x0  }
0x12: {  	s1 =	sld [smem:$0x3F97];
	s0 =	simm.s32 @p0 $0x1  }
0x13: {  	[smem:$0x3FB2] =	sst s0;
	s0 =	simm.s32 @!p1 $0x0  }
0x14: {  	s2 =	sld [smem:$0x3F96];
	s0 =	simm.s32 @p1 $0x1  }
0x15: {  	[smem:$0x3FB3] =	sst s0;
	s0 =	simm.s32 @!p2 $0x0  }
0x16: {  	s3 =	sld [smem:$0x3FDB];
	s0 =	simm.s32 @p2 $0x1  }
0x17: {  	s4 =	simm.s32 $0x1BF5;
	[smem:$0x3FB5] =	sst s0  }
0x18: {  	s0 =	sld [smem:$0x3F98];
	_ =	swait.ge [sflag:s4], $0x0  }
0x19: {  	s7 =	sld [smem:$0x3F99]  }
0x1a: {  	s8 =	sadd.s32 $0xFFFFE003, lr  }
0x1b: {  	s9 =	sadd.s32 $0xFFFFFEF7, lr;
	s5 =	simm.s32 $0xFFFFFFFF;
	p2 =	slt.u32 s8, $0xFFFFF086  }
0x1c: {  	p1 =	slt.u32 s9, $0xF7A;
	s5 =	simm.s32 @!p2 $0x0  }
0x1d: {  	s5 =	simm.s32 @p1 $0x1;
	p0 =	seq.s32 s7, s2  }
0x1e: {  	s7 =	smul.u32 @!p0 $0xF7A, s2;
	p2 =	seq.s32 @!p0 s5, $0x0  }
0x1f: {  	s9 =	smul.u32 $0xF7A, s1;
	s8 =	simm.s32 @!p0 $0x1BF5;
	p2 =	por !p2, p0  }
0x20: {  	[sflag:s8] =	ssyncset.s32 @!p0 $0xFFFFF086;
	s6 =	sadd.s32 @!p0 s3, s7;
	s7 =	simm.s32 @!p0 $0x108  }
0x21: {  	s3 =	sadd.s32 s3, s9;
	s6 =	sadd.s32 @!p0 $0x88, s6;
	s7 =	simm.s32 @p2 $0x1082  }
0x22: {  	[simem:s7], [sflag:s8] =	dma.local @!p0 [hbm:s6], $0xF7A  }
0x23: {  	s9 =	sor.u32 $0xD0000000, s2;
	s6 =	simm.s32 $0x108;
	_ =	swait.ge @!p0 [sflag:s8], $0x0  }
0x24: {  	s3 =	sadd.s32 $0x88, s3;
	s6 =	simm.s32 @!p1 $0x1082;
	[sflag:s4] =	ssyncset.s32 $0xFFFFF086  }
0x25: {  	[simem:s6], [sflag:s4] =	dma.local [hbm:s3], $0xF7A  }
0x26: {  	[smem:$0x3F99] =	sst s1;
	(tag) =	ssettag s2;
	_ =	strace s9  }
0x27: {  	s1 =	sld [smem:$0x3FA9]  }
0x28: {  	s2 =	sld [smem:$0x3FAA]  }
0x29: {  	s4 =	sld [smem:$0x3FAC]  }
0x2a: {  	p0 =	seq.s32 s5, $0x0;
	s5 =	sld [smem:$0x3FAD]  }
0x2b: {  	s6 =	sld [smem:$0x3FAE]  }
0x2c: {  	s7 =	sld [smem:$0x3FAF]  }
0x2d: {  	s3 =	simm.s32 $0x108;
	s8 =	sld [smem:$0x3FB0]  }
0x2e: {  	s3 =	simm.s32 @!p0 $0x1082;
	s9 =	sld [smem:$0x3FB1]  }
0x2f: {  	lr =	sadd.s32 s0, s3;
	s0 =	sld [smem:$0x3FA8]  }
0x30: {  	s3 =	sld [smem:$0x3FAB]  }
0x31: {  	[smem:$0x3FB4] =	sst s10  }
0x32: {  	s10 =	sld [smem:$0x3FB2];
	_ =	sdelay $0x3  }
0x33: {  	p0 =	seq.s32 s10, $0x1;
	s10 =	sld [smem:$0x3FB4];
	_ =	sdelay $0x3  }
0x34: {  	[smem:$0x3FB4] =	sst s10  }
0x35: {  	s10 =	sld [smem:$0x3FB3];
	_ =	sdelay $0x3  }
0x36: {  	p1 =	seq.s32 s10, $0x1;
	s10 =	sld [smem:$0x3FB4];
	_ =	sdelay $0x3  }
0x37: {  	[smem:$0x3FB4] =	sst s10  }
0x38: {  	s10 =	sld [smem:$0x3FB5]  }
0x39: {  	_ = 	snop;
	(pc) =	sbr.ind lr, $3  }
0x3a: {  	_ = 	snop  }
0x3b: {  	_ = 	snop  }
0x3c: {  	p2 =	seq.s32 s10, $0x1;
	s10 =	sld [smem:$0x3FB4]  }
0x3d: {  	_ =	shalt  }
0x3e: {  	_ =	shalt  }
0x3f: {  	_ =	shalt  }
0x40: {  	_ =	shalt  }
0x41: {  	_ =	shalt  }
0x42: {  	_ =	shalt  }
0x43: {  	_ =	shalt  }
0x44: {  	_ =	shalt  }
0x45: {  	_ =	shalt  }
0x46: {  	_ =	shalt  }
0x47: {  	_ =	shalt  }
0x48: {  	_ =	shalt  }
0x49: {  	_ =	shalt  }
0x4a: {  	_ =	shalt  }
0x4b: {  	_ =	shalt  }
0x4c: {  	_ =	shalt  }
0x4d: {  	_ =	shalt  }
0x4e: {  	_ =	shalt  }
0x4f: {  	_ =	shalt  }
0x50: {  	_ =	shalt  }
0x51: {  	_ =	shalt  }
0x52: {  	_ =	shalt  }
0x53: {  	_ =	shalt  }
0x54: {  	_ =	shalt  }
0x55: {  	_ =	shalt  }
0x56: {  	_ =	shalt  }
0x57: {  	_ =	shalt  }
0x58: {  	_ =	shalt  }
0x59: {  	_ =	shalt  }
0x5a: {  	_ =	shalt  }
0x5b: {  	_ =	shalt  }
0x5c: {  	_ =	shalt  }
0x5d: {  	_ =	shalt  }
0x5e: {  	_ =	shalt  }
0x5f: {  	_ =	shalt  }
0x60: {  	_ =	shalt  }
0x61: {  	_ =	shalt  }
0x62: {  	_ =	shalt  }
0x63: {  	_ =	shalt  }
0x64: {  	_ =	shalt  }
0x65: {  	_ =	shalt  }
0x66: {  	_ =	shalt  }
0x67: {  	_ =	shalt  }
0x68: {  	_ =	shalt  }
0x69: {  	_ =	shalt  }
0x6a: {  	_ =	shalt  }
0x6b: {  	_ =	shalt  }
0x6c: {  	_ =	shalt  }
0x6d: {  	_ =	shalt  }
0x6e: {  	_ =	shalt  }
0x6f: {  	_ =	shalt  }
0x70: {  	_ =	shalt  }
0x71: {  	_ =	shalt  }
0x72: {  	_ =	shalt  }
0x73: {  	_ =	shalt  }
0x74: {  	_ =	shalt  }
0x75: {  	_ =	shalt  }
0x76: {  	_ =	shalt  }
0x77: {  	_ =	shalt  }
0x78: {  	_ =	shalt  }
0x79: {  	_ =	shalt  }
0x7a: {  	_ =	shalt  }
0x7b: {  	_ =	shalt  }
0x7c: {  	_ =	shalt  }
0x7d: {  	_ =	shalt  }
0x7e: {  	_ =	shalt  }
0x7f: {  	_ =	shalt  }
0x80: {  	_ =	shalt  }
0x81: {  	_ =	shalt  }
0x82: {  	_ =	shalt  }
0x83: {  	_ =	shalt  }
0x84: {  	_ =	shalt  }
0x85: {  	_ =	shalt  }
0x86: {  	_ =	shalt  }
0x87: {  	_ =	shalt  }
.Lfunc_end0:
.L_simem_size_0:
called_computation.2_lowered:
.L_overlay_start_0:
0x88: {  	s2 =	sld [smem:$0x3FD9]  }
0x89: {  	s3 =	sld [smem:$0x3FFE];
	_ =	sdelay $0x1  }
0x8a: {  	s1 =	srdreg.scid  }
0x8b: {  	s0 =	sand.u32 $0x1, s1  }
0x8c: {  	s17 =	sshll.u32 s0, $0xA;
	s2 =	sadd.s32 s3, s2  }
0x8d: {  	s2 =	sadd.s32 s2, s17  }
0x8e: {  	[smem:$0x3FC0] =	sst s2  }
0x8f: {  	_ = 	snop  }
0x90: {  	s2 =	sld [smem:$0x3FD0];
	(tm) =	ssettm $0x1  }
0x91: {  	s18 =	sld [smem:$0x3FFB];
	_ =	sdelay $0x3  }
0x92: {  	_ =	strace s18  }
0x93: {  	s3 =	sld [smem:$0x3FFC];
	_ =	sdelay $0x3  }
0x94: {  	_ =	strace s3  }
0x95: {  	s3 =	sld [smem:$0x3FFD];
	_ =	sdelay $0x3  }
0x96: {  	_ =	strace s3  }
0x97: {  	_ =	strace $0x8FFFFFFF  }
0x98: {  	s19 =	sld [smem:$0x3FDB];
	_ =	sdelay $0x1  }
0x99: {  	s4 =	simm.s32 $_scs_section_size  }
0x9a: {  	s5 =	simm.s32 $_size__tile_overlayer_lowered;
	s6 =	simm.s32 $_tile_overlayer_lowered  }
0x9b: {  	s22 =	simm.s32 $0x1BFF;
	s21 =	sshll.u32 s6, $0x1;
	s3 =	sadd.s32 s4, s19  }
0x9c: {  	s7 =	simm.s32 $0x0;
	s20 =	sshll.u32 s5, $0x1;
	s5 =	sadd.s32 s21, s3  }
0x9d: {  	[timem:s7], [sflag:s22] =	dma.local [hbm:s5], s20  }
0x9e: {  	_ =	swait.ge [sflag:s22], s20  }
0x9f: {  	s4 =	ssub.s32 $0x0, s20;
	[sflag:s22] =	ssyncset.done $0x0  }
0xa0: {  	[sflag:s22] =	ssyncadd.s32 s4;
	_ =	sdelay $0x1  }
0xa1: {  	s23 =	simm.s32 $0x1B8B  }
0xa2: {  	_ =	swait.ge [sflag:s23], $0x1  }
0xa3: {  	[sflag:s23] =	ssyncset.done $0x0  }
0xa4: {  	s25 =	simm.s32 $0x1B8E;
	s24 =	sld [smem:$0x3FFE];
	[sflag:s23] =	ssyncadd.s32 $0xFFFFFFFF  }
0xa5: {  	s26 =	simm.s32 $execute0_lowered;
	[smem:$0x3FD2] =	sst s25  }
0xa6: {  	s5 =	sshll.u32 s26, $0x1;
	_ =	strace $0x8000004C;
	[dreg:$0x1] =	wrdreg $0xFFFFFFFF  }
0xa7: {  	s28 =	simm.s32 $_size_execute0_lowered;
	s3 =	sadd.s32 s3, s5;
	[dreg:$0x0] =	wrdreg $0x0  }
0xa8: {  	s5 =	sshll.u32 s28, $0x1;
	[dreg:$0x2] =	wrdreg s3  }
0xa9: {  	[dreg:$0x3] =	wrdreg s5  }
0xaa: {  	[dreg:$0x4] =	wrdreg $0xC0  }
0xab: {  	_ =	task [dreg:s7], $0x5FFFF  }
0xac: {  	[dreg:$0x1] =	wrdreg $0xFFFFFFFF  }
0xad: {  	[dreg:$0x0] =	wrdreg $0x60  }
0xae: {  	[dreg:$0x2] =	wrdreg s2  }
0xaf: {  	[dreg:$0x3] =	wrdreg s24  }
0xb0: {  	[dreg:$0x4] =	wrdreg $0x80200  }
0xb1: {  	[dreg:$0x5] =	wrdreg $0x9  }
0xb2: {  	_ =	task.clear_ibuf [dreg:s7], $0x6FFFF;
	_ =	strace $0x9000004C  }
0xb3: {  	s29 =	simm.s32 $0x9;
	_ =	strace $0x8000004E  }
0xb4: {  	_ =	swait.ge [sflag:s29], $0x1  }
0xb5: {  	[sflag:s29] =	ssyncadd.s32 $0xFFFFFFFF  }
0xb6: {  	_ =	strace $0x9000004E  }
0xb7: {  	_ =	sfence  }
0xb8: {  	s30 =	sld [smem:$0x0];
	_ =	sdelay $0x2  }
0xb9: {  	s31 =	sshll.u32 s1, $0xD;
	s1 =	sshrl.u32 s1, $0x2  }
0xba: {  	s3 =	sand.u32 $0x4000, s31;
	s1 =	sadd.s32 s1, s30  }
0xbb: {  	s0 =	sor.u32 s3, s0;
	s1 =	sshll.u32 s1, $0x11  }
0xbc: {  	s0 =	sor.u32 s1, s0  }
0xbd: {  	s0 =	sadd.s32 $0x8F2B, s0  }
0xbe: {  	[sflag:s0] =	ssyncadd.remote.s32 $0x1  }
0xbf: {  	_ =	sfence.sel $0xFFFF  }
0xc0: {  	[dreg:$0x0] =	wrdreg $0xFFFFFFFF;
	(pc) =	sbr.abs _section_cstart, $3  }
0xc1: {  	[dreg:$0x1] =	wrdreg $0xFFFFFFFF  }
0xc2: {  	_ =	task.clear_ibuf [dreg:s7], $0x2FFFF;
	_ =	strace $0x9FFFFFFF  }
0xc3: {  	(tm) =	ssettm $0x7FFFFFFF  }
tec
execute0_lowered:
.L_overlay_start_1:
0x0: {  	(tag) =	ssettag $0x1  }
0x1: {  	s1 =	rddreg [dreg:$0x0]  }
0x2: {  	s0 =	srdreg.scid;
	s2 =	rddreg [dreg:$0x1]  }
0x3: {  	s13 =	stileid.u32;
	s3 =	rddreg [dreg:$0x2]  }
0x4: {  	s14 =	simm.s32 $0x4E20;
	s15 =	simm.s32 $0x5820;
	s17 =	simm.s32 $0x6220  }
0x5: {  	s19 =	simm.s32 $0x6C20;
	s21 =	simm.s32 $0x7620;
	s22 =	simm.s32 $0x1  }
0x6: {  	s23 =	simm.s32 $0x2;
	s28 =	simm.s32 $0x5;
	s29 =	simm.s32 $0x6  }
0x7: {  	s30 =	simm.s32 $0x7;
	s31 =	simm.s32 $0x8;
	s0 =	sand.u32 $0x1, s0  }
0x8: {  	s24 =	smul.u32 $0x5000, s13;
	s26 =	sshll.u32 s13, $0x6;
	s4 =	sshll.u32 s0, $0x4  }
0x9: {  	s6 =	smul.u32 $0xA000, s0;
	s0 =	ssub.s32 $0x2, s0;
	s5 =	sor.u32 s13, s4  }
0xa: {  	s4 =	simm.s32 $0x0;
	s12 =	sshrl.u32 s24, $0x3;
	s25 =	sshrl.u32 s0, $0x1  }
0xb: {  	s10 =	sadd.s32 s24, s3;
	s13 =	simm.s32 $0x50;
	s11 =	smul.u32 $0x4E2, s5  }
0xc: {  	[smem:$0x7FF] =	sst s4;
	s8 =	sadd.s32 s12, s2;
	s9 =	sadd.s32 s6, s2  }
0xd: {  	s0 =	ssub.s32 s0, s25;
	s6 =	sor.u32 $0x1C0B, s26;
	s25 =	simm.s32 $0x3  }
0xe: {  	s26 =	simm.s32 $0x4;
	_ =	strace $0x8000004D;
	s5 =	sadd.s32 $0x15A00, s8  }
0xf: {  	s16 =	sadd.s32 $0x1FA00, s9;
	s8 =	smax.u32 s0, $0x1;
	s9 =	sshrl.u32 s10, $0x3  }
0x10: {  	s10 =	simm.s32 $0xB;
	s0 =	simm.s32 $0xA;
	s7 =	sadd.s32 s11, s2  }
0x11: {  	s2 =	sadd.s32 $0xBC40, s2;
	s24 =	sadd.s32 s12, s16;
	s16 =	simm.s32 $0x0  }
0x12: {  	s7 =	sadd.s32 $0x2000, s7;
	s11 =	sadd.s32 s11, s2;
	s2 =	simm.s32 $0x9  }
.LBB2_1:
0x13: {  	[spmem:s9], [sflag:s6] =	dma.local [hbm:s5], $0xA00  }
0x14: {  	_ =	swait.ge [sflag:s10], $0xA00  }
0x15: {  	[sflag:s10] =	ssyncset.done $0x0  }
0x16: {  	[sflag:s10] =	ssyncadd.s32 $0xFFFFF600  }
0x17: {  	[tilespmem:s4], [sflag:$0xB] =	stream.linear.gather [hbm4b:s7+s4], $0x2710, $0x38;
	[tilespmem:$0xD020] =	vst v63  }
0x18: {  	_ =	swait.ge [sflag:s10], $0x2710  }
0x19: {  	[sflag:s10] =	ssyncset.done $0x0  }
0x1a: {  	s12 =	simm.s32 $0x2710;
	[sflag:s10] =	ssyncadd.s32 $0xFFFFD8F0  }
0x1b: {  	[tilespmem:s12], [sflag:$0xB] =	stream.linear.gather [hbm4b:s11+s4], $0x2710, $0x38;
	[tilespmem:$0xD020] =	vst v63  }
0x1c: {  	_ =	swait.ge [sflag:s10], $0x2710  }
0x1d: {  	[sflag:s10] =	ssyncset.done $0x0  }
0x1e: {  	[sflag:s10] =	ssyncadd.s32 $0xFFFFD8F0  }
0x1f: {  	[bflag:$0x0] =	sbarrier.arrive $0xFFFF  }
0x20: {  	[tilespmem:s14], [sflag:$0x1] =	stream.indirect.gather [hbm4b:s1+s13], $0x20, s4, s13, $0xb8;
	[tilespmem:$0xD020] =	vst v63  }
0x21: {  	_ = 	snop  }
0x22: {  	[tilespmem:s15], [sflag:$0x2] =	stream.indirect.gather [hbm4b:s1+s13], $0x20, s13, s13, $0xb8;
	[tilespmem:$0xD020] =	vst v63  }
0x23: {  	s20 =	simm.s32 $0xA0  }
0x24: {  	[tilespmem:s17], [sflag:$0x3] =	stream.indirect.gather [hbm4b:s1+s13], $0x20, s20, s13, $0xb8;
	[tilespmem:$0xD020] =	vst v63  }
0x25: {  	s18 =	simm.s32 $0xF0  }
0x26: {  	[tilespmem:s19], [sflag:$0x4] =	stream.indirect.gather [hbm4b:s1+s13], $0x20, s18, s13, $0xb8;
	[tilespmem:$0xD020] =	vst v63  }
0x27: {  	s20 =	simm.s32 $0x140  }
0x28: {  	[tilespmem:s21], [sflag:$0x5] =	stream.indirect.gather [hbm4b:s1+s13], $0x20, s20, s13, $0xb8;
	[tilespmem:$0xD020] =	vst v63  }
0x29: {  	_ =	swait.ge [sflag:s22], $0xA00  }
0x2a: {  	[sflag:s22] =	ssyncset.done $0x0  }
0x2b: {  	s18 =	simm.s32 $0x2710;
	[sflag:s22] =	ssyncadd.s32 $0xFFFFF600  }
0x2c: {  	[spmem:s3] =	stream.indirect.scatter.add.f32 [tilespmem:s14], [sflag:$0x6], $0x20, s18, s13, $0xb8;
	[tilespmem:$0xD020] =	vst v63  }
0x2d: {  	_ =	swait.ge [sflag:s23], $0xA00  }
0x2e: {  	[sflag:s23] =	ssyncset.done $0x0  }
0x2f: {  	s12 =	simm.s32 $0x2760;
	[sflag:s23] =	ssyncadd.s32 $0xFFFFF600  }
0x30: {  	[spmem:s3] =	stream.indirect.scatter.add.f32 [tilespmem:s15], [sflag:$0x7], $0x20, s12, s13, $0xb8;
	[tilespmem:$0xD020] =	vst v63  }
0x31: {  	_ =	swait.ge [sflag:s25], $0xA00  }
0x32: {  	[sflag:s25] =	ssyncset.done $0x0  }
0x33: {  	s20 =	simm.s32 $0x27B0;
	[sflag:s25] =	ssyncadd.s32 $0xFFFFF600  }
0x34: {  	[spmem:s3] =	stream.indirect.scatter.add.f32 [tilespmem:s17], [sflag:$0x8], $0x20, s20, s13, $0xb8;
	[tilespmem:$0xD020] =	vst v63  }
0x35: {  	_ =	swait.ge [sflag:s26], $0xA00  }
0x36: {  	[sflag:s26] =	ssyncset.done $0x0  }
0x37: {  	s12 =	simm.s32 $0x2800;
	[sflag:s26] =	ssyncadd.s32 $0xFFFFF600  }
0x38: {  	[spmem:s3] =	stream.indirect.scatter.add.f32 [tilespmem:s19], [sflag:$0x9], $0x20, s12, s13, $0xb8;
	[tilespmem:$0xD020] =	vst v63  }
0x39: {  	_ =	swait.ge [sflag:s28], $0xA00  }
0x3a: {  	[sflag:s28] =	ssyncset.done $0x0  }
0x3b: {  	s20 =	simm.s32 $0x2850;
	[sflag:s28] =	ssyncadd.s32 $0xFFFFF600  }
0x3c: {  	[spmem:s3] =	stream.indirect.scatter.add.f32 [tilespmem:s21], [sflag:$0xA], $0x20, s20, s13, $0xb8;
	[tilespmem:$0xD020] =	vst v63  }
0x3d: {  	_ =	swait.ge [sflag:s29], $0xA00  }
0x3e: {  	[sflag:s29] =	ssyncset.done $0x0  }
0x3f: {  	s12 =	simm.s32 $0x190;
	[sflag:s29] =	ssyncadd.s32 $0xFFFFF600  }
0x40: {  	[tilespmem:s14], [sflag:$0x1] =	stream.indirect.gather [hbm4b:s1+s13], $0x20, s12, s13, $0xb8;
	[tilespmem:$0xD020] =	vst v63  }
0x41: {  	_ =	swait.ge [sflag:s30], $0xA00  }
0x42: {  	[sflag:s30] =	ssyncset.done $0x0  }
0x43: {  	s20 =	simm.s32 $0x1E0;
	[sflag:s30] =	ssyncadd.s32 $0xFFFFF600  }
0x44: {  	[tilespmem:s15], [sflag:$0x2] =	stream.indirect.gather [hbm4b:s1+s13], $0x20, s20, s13, $0xb8;
	[tilespmem:$0xD020] =	vst v63  }
0x45: {  	_ =	swait.ge [sflag:s31], $0xA00  }
0x46: {  	[sflag:s31] =	ssyncset.done $0x0  }
0x47: {  	s12 =	simm.s32 $0x230;
	[sflag:s31] =	ssyncadd.s32 $0xFFFFF600  }
0x48: {  	[tilespmem:s17], [sflag:$0x3] =	stream.indirect.gather [hbm4b:s1+s13], $0x20, s12, s13, $0xb8;
	[tilespmem:$0xD020] =	vst v63  }
0x49: {  	_ =	swait.ge [sflag:s2], $0xA00  }
0x4a: {  	[sflag:s2] =	ssyncset.done $0x0  }
0x4b: {  	s20 =	simm.s32 $0x280;
	[sflag:s2] =	ssyncadd.s32 $0xFFFFF600  }
0x4c: {  	[tilespmem:s19], [sflag:$0x4] =	stream.indirect.gather [hbm4b:s1+s13], $0x20, s20, s13, $0xb8;
	[tilespmem:$0xD020] =	vst v63  }
0x4d: {  	_ =	swait.ge [sflag:s0], $0xA00  }
0x4e: {  	[sflag:s0] =	ssyncset.done $0x0  }
0x4f: {  	s18 =	simm.s32 $0x640;
	s20 =	simm.s32 $0x2D0;
	[sflag:s0] =	ssyncadd.s32 $0xFFFFF600  }
.LBB2_2:
0x50: {  	[tilespmem:s21], [sflag:$0x5] =	stream.indirect.gather [hbm4b:s1+s13], $0x20, s20, s13, $0xb8;
	[tilespmem:$0xD020] =	vst v63  }
0x51: {  	s20 =	smov.u32 s18  }
0x52: {  	p0 =	sne.s32 s18, $0x8FC0;
	s18 =	sadd.s32 $0x640, s18;
	_ =	swait.ge [sflag:s22], $0xA00  }
0x53: {  	s20 =	sshra.s32 s20, $0x2;
	[sflag:s22] =	ssyncset.done $0x0  }
0x54: {  	s12 =	sadd.s32 $0x2710, s20;
	[sflag:s22] =	ssyncadd.s32 $0xFFFFF600  }
0x55: {  	[spmem:s3] =	stream.indirect.scatter.add.f32 [tilespmem:s14], [sflag:$0x6], $0x20, s12, s13, $0xb8;
	[tilespmem:$0xD020] =	vst v63  }
0x56: {  	_ =	swait.ge [sflag:s23], $0xA00  }
0x57: {  	[sflag:s23] =	ssyncset.done $0x0  }
0x58: {  	s12 =	sadd.s32 $0x2760, s20;
	[sflag:s23] =	ssyncadd.s32 $0xFFFFF600  }
0x59: {  	[spmem:s3] =	stream.indirect.scatter.add.f32 [tilespmem:s15], [sflag:$0x7], $0x20, s12, s13, $0xb8;
	[tilespmem:$0xD020] =	vst v63  }
0x5a: {  	_ =	swait.ge [sflag:s25], $0xA00  }
0x5b: {  	[sflag:s25] =	ssyncset.done $0x0  }
0x5c: {  	s12 =	sadd.s32 $0x27B0, s20;
	[sflag:s25] =	ssyncadd.s32 $0xFFFFF600  }
0x5d: {  	[spmem:s3] =	stream.indirect.scatter.add.f32 [tilespmem:s17], [sflag:$0x8], $0x20, s12, s13, $0xb8;
	[tilespmem:$0xD020] =	vst v63  }
0x5e: {  	_ =	swait.ge [sflag:s26], $0xA00  }
0x5f: {  	[sflag:s26] =	ssyncset.done $0x0  }
0x60: {  	s12 =	sadd.s32 $0x2800, s20;
	[sflag:s26] =	ssyncadd.s32 $0xFFFFF600  }
0x61: {  	[spmem:s3] =	stream.indirect.scatter.add.f32 [tilespmem:s19], [sflag:$0x9], $0x20, s12, s13, $0xb8;
	[tilespmem:$0xD020] =	vst v63  }
0x62: {  	_ =	swait.ge [sflag:s28], $0xA00  }
0x63: {  	[sflag:s28] =	ssyncset.done $0x0  }
0x64: {  	s12 =	sadd.s32 $0x2850, s20;
	[sflag:s28] =	ssyncadd.s32 $0xFFFFF600  }
0x65: {  	[spmem:s3] =	stream.indirect.scatter.add.f32 [tilespmem:s21], [sflag:$0xA], $0x20, s12, s13, $0xb8;
	[tilespmem:$0xD020] =	vst v63  }
0x66: {  	_ =	swait.ge [sflag:s29], $0xA00  }
0x67: {  	[sflag:s29] =	ssyncset.done $0x0  }
0x68: {  	s12 =	sadd.s32 $0x190, s20;
	[sflag:s29] =	ssyncadd.s32 $0xFFFFF600  }
0x69: {  	[tilespmem:s14], [sflag:$0x1] =	stream.indirect.gather [hbm4b:s1+s13], $0x20, s12, s13, $0xb8;
	[tilespmem:$0xD020] =	vst v63  }
0x6a: {  	_ =	swait.ge [sflag:s30], $0xA00  }
0x6b: {  	[sflag:s30] =	ssyncset.done $0x0  }
0x6c: {  	s12 =	sadd.s32 $0x1E0, s20;
	[sflag:s30] =	ssyncadd.s32 $0xFFFFF600  }
0x6d: {  	[tilespmem:s15], [sflag:$0x2] =	stream.indirect.gather [hbm4b:s1+s13], $0x20, s12, s13, $0xb8;
	[tilespmem:$0xD020] =	vst v63  }
0x6e: {  	_ =	swait.ge [sflag:s31], $0xA00  }
0x6f: {  	[sflag:s31] =	ssyncset.done $0x0  }
0x70: {  	s12 =	sadd.s32 $0x230, s20;
	[sflag:s31] =	ssyncadd.s32 $0xFFFFF600  }
0x71: {  	[tilespmem:s17], [sflag:$0x3] =	stream.indirect.gather [hbm4b:s1+s13], $0x20, s12, s13, $0xb8;
	[tilespmem:$0xD020] =	vst v63  }
0x72: {  	_ =	swait.ge [sflag:s2], $0xA00  }
0x73: {  	[sflag:s2] =	ssyncset.done $0x0  }
.Ltmp0:
0x74: {  	s12 =	sadd.s32 $0x280, s20;
	[sflag:s2] =	ssyncadd.s32 $0xFFFFF600;
	(pc) =	sbr.rel @p0 .LBB2_2-.Ltmp0, $4  }
0x75: {  	[tilespmem:s19], [sflag:$0x4] =	stream.indirect.gather [hbm4b:s1+s13], $0x20, s12, s13, $0xb8;
	[tilespmem:$0xD020] =	vst v63  }
0x76: {  	_ =	swait.ge [sflag:s0], $0xA00  }
0x77: {  	[sflag:s0] =	ssyncset.done $0x0  }
0x78: {  	s20 =	sadd.s32 $0x2D0, s20;
	[sflag:s0] =	ssyncadd.s32 $0xFFFFF600  }
0x79: {  	[tilespmem:s21], [sflag:$0x5] =	stream.indirect.gather [hbm4b:s1+s13], $0x20, s20, s13, $0xb8;
	[tilespmem:$0xD020] =	vst v63  }
0x7a: {  	_ =	swait.ge [sflag:s22], $0xA00  }
0x7b: {  	[sflag:s22] =	ssyncset.done $0x0  }
0x7c: {  	s12 =	simm.s32 $0x4C90;
	[sflag:s22] =	ssyncadd.s32 $0xFFFFF600  }
0x7d: {  	[spmem:s3] =	stream.indirect.scatter.add.f32 [tilespmem:s14], [sflag:$0x6], $0x20, s12, s13, $0xb8;
	[tilespmem:$0xD020] =	vst v63  }
0x7e: {  	_ =	swait.ge [sflag:s23], $0xA00  }
0x7f: {  	[sflag:s23] =	ssyncset.done $0x0  }
0x80: {  	s18 =	simm.s32 $0x4CE0;
	[sflag:s23] =	ssyncadd.s32 $0xFFFFF600  }
0x81: {  	[spmem:s3] =	stream.indirect.scatter.add.f32 [tilespmem:s15], [sflag:$0x7], $0x20, s18, s13, $0xb8;
	[tilespmem:$0xD020] =	vst v63  }
0x82: {  	_ =	swait.ge [sflag:s25], $0xA00  }
0x83: {  	[sflag:s25] =	ssyncset.done $0x0  }
0x84: {  	s20 =	simm.s32 $0x4D30;
	[sflag:s25] =	ssyncadd.s32 $0xFFFFF600  }
0x85: {  	[spmem:s3] =	stream.indirect.scatter.add.f32 [tilespmem:s17], [sflag:$0x8], $0x20, s20, s13, $0xb8;
	[tilespmem:$0xD020] =	vst v63  }
0x86: {  	_ =	swait.ge [sflag:s26], $0xA00  }
0x87: {  	[sflag:s26] =	ssyncset.done $0x0  }
0x88: {  	s18 =	simm.s32 $0x4D80;
	[sflag:s26] =	ssyncadd.s32 $0xFFFFF600  }
0x89: {  	[spmem:s3] =	stream.indirect.scatter.add.f32 [tilespmem:s19], [sflag:$0x9], $0x20, s18, s13, $0xb8;
	[tilespmem:$0xD020] =	vst v63  }
0x8a: {  	_ =	swait.ge [sflag:s28], $0xA00  }
0x8b: {  	[sflag:s28] =	ssyncset.done $0x0  }
0x8c: {  	s20 =	simm.s32 $0x4DD0;
	[sflag:s28] =	ssyncadd.s32 $0xFFFFF600  }
0x8d: {  	[spmem:s3] =	stream.indirect.scatter.add.f32 [tilespmem:s21], [sflag:$0xA], $0x20, s20, s13, $0xb8;
	[tilespmem:$0xD020] =	vst v63  }
0x8e: {  	_ =	swait.ge [sflag:s29], $0xA00  }
0x8f: {  	[sflag:s29] =	ssyncset.done $0x0  }
0x90: {  	[sflag:s29] =	ssyncadd.s32 $0xFFFFF600  }
0x91: {  	_ =	swait.ge [sflag:s30], $0xA00  }
0x92: {  	[sflag:s30] =	ssyncset.done $0x0  }
0x93: {  	[sflag:s30] =	ssyncadd.s32 $0xFFFFF600  }
0x94: {  	_ =	swait.ge [sflag:s31], $0xA00  }
0x95: {  	[sflag:s31] =	ssyncset.done $0x0  }
0x96: {  	[sflag:s31] =	ssyncadd.s32 $0xFFFFF600  }
0x97: {  	_ =	swait.ge [sflag:s2], $0xA00  }
0x98: {  	[sflag:s2] =	ssyncset.done $0x0  }
0x99: {  	[sflag:s2] =	ssyncadd.s32 $0xFFFFF600  }
0x9a: {  	_ =	swait.ge [sflag:s0], $0xA00  }
0x9b: {  	s16 =	sadd.s32 $0x1, s16;
	[sflag:s0] =	ssyncset.done $0x0  }
0x9c: {  	p0 =	sne.s32 s16, s8;
	[sflag:s0] =	ssyncadd.s32 $0xFFFFF600  }
.Ltmp1:
0x9d: {  	[bflag:$0x0] =	sbarrier.arrive $0xFFFF;
	(pc) =	sbr.rel @p0 .LBB2_1-.Ltmp1, $4  }
0x9e: {  	[hbm:s24], [sflag:s6] =	dma.local [spmem:s9], $0xA00  }
0x9f: {  	_ =	swait.ge [sflag:s10], $0xA00  }
0xa0: {  	[sflag:s10] =	ssyncset.done $0x0  }
0xa1: {  	[sflag:s10] =	ssyncadd.s32 $0xFFFFF600  }
0xa2: {  	_ =	sfence.sel $0x180000  }
0xa3: {  	[bflag:$0x0] =	sbarrier.arrive $0xFFFF  }
0xa4: {  	_ =	strace $0x9000004D  }
0xa5: {  	s0 =	stileid.u32;
	[bflag:$0x2] =	sbarrier.arrive $0xFFFF  }
0xa6: {  	p0 =	sne.s32 s0, $0x0;
	s0 =	rddreg [dreg:$0x3]  }
0xa7: {  	s0 =	sadd.s32 @!p0 $0x100000, s0  }
0xa8: {  	[sflag:s0] =	ssyncadd.tile.s32 @!p0 $0x1;
	_ =	shalt  }
.Lfunc_end2:
_tile_overlayer_lowered:
.L_overlay_start_2:
0xa9: {  	(tag) =	ssettag $0x2  }
0xaa: {  	s0 =	rddreg [dreg:$0x0];
	s2 =	stileid.u32  }
0xab: {  	s1 =	rddreg [dreg:$0x1];
	p0 =	sne.s32 s2, $0x0  }
0xac: {  	s3 =	rddreg [dreg:$0x2];
	[bflag:$0x3] =	sbarrier.arrive $0xFFFF;
	s2 =	simm.s32 @!p0 $0x1C0B  }
0xad: {  	[timem:s3], [sflag:s2] =	dma.local @!p0 [hbm:s0], s1  }
0xae: {  	s0 =	simm.s32 @!p0 $0xB  }
0xaf: {  	_ =	swait.ge @!p0 [sflag:s0], s1  }
0xb0: {  	s1 =	ssub.s32 @!p0 $0x0, s1;
	[sflag:s0] =	ssyncset.done @!p0 $0x0  }
0xb1: {  	[sflag:s0] =	ssyncadd.s32 @!p0 s1  }
0xb2: {  	[bflag:$0x3] =	sbarrier.arrive $0xFFFF  }
0xb3: {  	_ =	shalt  }

// kernel: kernel.8.cloned.1.call-start
scs
__scs_entry_jumppad:
0x0: {  	(pc) =	sbr.rel $0x88, $3  }
0x1: {  	(tag) =	ssettag $0x0;
	lr =	simm.s32 $0x1  }
0x2: {  	[smem:$0x3F99] =	sst lr;
	_ =	strace $0xD0000000  }
0x3: {  	_ = 	snop  }
0x4: {  	_ = 	snop  }
0x5: {  	_ = 	snop  }
0x6: {  	_ = 	snop  }
0x7: {  	_ = 	snop  }
__scs_overlays_trampoline_lowered:
0x8: {  	[smem:$0x3FA8] =	sst s0  }
0x9: {  	[smem:$0x3FA9] =	sst s1  }
0xa: {  	[smem:$0x3FAA] =	sst s2  }
0xb: {  	[smem:$0x3FAB] =	sst s3  }
0xc: {  	[smem:$0x3FAC] =	sst s4  }
0xd: {  	[smem:$0x3FAD] =	sst s5  }
0xe: {  	[smem:$0x3FAE] =	sst s6  }
0xf: {  	[smem:$0x3FAF] =	sst s7  }
0x10: {  	[smem:$0x3FB0] =	sst s8  }
0x11: {  	[smem:$0x3FB1] =	sst s9;
	s0 =	simm.s32 @!p0 $0x0  }
0x12: {  	s1 =	sld [smem:$0x3F97];
	s0 =	simm.s32 @p0 $0x1  }
0x13: {  	[smem:$0x3FB2] =	sst s0;
	s0 =	simm.s32 @!p1 $0x0  }
0x14: {  	s2 =	sld [smem:$0x3F96];
	s0 =	simm.s32 @p1 $0x1  }
0x15: {  	[smem:$0x3FB3] =	sst s0;
	s0 =	simm.s32 @!p2 $0x0  }
0x16: {  	s3 =	sld [smem:$0x3FDB];
	s0 =	simm.s32 @p2 $0x1  }
0x17: {  	s4 =	simm.s32 $0x1BF5;
	[smem:$0x3FB5] =	sst s0  }
0x18: {  	s0 =	sld [smem:$0x3F98];
	_ =	swait.ge [sflag:s4], $0x0  }
0x19: {  	s7 =	sld [smem:$0x3F99]  }
0x1a: {  	s8 =	sadd.s32 $0xFFFFE003, lr  }
0x1b: {  	s9 =	sadd.s32 $0xFFFFFEF7, lr;
	s5 =	simm.s32 $0xFFFFFFFF;
	p2 =	slt.u32 s8, $0xFFFFF086  }
0x1c: {  	p1 =	slt.u32 s9, $0xF7A;
	s5 =	simm.s32 @!p2 $0x0  }
0x1d: {  	s5 =	simm.s32 @p1 $0x1;
	p0 =	seq.s32 s7, s2  }
0x1e: {  	s7 =	smul.u32 @!p0 $0xF7A, s2;
	p2 =	seq.s32 @!p0 s5, $0x0  }
0x1f: {  	s9 =	smul.u32 $0xF7A, s1;
	s8 =	simm.s32 @!p0 $0x1BF5;
	p2 =	por !p2, p0  }
0x20: {  	[sflag:s8] =	ssyncset.s32 @!p0 $0xFFFFF086;
	s6 =	sadd.s32 @!p0 s3, s7;
	s7 =	simm.s32 @!p0 $0x108  }
0x21: {  	s3 =	sadd.s32 s3, s9;
	s6 =	sadd.s32 @!p0 $0x88, s6;
	s7 =	simm.s32 @p2 $0x1082  }
0x22: {  	[simem:s7], [sflag:s8] =	dma.local @!p0 [hbm:s6], $0xF7A  }
0x23: {  	s9 =	sor.u32 $0xD0000000, s2;
	s6 =	simm.s32 $0x108;
	_ =	swait.ge @!p0 [sflag:s8], $0x0  }
0x24: {  	s3 =	sadd.s32 $0x88, s3;
	s6 =	simm.s32 @!p1 $0x1082;
	[sflag:s4] =	ssyncset.s32 $0xFFFFF086  }
0x25: {  	[simem:s6], [sflag:s4] =	dma.local [hbm:s3], $0xF7A  }
0x26: {  	[smem:$0x3F99] =	sst s1;
	(tag) =	ssettag s2;
	_ =	strace s9  }
0x27: {  	s1 =	sld [smem:$0x3FA9]  }
0x28: {  	s2 =	sld [smem:$0x3FAA]  }
0x29: {  	s4 =	sld [smem:$0x3FAC]  }
0x2a: {  	p0 =	seq.s32 s5, $0x0;
	s5 =	sld [smem:$0x3FAD]  }
0x2b: {  	s6 =	sld [smem:$0x3FAE]  }
0x2c: {  	s7 =	sld [smem:$0x3FAF]  }
0x2d: {  	s3 =	simm.s32 $0x108;
	s8 =	sld [smem:$0x3FB0]  }
0x2e: {  	s3 =	simm.s32 @!p0 $0x1082;
	s9 =	sld [smem:$0x3FB1]  }
0x2f: {  	lr =	sadd.s32 s0, s3;
	s0 =	sld [smem:$0x3FA8]  }
0x30: {  	s3 =	sld [smem:$0x3FAB]  }
0x31: {  	[smem:$0x3FB4] =	sst s10  }
0x32: {  	s10 =	sld [smem:$0x3FB2];
	_ =	sdelay $0x3  }
0x33: {  	p0 =	seq.s32 s10, $0x1;
	s10 =	sld [smem:$0x3FB4];
	_ =	sdelay $0x3  }
0x34: {  	[smem:$0x3FB4] =	sst s10  }
0x35: {  	s10 =	sld [smem:$0x3FB3];
	_ =	sdelay $0x3  }
0x36: {  	p1 =	seq.s32 s10, $0x1;
	s10 =	sld [smem:$0x3FB4];
	_ =	sdelay $0x3  }
0x37: {  	[smem:$0x3FB4] =	sst s10  }
0x38: {  	s10 =	sld [smem:$0x3FB5]  }
0x39: {  	_ = 	snop;
	(pc) =	sbr.ind lr, $3  }
0x3a: {  	_ = 	snop  }
0x3b: {  	_ = 	snop  }
0x3c: {  	p2 =	seq.s32 s10, $0x1;
	s10 =	sld [smem:$0x3FB4]  }
0x3d: {  	_ =	shalt  }
0x3e: {  	_ =	shalt  }
0x3f: {  	_ =	shalt  }
0x40: {  	_ =	shalt  }
0x41: {  	_ =	shalt  }
0x42: {  	_ =	shalt  }
0x43: {  	_ =	shalt  }
0x44: {  	_ =	shalt  }
0x45: {  	_ =	shalt  }
0x46: {  	_ =	shalt  }
0x47: {  	_ =	shalt  }
0x48: {  	_ =	shalt  }
0x49: {  	_ =	shalt  }
0x4a: {  	_ =	shalt  }
0x4b: {  	_ =	shalt  }
0x4c: {  	_ =	shalt  }
0x4d: {  	_ =	shalt  }
0x4e: {  	_ =	shalt  }
0x4f: {  	_ =	shalt  }
0x50: {  	_ =	shalt  }
0x51: {  	_ =	shalt  }
0x52: {  	_ =	shalt  }
0x53: {  	_ =	shalt  }
0x54: {  	_ =	shalt  }
0x55: {  	_ =	shalt  }
0x56: {  	_ =	shalt  }
0x57: {  	_ =	shalt  }
0x58: {  	_ =	shalt  }
0x59: {  	_ =	shalt  }
0x5a: {  	_ =	shalt  }
0x5b: {  	_ =	shalt  }
0x5c: {  	_ =	shalt  }
0x5d: {  	_ =	shalt  }
0x5e: {  	_ =	shalt  }
0x5f: {  	_ =	shalt  }
0x60: {  	_ =	shalt  }
0x61: {  	_ =	shalt  }
0x62: {  	_ =	shalt  }
0x63: {  	_ =	shalt  }
0x64: {  	_ =	shalt  }
0x65: {  	_ =	shalt  }
0x66: {  	_ =	shalt  }
0x67: {  	_ =	shalt  }
0x68: {  	_ =	shalt  }
0x69: {  	_ =	shalt  }
0x6a: {  	_ =	shalt  }
0x6b: {  	_ =	shalt  }
0x6c: {  	_ =	shalt  }
0x6d: {  	_ =	shalt  }
0x6e: {  	_ =	shalt  }
0x6f: {  	_ =	shalt  }
0x70: {  	_ =	shalt  }
0x71: {  	_ =	shalt  }
0x72: {  	_ =	shalt  }
0x73: {  	_ =	shalt  }
0x74: {  	_ =	shalt  }
0x75: {  	_ =	shalt  }
0x76: {  	_ =	shalt  }
0x77: {  	_ =	shalt  }
0x78: {  	_ =	shalt  }
0x79: {  	_ =	shalt  }
0x7a: {  	_ =	shalt  }
0x7b: {  	_ =	shalt  }
0x7c: {  	_ =	shalt  }
0x7d: {  	_ =	shalt  }
0x7e: {  	_ =	shalt  }
0x7f: {  	_ =	shalt  }
0x80: {  	_ =	shalt  }
0x81: {  	_ =	shalt  }
0x82: {  	_ =	shalt  }
0x83: {  	_ =	shalt  }
0x84: {  	_ =	shalt  }
0x85: {  	_ =	shalt  }
0x86: {  	_ =	shalt  }
0x87: {  	_ =	shalt  }
.Lfunc_end0:
.L_simem_size_0:
called_computation_lowered:
.L_overlay_start_0:
0x88: {  	s2 =	sld [smem:$0x3FD9]  }
0x89: {  	s3 =	sld [smem:$0x3FFE];
	_ =	sdelay $0x1  }
0x8a: {  	s1 =	srdreg.scid  }
0x8b: {  	s0 =	sand.u32 $0x1, s1  }
0x8c: {  	s17 =	sshll.u32 s0, $0xA;
	s2 =	sadd.s32 s3, s2  }
0x8d: {  	s2 =	sadd.s32 s2, s17  }
0x8e: {  	[smem:$0x3FC0] =	sst s2  }
0x8f: {  	_ = 	snop  }
0x90: {  	s2 =	sld [smem:$0x3FD0];
	(tm) =	ssettm $0x1  }
0x91: {  	s18 =	sld [smem:$0x3FFB];
	_ =	sdelay $0x3  }
0x92: {  	_ =	strace s18  }
0x93: {  	s3 =	sld [smem:$0x3FFC];
	_ =	sdelay $0x3  }
0x94: {  	_ =	strace s3  }
0x95: {  	s3 =	sld [smem:$0x3FFD];
	_ =	sdelay $0x3  }
0x96: {  	_ =	strace s3  }
0x97: {  	_ =	strace $0x8FFFFFFF  }
0x98: {  	s19 =	sld [smem:$0x3FDB];
	_ =	sdelay $0x1  }
0x99: {  	s4 =	simm.s32 $_scs_section_size  }
0x9a: {  	s5 =	simm.s32 $_size__tile_overlayer_lowered;
	s6 =	simm.s32 $_tile_overlayer_lowered  }
0x9b: {  	s22 =	simm.s32 $0x1BFF;
	s21 =	sshll.u32 s6, $0x1;
	s3 =	sadd.s32 s4, s19  }
0x9c: {  	s7 =	simm.s32 $0x0;
	s20 =	sshll.u32 s5, $0x1;
	s5 =	sadd.s32 s21, s3  }
0x9d: {  	[timem:s7], [sflag:s22] =	dma.local [hbm:s5], s20  }
0x9e: {  	_ =	swait.ge [sflag:s22], s20  }
0x9f: {  	s4 =	ssub.s32 $0x0, s20;
	[sflag:s22] =	ssyncset.done $0x0  }
0xa0: {  	[sflag:s22] =	ssyncadd.s32 s4;
	_ =	sdelay $0x1  }
0xa1: {  	s23 =	simm.s32 $0x1B8B  }
0xa2: {  	_ =	swait.ge [sflag:s23], $0x1  }
0xa3: {  	[sflag:s23] =	ssyncset.done $0x0  }
0xa4: {  	s25 =	simm.s32 $0x1B8E;
	s24 =	sld [smem:$0x3FFE];
	[sflag:s23] =	ssyncadd.s32 $0xFFFFFFFF  }
0xa5: {  	s26 =	simm.s32 $execute0_lowered;
	[smem:$0x3FD2] =	sst s25  }
0xa6: {  	s5 =	sshll.u32 s26, $0x1;
	_ =	strace $0x80000046;
	[dreg:$0x1] =	wrdreg $0xFFFFFFFF  }
0xa7: {  	s28 =	simm.s32 $_size_execute0_lowered;
	s3 =	sadd.s32 s3, s5;
	[dreg:$0x0] =	wrdreg $0x0  }
0xa8: {  	s5 =	sshll.u32 s28, $0x1;
	[dreg:$0x2] =	wrdreg s3  }
0xa9: {  	[dreg:$0x3] =	wrdreg s5  }
0xaa: {  	[dreg:$0x4] =	wrdreg $0xC0  }
0xab: {  	_ =	task [dreg:s7], $0x5FFFF  }
0xac: {  	[dreg:$0x1] =	wrdreg $0xFFFFFFFF  }
0xad: {  	[dreg:$0x0] =	wrdreg $0x60  }
0xae: {  	[dreg:$0x2] =	wrdreg s2  }
0xaf: {  	[dreg:$0x3] =	wrdreg s24  }
0xb0: {  	[dreg:$0x4] =	wrdreg $0x2C100  }
0xb1: {  	[dreg:$0x5] =	wrdreg $0x9  }
0xb2: {  	_ =	task.clear_ibuf [dreg:s7], $0x6FFFF;
	_ =	strace $0x90000046  }
0xb3: {  	s29 =	simm.s32 $0x9;
	_ =	strace $0x80000048  }
0xb4: {  	_ =	swait.ge [sflag:s29], $0x1  }
0xb5: {  	[sflag:s29] =	ssyncadd.s32 $0xFFFFFFFF  }
0xb6: {  	_ =	strace $0x90000048  }
0xb7: {  	_ =	sfence  }
0xb8: {  	s30 =	sld [smem:$0x0];
	_ =	sdelay $0x2  }
0xb9: {  	s31 =	sshll.u32 s1, $0xD;
	s1 =	sshrl.u32 s1, $0x2  }
0xba: {  	s3 =	sand.u32 $0x4000, s31;
	s1 =	sadd.s32 s1, s30  }
0xbb: {  	s0 =	sor.u32 s3, s0;
	s1 =	sshll.u32 s1, $0x11  }
0xbc: {  	s0 =	sor.u32 s1, s0  }
0xbd: {  	s0 =	sadd.s32 $0x8F2B, s0  }
0xbe: {  	[sflag:s0] =	ssyncadd.remote.s32 $0x1  }
0xbf: {  	_ =	sfence.sel $0xFFFF  }
0xc0: {  	[dreg:$0x0] =	wrdreg $0xFFFFFFFF;
	(pc) =	sbr.abs _section_cstart, $3  }
0xc1: {  	[dreg:$0x1] =	wrdreg $0xFFFFFFFF  }
0xc2: {  	_ =	task.clear_ibuf [dreg:s7], $0x2FFFF;
	_ =	strace $0x9FFFFFFF  }
0xc3: {  	(tm) =	ssettm $0x7FFFFFFF  }
tec
execute0_lowered:
.L_overlay_start_1:
0x0: {  	(tag) =	ssettag $0x1  }
0x1: {  	s4 =	rddreg [dreg:$0x0]  }
0x2: {  	s6 =	rddreg [dreg:$0x1]  }
0x3: {  	s1 =	rddreg [dreg:$0x2]  }
0x4: {  	s0 =	rddreg [dreg:$0x3];
	s2 =	simm.s32 $0x0  }
0x5: {  	s3 =	srdreg.scid;
	s12 =	simm.s32 $0x1;
	s13 =	simm.s32 $0x2  }
0x6: {  	s14 =	simm.s32 $0x3;
	s15 =	simm.s32 $0x4;
	s16 =	simm.s32 $0x5  }
0x7: {  	[smem:$0x7FF] =	sst s2;
	s5 =	sand.u32 $0x1, s3;
	s3 =	stileid.u32  }
0x8: {  	s11 =	sadd.s32 $0xBC40, s6;
	s7 =	smul.u32 $0x5000, s5;
	s8 =	ssub.s32 $0x2, s5  }
0x9: {  	_ =	strace $0x80000047;
	s10 =	smul.u32 $0x2800, s3;
	s5 =	sshll.u32 s5, $0x4  }
0xa: {  	s31 =	sshll.u32 s3, $0x6;
	s9 =	sshrl.u32 s8, $0x1;
	s30 =	sor.u32 s3, s5  }
0xb: {  	s5 =	sor.u32 $0x1C06, s31;
	s7 =	sadd.s32 s7, s6;
	s8 =	ssub.s32 s8, s9  }
0xc: {  	s17 =	sshrl.u32 s10, $0x3;
	s10 =	sadd.s32 s10, s1;
	s9 =	smul.u32 $0x4E2, s30  }
0xd: {  	s4 =	sadd.s32 s4, s17;
	s18 =	sadd.s32 $0x15A00, s7;
	s6 =	smax.u32 s8, $0x1  }
0xe: {  	v0 =	vimm.f32 $0.0e+00;
	vm0 =	vcmask $0x300;
	s7 =	sshrl.u32 s10, $0x3;
	s8 =	simm.s32 $0x6;
	s10 =	simm.s32 $0x50  }
0xf: {  	v0 =	vsel vm0, $0x3F800000, v0;
	s9 =	sadd.s32 s9, s11;
	s11 =	simm.s32 $0x2710;
	s17 =	sadd.s32 s17, s18  }
.LBB2_1:
0x10: {  	s18 =	simm.s32 $0x40;
	s19 =	simm.s32 $0x0  }
.LBB2_2:
0x11: {  	p0 =	sne.s32 s18, $0x13C0;
	[tilespmem:s19+$0x2710] =	vst v0;
	s19 =	smov.u32 s18;
	s18 =	sadd.s32 $0x40, s18  }
.Ltmp0:
0x12: {  	(pc) =	sbr.rel @p0 .LBB2_2-.Ltmp0, $2  }
0x13: {  	_ =	sdelay $0x2  }
0x14: {  	s19 =	sshra.s32 s19, $0x2  }
0x15: {  	[tilespmem:s19+$0x2710] =	vst v0  }
0x16: {  	[spmem:s7], [sflag:s5] =	dma.local [hbm:s4], $0x500  }
0x17: {  	_ =	swait.ge [sflag:s8], $0x500  }
0x18: {  	[sflag:s8] =	ssyncset.done $0x0  }
0x19: {  	s18 =	simm.s32 $0x0;
	[sflag:s8] =	ssyncadd.s32 $0xFFFFFB00  }
0x1a: {  	[tilespmem:s18], [sflag:$0x6] =	stream.linear.gather [hbm4b:s9+s18], $0x2710, $0x38;
	[tilespmem:$0x5410] =	vst v63  }
0x1b: {  	_ =	swait.ge [sflag:s8], $0x2710  }
0x1c: {  	[sflag:s8] =	ssyncset.done $0x0  }
0x1d: {  	[sflag:s8] =	ssyncadd.s32 $0xFFFFD8F0  }
0x1e: {  	s26 =	simm.s32 $0x0;
	[bflag:$0x0] =	sbarrier.arrive $0xFFFF  }
0x1f: {  	[spmem:s1] =	stream.indirect.scatter.add.f32 [tilespmem:s11], [sflag:$0x1], $0x10, s26, s10, $0xb8;
	[tilespmem:$0x5410] =	vst v63  }
0x20: {  	s28 =	simm.s32 $0x50  }
0x21: {  	[spmem:s1] =	stream.indirect.scatter.add.f32 [tilespmem:s11], [sflag:$0x2], $0x10, s28, s10, $0xb8;
	[tilespmem:$0x5410] =	vst v63  }
0x22: {  	s29 =	simm.s32 $0xA0  }
0x23: {  	[spmem:s1] =	stream.indirect.scatter.add.f32 [tilespmem:s11], [sflag:$0x3], $0x10, s29, s10, $0xb8;
	[tilespmem:$0x5410] =	vst v63  }
0x24: {  	s30 =	simm.s32 $0xF0  }
0x25: {  	[spmem:s1] =	stream.indirect.scatter.add.f32 [tilespmem:s11], [sflag:$0x4], $0x10, s30, s10, $0xb8;
	[tilespmem:$0x5410] =	vst v63  }
0x26: {  	s31 =	simm.s32 $0x140  }
0x27: {  	[spmem:s1] =	stream.indirect.scatter.add.f32 [tilespmem:s11], [sflag:$0x5], $0x10, s31, s10, $0xb8;
	[tilespmem:$0x5410] =	vst v63  }
0x28: {  	_ =	swait.ge [sflag:s12], $0x500  }
0x29: {  	[sflag:s12] =	ssyncset.done $0x0  }
0x2a: {  	[sflag:s12] =	ssyncadd.s32 $0xFFFFFB00  }
0x2b: {  	_ =	swait.ge [sflag:s13], $0x500  }
0x2c: {  	[sflag:s13] =	ssyncset.done $0x0  }
0x2d: {  	[sflag:s13] =	ssyncadd.s32 $0xFFFFFB00  }
0x2e: {  	_ =	swait.ge [sflag:s14], $0x500  }
0x2f: {  	[sflag:s14] =	ssyncset.done $0x0  }
0x30: {  	[sflag:s14] =	ssyncadd.s32 $0xFFFFFB00  }
0x31: {  	_ =	swait.ge [sflag:s15], $0x500  }
0x32: {  	[sflag:s15] =	ssyncset.done $0x0  }
0x33: {  	[sflag:s15] =	ssyncadd.s32 $0xFFFFFB00  }
0x34: {  	_ =	swait.ge [sflag:s16], $0x500  }
0x35: {  	s19 =	simm.s32 $0xC80;
	s18 =	simm.s32 $0x640;
	[sflag:s16] =	ssyncset.done $0x0  }
.LBB2_4:
0x36: {  	s20 =	sshra.s32 s18, $0x2  }
0x37: {  	[sflag:s16] =	ssyncadd.s32 $0xFFFFFB00;
	s18 =	smov.u32 s19;
	s21 =	sadd.s32 $0x640, s19  }
0x38: {  	[spmem:s1] =	stream.indirect.scatter.add.f32 [tilespmem:s11], [sflag:$0x1], $0x10, s20, s10, $0xb8;
	[tilespmem:$0x5410] =	vst v63  }
0x39: {  	p0 =	sne.s32 s19, $0x9600;
	s19 =	sadd.s32 $0x50, s20  }
0x3a: {  	[spmem:s1] =	stream.indirect.scatter.add.f32 [tilespmem:s11], [sflag:$0x2], $0x10, s19, s10, $0xb8;
	[tilespmem:$0x5410] =	vst v63  }
0x3b: {  	s19 =	sadd.s32 $0xA0, s20  }
0x3c: {  	[spmem:s1] =	stream.indirect.scatter.add.f32 [tilespmem:s11], [sflag:$0x3], $0x10, s19, s10, $0xb8;
	[tilespmem:$0x5410] =	vst v63  }
0x3d: {  	s19 =	sadd.s32 $0xF0, s20  }
0x3e: {  	[spmem:s1] =	stream.indirect.scatter.add.f32 [tilespmem:s11], [sflag:$0x4], $0x10, s19, s10, $0xb8;
	[tilespmem:$0x5410] =	vst v63  }
0x3f: {  	s19 =	sadd.s32 $0x140, s20  }
0x40: {  	[spmem:s1] =	stream.indirect.scatter.add.f32 [tilespmem:s11], [sflag:$0x5], $0x10, s19, s10, $0xb8;
	[tilespmem:$0x5410] =	vst v63  }
0x41: {  	_ =	swait.ge [sflag:s12], $0x500  }
0x42: {  	[sflag:s12] =	ssyncset.done $0x0  }
0x43: {  	[sflag:s12] =	ssyncadd.s32 $0xFFFFFB00  }
0x44: {  	_ =	swait.ge [sflag:s13], $0x500  }
0x45: {  	[sflag:s13] =	ssyncset.done $0x0  }
0x46: {  	[sflag:s13] =	ssyncadd.s32 $0xFFFFFB00  }
0x47: {  	_ =	swait.ge [sflag:s14], $0x500  }
0x48: {  	[sflag:s14] =	ssyncset.done $0x0  }
0x49: {  	[sflag:s14] =	ssyncadd.s32 $0xFFFFFB00  }
.Ltmp1:
0x4a: {  	_ =	swait.ge [sflag:s15], $0x500;
	(pc) =	sbr.rel @p0 .LBB2_4-.Ltmp1, $4  }
0x4b: {  	[sflag:s15] =	ssyncset.done $0x0  }
0x4c: {  	[sflag:s15] =	ssyncadd.s32 $0xFFFFFB00  }
0x4d: {  	_ =	swait.ge [sflag:s16], $0x500  }
0x4e: {  	s19 =	smov.u32 s21;
	[sflag:s16] =	ssyncset.done $0x0  }
0x4f: {  	s18 =	sshra.s32 s18, $0x2;
	[sflag:s16] =	ssyncadd.s32 $0xFFFFFB00  }
0x50: {  	[spmem:s1] =	stream.indirect.scatter.add.f32 [tilespmem:s11], [sflag:$0x1], $0x10, s18, s10, $0xb8;
	[tilespmem:$0x5410] =	vst v63  }
0x51: {  	s19 =	sadd.s32 $0x50, s18  }
0x52: {  	[spmem:s1] =	stream.indirect.scatter.add.f32 [tilespmem:s11], [sflag:$0x2], $0x10, s19, s10, $0xb8;
	[tilespmem:$0x5410] =	vst v63  }
0x53: {  	s30 =	sadd.s32 $0xA0, s18  }
0x54: {  	[spmem:s1] =	stream.indirect.scatter.add.f32 [tilespmem:s11], [sflag:$0x3], $0x10, s30, s10, $0xb8;
	[tilespmem:$0x5410] =	vst v63  }
0x55: {  	s31 =	sadd.s32 $0xF0, s18  }
0x56: {  	[spmem:s1] =	stream.indirect.scatter.add.f32 [tilespmem:s11], [sflag:$0x4], $0x10, s31, s10, $0xb8;
	[tilespmem:$0x5410] =	vst v63  }
0x57: {  	s18 =	sadd.s32 $0x140, s18  }
0x58: {  	[spmem:s1] =	stream.indirect.scatter.add.f32 [tilespmem:s11], [sflag:$0x5], $0x10, s18, s10, $0xb8;
	[tilespmem:$0x5410] =	vst v63  }
0x59: {  	_ =	swait.ge [sflag:s12], $0x500  }
0x5a: {  	[sflag:s12] =	ssyncset.done $0x0  }
0x5b: {  	[sflag:s12] =	ssyncadd.s32 $0xFFFFFB00  }
0x5c: {  	_ =	swait.ge [sflag:s13], $0x500  }
0x5d: {  	[sflag:s13] =	ssyncset.done $0x0  }
0x5e: {  	[sflag:s13] =	ssyncadd.s32 $0xFFFFFB00  }
0x5f: {  	_ =	swait.ge [sflag:s14], $0x500  }
0x60: {  	[sflag:s14] =	ssyncset.done $0x0  }
0x61: {  	[sflag:s14] =	ssyncadd.s32 $0xFFFFFB00  }
0x62: {  	_ =	swait.ge [sflag:s15], $0x500  }
0x63: {  	[sflag:s15] =	ssyncset.done $0x0  }
0x64: {  	[sflag:s15] =	ssyncadd.s32 $0xFFFFFB00  }
0x65: {  	_ =	swait.ge [sflag:s16], $0x500  }
0x66: {  	s2 =	sadd.s32 $0x1, s2;
	[sflag:s16] =	ssyncset.done $0x0  }
0x67: {  	p0 =	sne.s32 s2, s6;
	[sflag:s16] =	ssyncadd.s32 $0xFFFFFB00  }
.Ltmp2:
0x68: {  	[bflag:$0x0] =	sbarrier.arrive $0xFFFF;
	(pc) =	sbr.rel @p0 .LBB2_1-.Ltmp2, $4  }
0x69: {  	[hbm:s17], [sflag:s5] =	dma.local [spmem:s7], $0x500  }
0x6a: {  	_ =	swait.ge [sflag:s8], $0x500  }
0x6b: {  	[sflag:s8] =	ssyncset.done $0x0  }
0x6c: {  	[sflag:s8] =	ssyncadd.s32 $0xFFFFFB00  }
0x6d: {  	_ =	sfence.sel $0x180000  }
0x6e: {  	[bflag:$0x0] =	sbarrier.arrive $0xFFFF  }
0x6f: {  	p0 =	sne.s32 s3, $0x0;
	_ =	strace $0x90000047  }
0x70: {  	s0 =	sadd.s32 @!p0 $0x100000, s0;
	[bflag:$0x2] =	sbarrier.arrive $0xFFFF  }
0x71: {  	[sflag:s0] =	ssyncadd.tile.s32 @!p0 $0x1;
	_ =	shalt  }
.Lfunc_end2:
_tile_overlayer_lowered:
.L_overlay_start_2:
0x72: {  	(tag) =	ssettag $0x2  }
0x73: {  	s0 =	rddreg [dreg:$0x0];
	s2 =	stileid.u32  }
0x74: {  	s1 =	rddreg [dreg:$0x1];
	p0 =	sne.s32 s2, $0x0  }
0x75: {  	s3 =	rddreg [dreg:$0x2];
	[bflag:$0x3] =	sbarrier.arrive $0xFFFF;
	s2 =	simm.s32 @!p0 $0x1C06  }
0x76: {  	[timem:s3], [sflag:s2] =	dma.local @!p0 [hbm:s0], s1  }
0x77: {  	s0 =	simm.s32 @!p0 $0x6  }
0x78: {  	_ =	swait.ge @!p0 [sflag:s0], s1  }
0x79: {  	s1 =	ssub.s32 @!p0 $0x0, s1;
	[sflag:s0] =	ssyncset.done @!p0 $0x0  }
0x7a: {  	[sflag:s0] =	ssyncadd.s32 @!p0 s1  }
0x7b: {  	[bflag:$0x3] =	sbarrier.arrive $0xFFFF  }
0x7c: {  	_ =	shalt  }

</sc_bundles>
